<compile_context>
chip_gen: v7x
topology: tpu7x:2x2x1
jax: 0.10.2.dev20260603
libtpu: 0.0.44.dev20260713+nightly
codegen_flags: <defaults>
</compile_context>

<pallas_src>
import functools

import jax
import jax.numpy as jnp
from jax import lax
from jax.experimental import pallas as pl
from jax.experimental.pallas import tpu as pltpu
from jax.experimental.pallas import tpu_sc as plsc

NC = 2
NS = 16
L = 16
NW = NC * NS
B = 16384
D = 128
BPW = B // NW
CH = 64
NCHUNK = BPW // CH
GROUPS = CH // L


def _nsqrt(x):
    i = plsc.bitcast(x, jnp.int32)
    i = jnp.int32(0x1FBD1DF5) + lax.shift_right_logical(i, jnp.int32(1))
    y = plsc.bitcast(i, jnp.float32)
    for _ in range(3):
        y = 0.5 * (y + x / y)
    return y


@functools.partial(
    pl.kernel,
    out_type=jax.ShapeDtypeStruct((B,), jnp.float32),
    mesh=plsc.VectorSubcoreMesh(
        core_axis_name="c", subcore_axis_name="s", num_cores=NC, num_subcores=NS
    ),
    compiler_params=pltpu.CompilerParams(needs_layout_passes=False),
    scratch_types=[
        pltpu.VMEM((BPW,), jnp.int32),
        pltpu.VMEM((BPW,), jnp.int32),
        pltpu.VMEM((BPW,), jnp.int32),
        [pltpu.VMEM((CH, D), jnp.float32) for _ in range(3)],
        [pltpu.VMEM((CH, D), jnp.float32) for _ in range(3)],
        [pltpu.VMEM((CH, D), jnp.float32) for _ in range(3)],
        pltpu.VMEM((CH,), jnp.float32),
        [pltpu.SemaphoreType.DMA for _ in range(3)],
        pltpu.SemaphoreType.DMA,
    ],
)
def _sc_score(
    hs_hbm, rs_hbm, ts_hbm, ent_hbm, rel_hbm, out_hbm,
    hv, rv, tv, bhs, brs, bts, outc, sems, isem,
):
    c = lax.axis_index("c")
    s = lax.axis_index("s")
    wid = s * NC + c
    base = wid * BPW
    lane = lax.iota(jnp.int32, L)

    ih = pltpu.async_copy(hs_hbm.at[pl.ds(base, BPW)], hv, isem)
    ir = pltpu.async_copy(rs_hbm.at[pl.ds(base, BPW)], rv, isem)
    it = pltpu.async_copy(ts_hbm.at[pl.ds(base, BPW)], tv, isem)
    ih.wait()
    ir.wait()
    it.wait()

    def fire_rows(ch):
        b = ch % 3
        sl = pl.ds(ch * CH, CH)
        return (
            pltpu.async_copy(ent_hbm.at[hv.at[sl]], bhs[b], sems[b]),
            pltpu.async_copy(rel_hbm.at[rv.at[sl]], brs[b], sems[b]),
            pltpu.async_copy(ent_hbm.at[tv.at[sl]], bts[b], sems[b]),
        )

    pend = {0: fire_rows(0)}
    if NCHUNK > 1:
        pend[1] = fire_rows(1)
    for ch in range(NCHUNK):
        for cp in pend[ch]:
            cp.wait()
        if ch + 2 < NCHUNK:
            pend[ch + 2] = fire_rows(ch + 2)
        b = ch % 3
        bh, br, bt = bhs[b], brs[b], bts[b]

        def item2(i2, carry, bh=bh, br=br, bt=bt):
            for u in range(2):
                i = i2 * 2 + u
                acc = jnp.zeros((L,), jnp.float32)
                for j in range(D // L):
                    h = bh[i, pl.ds(j * L, L)]
                    r = br[i, pl.ds(j * L, L)]
                    t = bt[i, pl.ds(j * L, L)]
                    d = (h + r) - t
                    acc = acc + d * d
                bh[i, pl.ds(0, L)] = acc
            return carry

        pass

        def group(g, carry, bh=bh):
            rows = g * L + lane
            tot = jnp.zeros((L,), jnp.float32)
            for j in range(L):
                col = jnp.full((L,), j, jnp.int32)
                tot = tot + plsc.load_gather(bh, [rows, col])
            score = -_nsqrt(tot)
            plsc.store_scatter(outc, [g * L + lane], score)
            return carry

        lax.fori_loop(0, GROUPS, group, 0)
        pltpu.sync_copy(outc, out_hbm.at[pl.ds(base + ch * CH, CH)])


def kernel(batch, ent_embs, rel_embs):
    b32 = batch.astype(jnp.int32)
    scores = _sc_score(b32[:, 0], b32[:, 1], b32[:, 2], ent_embs, rel_embs)
    return scores.reshape(-1, 1)

# --- scband reference (transcript-rebuilt; emitter-appended) ---
"""Pipeline reference for scband-trans-e-57337813402068 (READ-ONLY COPY).

The authoritative reference and input builder live on the scoring server;
editing this copy changes nothing except your own understanding.
"""

import jax, jax.numpy as jnp
import numpy as np

NUM_ENT = 1000000
NUM_REL = 1000
EMB_DIM = 128
BATCH = 16384

def _xavier_uniform(key, shape):
    fan_in, fan_out = shape[0], shape[1]
    limit = float(np.sqrt(6.0 / (fan_in + fan_out)))
    return jax.random.uniform(key, shape, dtype=jnp.float32, minval=-limit, maxval=limit)

def setup_inputs(seed: int = 0) -> dict:
    key = jax.random.key(seed)
    k1, k2, k3 = jax.random.split(key, 3)
    batch = jax.random.randint(k1, (BATCH, 3), 0, NUM_REL, dtype=jnp.int64)
    ent_embs = _xavier_uniform(k2, (NUM_ENT, EMB_DIM))
    rel_embs = _xavier_uniform(k3, (NUM_REL, EMB_DIM))
    return {"batch": batch, "ent_embs": ent_embs, "rel_embs": rel_embs}

def reference(batch, ent_embs, rel_embs):
    hs = batch[:, 0]
    rs = batch[:, 1]
    ts = batch[:, 2]
    e_hs = jnp.take(ent_embs, hs, axis=0)
    e_rs = jnp.take(rel_embs, rs, axis=0)
    e_ts = jnp.take(ent_embs, ts, axis=0)
    diff = e_hs + e_rs - e_ts
    score = jnp.sqrt(jnp.sum(diff ** 2, axis=1))
    return (-score).reshape(-1, 1)

if __name__ == "__main__":
    import jax
    _d = setup_inputs()
    print(jax.jit(kernel)(*tuple(_d.values())))

</pallas_src>

<mosaic_0001>
#map = affine_map<(d0, d1) -> (0)>
#map1 = affine_map<(d0, d1) -> (0, 0)>
module attributes {stable_mosaic.version = 14 : i64} {
  func.func @_sc_score(%arg0: i32, %arg1: i32, %arg2: memref<16384xi32, #tpu.memory_space<hbm>>, %arg3: memref<16384xi32, #tpu.memory_space<hbm>>, %arg4: memref<16384xi32, #tpu.memory_space<hbm>>, %arg5: memref<1000000x128xf32, #tpu.memory_space<hbm>>, %arg6: memref<1000x128xf32, #tpu.memory_space<hbm>>, %arg7: memref<16384xf32, #tpu.memory_space<hbm>>, %arg8: memref<512xi32, #tpu.memory_space<vmem>>, %arg9: memref<512xi32, #tpu.memory_space<vmem>>, %arg10: memref<512xi32, #tpu.memory_space<vmem>>, %arg11: memref<64x128xf32, #tpu.memory_space<vmem>>, %arg12: memref<64x128xf32, #tpu.memory_space<vmem>>, %arg13: memref<64x128xf32, #tpu.memory_space<vmem>>, %arg14: memref<64x128xf32, #tpu.memory_space<vmem>>, %arg15: memref<64x128xf32, #tpu.memory_space<vmem>>, %arg16: memref<64x128xf32, #tpu.memory_space<vmem>>, %arg17: memref<64x128xf32, #tpu.memory_space<vmem>>, %arg18: memref<64x128xf32, #tpu.memory_space<vmem>>, %arg19: memref<64x128xf32, #tpu.memory_space<vmem>>, %arg20: memref<64xf32, #tpu.memory_space<vmem>>, %arg21: memref<!tpu.dma_semaphore, #tpu.memory_space<semaphore_mem>>, %arg22: memref<!tpu.dma_semaphore, #tpu.memory_space<semaphore_mem>>, %arg23: memref<!tpu.dma_semaphore, #tpu.memory_space<semaphore_mem>>, %arg24: memref<!tpu.dma_semaphore, #tpu.memory_space<semaphore_mem>>) attributes {dimension_semantics = [#tpu.dimension_semantics<core_parallel>, #tpu.dimension_semantics<subcore_parallel>], iteration_bounds = array<i64: 2, 16>, scalar_prefetch = 0 : i64, scratch_operands = 17 : i64, tpu.core_type = #tpu.core_type<sc_vector_subcore>, window_params = [{transform_indices = #map}, {transform_indices = #map}, {transform_indices = #map}, {transform_indices = #map1}, {transform_indices = #map1}, {transform_indices = #map}]} {
    %mul3A = arith.constant 2 : i32
    %mul3A_0 = arith.muli %arg1, %mul3A : i32
    %add3A = arith.addi %mul3A_0, %arg0 : i32
    %mul3A_1 = arith.constant 512 : i32
    %mul3A_2 = arith.muli %add3A, %mul3A_1 : i32
    %iota3A = tpu.iota {dimensions = array<i32: 0>} : vector<16xi32>
    %dma_start3A = tpu.memref_slice %arg2[%mul3A_2] : memref<16384xi32, #tpu.memory_space<hbm>> -> memref<512xi32, #tpu.memory_space<hbm>>
    %dma_start3A_3 = tpu.memref_slice %arg2[%mul3A_2] : memref<16384xi32, #tpu.memory_space<hbm>> -> memref<512xi32, #tpu.memory_space<hbm>>
    tpu.enqueue_dma source(%dma_start3A_3 : memref<512xi32, #tpu.memory_space<hbm>>) target(%arg8 : memref<512xi32, #tpu.memory_space<vmem>>) target_semaphore(%arg24 : memref<!tpu.dma_semaphore, #tpu.memory_space<semaphore_mem>>)
    %dma_start3A_4 = tpu.memref_slice %arg3[%mul3A_2] : memref<16384xi32, #tpu.memory_space<hbm>> -> memref<512xi32, #tpu.memory_space<hbm>>
    %dma_start3A_5 = tpu.memref_slice %arg3[%mul3A_2] : memref<16384xi32, #tpu.memory_space<hbm>> -> memref<512xi32, #tpu.memory_space<hbm>>
    tpu.enqueue_dma source(%dma_start3A_5 : memref<512xi32, #tpu.memory_space<hbm>>) target(%arg9 : memref<512xi32, #tpu.memory_space<vmem>>) target_semaphore(%arg24 : memref<!tpu.dma_semaphore, #tpu.memory_space<semaphore_mem>>)
    %dma_start3A_6 = tpu.memref_slice %arg4[%mul3A_2] : memref<16384xi32, #tpu.memory_space<hbm>> -> memref<512xi32, #tpu.memory_space<hbm>>
    %dma_start3A_7 = tpu.memref_slice %arg4[%mul3A_2] : memref<16384xi32, #tpu.memory_space<hbm>> -> memref<512xi32, #tpu.memory_space<hbm>>
    tpu.enqueue_dma source(%dma_start3A_7 : memref<512xi32, #tpu.memory_space<hbm>>) target(%arg10 : memref<512xi32, #tpu.memory_space<vmem>>) target_semaphore(%arg24 : memref<!tpu.dma_semaphore, #tpu.memory_space<semaphore_mem>>)
    %dma_wait3A = tpu.memref_slice %arg2[%mul3A_2] : memref<16384xi32, #tpu.memory_space<hbm>> -> memref<512xi32, #tpu.memory_space<hbm>>
    %dma_wait3A_8 = tpu.memref_slice %arg2[%mul3A_2] : memref<16384xi32, #tpu.memory_space<hbm>> -> memref<512xi32, #tpu.memory_space<hbm>>
    tpu.wait_dma2 semaphore(%arg24 : memref<!tpu.dma_semaphore, #tpu.memory_space<semaphore_mem>>) src(%dma_wait3A_8 : memref<512xi32, #tpu.memory_space<hbm>>) dst(%arg8 : memref<512xi32, #tpu.memory_space<vmem>>)
    %dma_wait3A_9 = tpu.memref_slice %arg3[%mul3A_2] : memref<16384xi32, #tpu.memory_space<hbm>> -> memref<512xi32, #tpu.memory_space<hbm>>
    %dma_wait3A_10 = tpu.memref_slice %arg3[%mul3A_2] : memref<16384xi32, #tpu.memory_space<hbm>> -> memref<512xi32, #tpu.memory_space<hbm>>
    tpu.wait_dma2 semaphore(%arg24 : memref<!tpu.dma_semaphore, #tpu.memory_space<semaphore_mem>>) src(%dma_wait3A_10 : memref<512xi32, #tpu.memory_space<hbm>>) dst(%arg9 : memref<512xi32, #tpu.memory_space<vmem>>)
    %dma_wait3A_11 = tpu.memref_slice %arg4[%mul3A_2] : memref<16384xi32, #tpu.memory_space<hbm>> -> memref<512xi32, #tpu.memory_space<hbm>>
    %dma_wait3A_12 = tpu.memref_slice %arg4[%mul3A_2] : memref<16384xi32, #tpu.memory_space<hbm>> -> memref<512xi32, #tpu.memory_space<hbm>>
    tpu.wait_dma2 semaphore(%arg24 : memref<!tpu.dma_semaphore, #tpu.memory_space<semaphore_mem>>) src(%dma_wait3A_12 : memref<512xi32, #tpu.memory_space<hbm>>) dst(%arg10 : memref<512xi32, #tpu.memory_space<vmem>>)
    %dma_start3A_13 = arith.constant 0 : i32
    %dma_start3A_14 = tpu.memref_slice %arg8[%dma_start3A_13] : memref<512xi32, #tpu.memory_space<vmem>> -> memref<64xi32, #tpu.memory_space<vmem>>
    %dma_start3A_15 = arith.constant 0 : i32
    %dma_start3A_16 = arith.constant 0 : i32
    %dma_start3A_17 = tpu.memref_slice %arg5[%dma_start3A_15, %dma_start3A_16] : memref<1000000x128xf32, #tpu.memory_space<hbm>> -> memref<1000000x128xf32, #tpu.memory_space<hbm>>
    tpu.enqueue_indirect_dma source(%dma_start3A_17 : memref<1000000x128xf32, #tpu.memory_space<hbm>>) target(%arg11 : memref<64x128xf32, #tpu.memory_space<vmem>>) offsets(%dma_start3A_14 : memref<64xi32, #tpu.memory_space<vmem>>) semaphore(%arg21 : memref<!tpu.dma_semaphore, #tpu.memory_space<semaphore_mem>>)
    %dma_start3A_18 = arith.constant 0 : i32
    %dma_start3A_19 = tpu.memref_slice %arg9[%dma_start3A_18] : memref<512xi32, #tpu.memory_space<vmem>> -> memref<64xi32, #tpu.memory_space<vmem>>
    %dma_start3A_20 = arith.constant 0 : i32
    %dma_start3A_21 = arith.constant 0 : i32
    %dma_start3A_22 = tpu.memref_slice %arg6[%dma_start3A_20, %dma_start3A_21] : memref<1000x128xf32, #tpu.memory_space<hbm>> -> memref<1000x128xf32, #tpu.memory_space<hbm>>
    tpu.enqueue_indirect_dma source(%dma_start3A_22 : memref<1000x128xf32, #tpu.memory_space<hbm>>) target(%arg14 : memref<64x128xf32, #tpu.memory_space<vmem>>) offsets(%dma_start3A_19 : memref<64xi32, #tpu.memory_space<vmem>>) semaphore(%arg21 : memref<!tpu.dma_semaphore, #tpu.memory_space<semaphore_mem>>)
    %dma_start3A_23 = arith.constant 0 : i32
    %dma_start3A_24 = tpu.memref_slice %arg10[%dma_start3A_23] : memref<512xi32, #tpu.memory_space<vmem>> -> memref<64xi32, #tpu.memory_space<vmem>>
    %dma_start3A_25 = arith.constant 0 : i32
    %dma_start3A_26 = arith.constant 0 : i32
    %dma_start3A_27 = tpu.memref_slice %arg5[%dma_start3A_25, %dma_start3A_26] : memref<1000000x128xf32, #tpu.memory_space<hbm>> -> memref<1000000x128xf32, #tpu.memory_space<hbm>>
    tpu.enqueue_indirect_dma source(%dma_start3A_27 : memref<1000000x128xf32, #tpu.memory_space<hbm>>) target(%arg17 : memref<64x128xf32, #tpu.memory_space<vmem>>) offsets(%dma_start3A_24 : memref<64xi32, #tpu.memory_space<vmem>>) semaphore(%arg21 : memref<!tpu.dma_semaphore, #tpu.memory_space<semaphore_mem>>)
    %dma_start3A_28 = arith.constant 64 : i32
    %dma_start3A_29 = tpu.memref_slice %arg8[%dma_start3A_28] : memref<512xi32, #tpu.memory_space<vmem>> -> memref<64xi32, #tpu.memory_space<vmem>>
    %dma_start3A_30 = arith.constant 0 : i32
    %dma_start3A_31 = arith.constant 0 : i32
    %dma_start3A_32 = tpu.memref_slice %arg5[%dma_start3A_30, %dma_start3A_31] : memref<1000000x128xf32, #tpu.memory_space<hbm>> -> memref<1000000x128xf32, #tpu.memory_space<hbm>>
    tpu.enqueue_indirect_dma source(%dma_start3A_32 : memref<1000000x128xf32, #tpu.memory_space<hbm>>) target(%arg12 : memref<64x128xf32, #tpu.memory_space<vmem>>) offsets(%dma_start3A_29 : memref<64xi32, #tpu.memory_space<vmem>>) semaphore(%arg22 : memref<!tpu.dma_semaphore, #tpu.memory_space<semaphore_mem>>)
    %dma_start3A_33 = arith.constant 64 : i32
    %dma_start3A_34 = tpu.memref_slice %arg9[%dma_start3A_33] : memref<512xi32, #tpu.memory_space<vmem>> -> memref<64xi32, #tpu.memory_space<vmem>>
    %dma_start3A_35 = arith.constant 0 : i32
    %dma_start3A_36 = arith.constant 0 : i32
    %dma_start3A_37 = tpu.memref_slice %arg6[%dma_start3A_35, %dma_start3A_36] : memref<1000x128xf32, #tpu.memory_space<hbm>> -> memref<1000x128xf32, #tpu.memory_space<hbm>>
    tpu.enqueue_indirect_dma source(%dma_start3A_37 : memref<1000x128xf32, #tpu.memory_space<hbm>>) target(%arg15 : memref<64x128xf32, #tpu.memory_space<vmem>>) offsets(%dma_start3A_34 : memref<64xi32, #tpu.memory_space<vmem>>) semaphore(%arg22 : memref<!tpu.dma_semaphore, #tpu.memory_space<semaphore_mem>>)
    %dma_start3A_38 = arith.constant 64 : i32
    %dma_start3A_39 = tpu.memref_slice %arg10[%dma_start3A_38] : memref<512xi32, #tpu.memory_space<vmem>> -> memref<64xi32, #tpu.memory_space<vmem>>
    %dma_start3A_40 = arith.constant 0 : i32
    %dma_start3A_41 = arith.constant 0 : i32
    %dma_start3A_42 = tpu.memref_slice %arg5[%dma_start3A_40, %dma_start3A_41] : memref<1000000x128xf32, #tpu.memory_space<hbm>> -> memref<1000000x128xf32, #tpu.memory_space<hbm>>
    tpu.enqueue_indirect_dma source(%dma_start3A_42 : memref<1000000x128xf32, #tpu.memory_space<hbm>>) target(%arg18 : memref<64x128xf32, #tpu.memory_space<vmem>>) offsets(%dma_start3A_39 : memref<64xi32, #tpu.memory_space<vmem>>) semaphore(%arg22 : memref<!tpu.dma_semaphore, #tpu.memory_space<semaphore_mem>>)
    %dma_wait3A_43 = arith.constant 0 : i32
    %dma_wait3A_44 = tpu.memref_slice %arg8[%dma_wait3A_43] : memref<512xi32, #tpu.memory_space<vmem>> -> memref<64xi32, #tpu.memory_space<vmem>>
    %dma_wait3A_45 = arith.constant 0 : i32
    %dma_wait3A_46 = arith.constant 0 : i32
    %dma_wait3A_47 = tpu.memref_slice %arg5[%dma_wait3A_45, %dma_wait3A_46] : memref<1000000x128xf32, #tpu.memory_space<hbm>> -> memref<1000000x128xf32, #tpu.memory_space<hbm>>
    tpu.wait_indirect_dma semaphore(%arg21 : memref<!tpu.dma_semaphore, #tpu.memory_space<semaphore_mem>>) src(%dma_wait3A_47 : memref<1000000x128xf32, #tpu.memory_space<hbm>>) dst(%arg11 : memref<64x128xf32, #tpu.memory_space<vmem>>)
    %dma_wait3A_48 = arith.constant 0 : i32
    %dma_wait3A_49 = tpu.memref_slice %arg9[%dma_wait3A_48] : memref<512xi32, #tpu.memory_space<vmem>> -> memref<64xi32, #tpu.memory_space<vmem>>
    %dma_wait3A_50 = arith.constant 0 : i32
    %dma_wait3A_51 = arith.constant 0 : i32
    %dma_wait3A_52 = tpu.memref_slice %arg6[%dma_wait3A_50, %dma_wait3A_51] : memref<1000x128xf32, #tpu.memory_space<hbm>> -> memref<1000x128xf32, #tpu.memory_space<hbm>>
    tpu.wait_indirect_dma semaphore(%arg21 : memref<!tpu.dma_semaphore, #tpu.memory_space<semaphore_mem>>) src(%dma_wait3A_52 : memref<1000x128xf32, #tpu.memory_space<hbm>>) dst(%arg14 : memref<64x128xf32, #tpu.memory_space<vmem>>)
    %dma_wait3A_53 = arith.constant 0 : i32
    %dma_wait3A_54 = tpu.memref_slice %arg10[%dma_wait3A_53] : memref<512xi32, #tpu.memory_space<vmem>> -> memref<64xi32, #tpu.memory_space<vmem>>
    %dma_wait3A_55 = arith.constant 0 : i32
    %dma_wait3A_56 = arith.constant 0 : i32
    %dma_wait3A_57 = tpu.memref_slice %arg5[%dma_wait3A_55, %dma_wait3A_56] : memref<1000000x128xf32, #tpu.memory_space<hbm>> -> memref<1000000x128xf32, #tpu.memory_space<hbm>>
    tpu.wait_indirect_dma semaphore(%arg21 : memref<!tpu.dma_semaphore, #tpu.memory_space<semaphore_mem>>) src(%dma_wait3A_57 : memref<1000000x128xf32, #tpu.memory_space<hbm>>) dst(%arg17 : memref<64x128xf32, #tpu.memory_space<vmem>>)
    %dma_start3A_58 = arith.constant 128 : i32
    %dma_start3A_59 = tpu.memref_slice %arg8[%dma_start3A_58] : memref<512xi32, #tpu.memory_space<vmem>> -> memref<64xi32, #tpu.memory_space<vmem>>
    %dma_start3A_60 = arith.constant 0 : i32
    %dma_start3A_61 = arith.constant 0 : i32
    %dma_start3A_62 = tpu.memref_slice %arg5[%dma_start3A_60, %dma_start3A_61] : memref<1000000x128xf32, #tpu.memory_space<hbm>> -> memref<1000000x128xf32, #tpu.memory_space<hbm>>
    tpu.enqueue_indirect_dma source(%dma_start3A_62 : memref<1000000x128xf32, #tpu.memory_space<hbm>>) target(%arg13 : memref<64x128xf32, #tpu.memory_space<vmem>>) offsets(%dma_start3A_59 : memref<64xi32, #tpu.memory_space<vmem>>) semaphore(%arg23 : memref<!tpu.dma_semaphore, #tpu.memory_space<semaphore_mem>>)
    %dma_start3A_63 = arith.constant 128 : i32
    %dma_start3A_64 = tpu.memref_slice %arg9[%dma_start3A_63] : memref<512xi32, #tpu.memory_space<vmem>> -> memref<64xi32, #tpu.memory_space<vmem>>
    %dma_start3A_65 = arith.constant 0 : i32
    %dma_start3A_66 = arith.constant 0 : i32
    %dma_start3A_67 = tpu.memref_slice %arg6[%dma_start3A_65, %dma_start3A_66] : memref<1000x128xf32, #tpu.memory_space<hbm>> -> memref<1000x128xf32, #tpu.memory_space<hbm>>
    tpu.enqueue_indirect_dma source(%dma_start3A_67 : memref<1000x128xf32, #tpu.memory_space<hbm>>) target(%arg16 : memref<64x128xf32, #tpu.memory_space<vmem>>) offsets(%dma_start3A_64 : memref<64xi32, #tpu.memory_space<vmem>>) semaphore(%arg23 : memref<!tpu.dma_semaphore, #tpu.memory_space<semaphore_mem>>)
    %dma_start3A_68 = arith.constant 128 : i32
    %dma_start3A_69 = tpu.memref_slice %arg10[%dma_start3A_68] : memref<512xi32, #tpu.memory_space<vmem>> -> memref<64xi32, #tpu.memory_space<vmem>>
    %dma_start3A_70 = arith.constant 0 : i32
    %dma_start3A_71 = arith.constant 0 : i32
    %dma_start3A_72 = tpu.memref_slice %arg5[%dma_start3A_70, %dma_start3A_71] : memref<1000000x128xf32, #tpu.memory_space<hbm>> -> memref<1000000x128xf32, #tpu.memory_space<hbm>>
    tpu.enqueue_indirect_dma source(%dma_start3A_72 : memref<1000000x128xf32, #tpu.memory_space<hbm>>) target(%arg19 : memref<64x128xf32, #tpu.memory_space<vmem>>) offsets(%dma_start3A_69 : memref<64xi32, #tpu.memory_space<vmem>>) semaphore(%arg23 : memref<!tpu.dma_semaphore, #tpu.memory_space<semaphore_mem>>)
    %scan3A = arith.constant 0 : i32
    %scan3A_73 = arith.constant 0 : i32
    %scan3A_74 = arith.constant 4 : i32
    %scan3A_75 = arith.addi %scan3A_73, %scan3A_74 : i32
    %scan3A_76 = arith.constant 1 : i32
    scf.for %scan3A_316 = %scan3A_73 to %scan3A_75 step %scan3A_76  : i32 {
      %mul3A_317 = arith.constant 16 : i32
      %mul3A_318 = arith.muli %scan3A_316, %mul3A_317 : i32
      %add3A_319 = vector.broadcast %mul3A_318 : i32 to vector<16xi32>
      %add3A_320 = arith.addi %add3A_319, %iota3A : vector<16xi32>
      %broadcast_in_dim3A = arith.constant 0.000000e+00 : f32
      %broadcast_in_dim3A_321 = vector.broadcast %broadcast_in_dim3A : f32 to vector<16xf32>
      %broadcast_in_dim3A_322 = arith.constant 0 : i32
      %broadcast_in_dim3A_323 = vector.broadcast %broadcast_in_dim3A_322 : i32 to vector<16xi32>
      %gather3A = tpu.vector_load_idx %arg11[%add3A_320, %broadcast_in_dim3A_323] : memref<64x128xf32, #tpu.memory_space<vmem>>[vector<16xi32>, vector<16xi32>], vector<16xf32>,
      %add3A_324 = arith.addf %broadcast_in_dim3A_321, %gather3A : vector<16xf32>
      %broadcast_in_dim3A_325 = arith.constant 1 : i32
      %broadcast_in_dim3A_326 = vector.broadcast %broadcast_in_dim3A_325 : i32 to vector<16xi32>
      %gather3A_327 = tpu.vector_load_idx %arg11[%add3A_320, %broadcast_in_dim3A_326] : memref<64x128xf32, #tpu.memory_space<vmem>>[vector<16xi32>, vector<16xi32>], vector<16xf32>,
      %add3A_328 = arith.addf %add3A_324, %gather3A_327 : vector<16xf32>
      %broadcast_in_dim3A_329 = arith.constant 2 : i32
      %broadcast_in_dim3A_330 = vector.broadcast %broadcast_in_dim3A_329 : i32 to vector<16xi32>
      %gather3A_331 = tpu.vector_load_idx %arg11[%add3A_320, %broadcast_in_dim3A_330] : memref<64x128xf32, #tpu.memory_space<vmem>>[vector<16xi32>, vector<16xi32>], vector<16xf32>,
      %add3A_332 = arith.addf %add3A_328, %gather3A_331 : vector<16xf32>
      %broadcast_in_dim3A_333 = arith.constant 3 : i32
      %broadcast_in_dim3A_334 = vector.broadcast %broadcast_in_dim3A_333 : i32 to vector<16xi32>
      %gather3A_335 = tpu.vector_load_idx %arg11[%add3A_320, %broadcast_in_dim3A_334] : memref<64x128xf32, #tpu.memory_space<vmem>>[vector<16xi32>, vector<16xi32>], vector<16xf32>,
      %add3A_336 = arith.addf %add3A_332, %gather3A_335 : vector<16xf32>
      %broadcast_in_dim3A_337 = arith.constant 4 : i32
      %broadcast_in_dim3A_338 = vector.broadcast %broadcast_in_dim3A_337 : i32 to vector<16xi32>
      %gather3A_339 = tpu.vector_load_idx %arg11[%add3A_320, %broadcast_in_dim3A_338] : memref<64x128xf32, #tpu.memory_space<vmem>>[vector<16xi32>, vector<16xi32>], vector<16xf32>,
      %add3A_340 = arith.addf %add3A_336, %gather3A_339 : vector<16xf32>
      %broadcast_in_dim3A_341 = arith.constant 5 : i32
      %broadcast_in_dim3A_342 = vector.broadcast %broadcast_in_dim3A_341 : i32 to vector<16xi32>
      %gather3A_343 = tpu.vector_load_idx %arg11[%add3A_320, %broadcast_in_dim3A_342] : memref<64x128xf32, #tpu.memory_space<vmem>>[vector<16xi32>, vector<16xi32>], vector<16xf32>,
      %add3A_344 = arith.addf %add3A_340, %gather3A_343 : vector<16xf32>
      %broadcast_in_dim3A_345 = arith.constant 6 : i32
      %broadcast_in_dim3A_346 = vector.broadcast %broadcast_in_dim3A_345 : i32 to vector<16xi32>
      %gather3A_347 = tpu.vector_load_idx %arg11[%add3A_320, %broadcast_in_dim3A_346] : memref<64x128xf32, #tpu.memory_space<vmem>>[vector<16xi32>, vector<16xi32>], vector<16xf32>,
      %add3A_348 = arith.addf %add3A_344, %gather3A_347 : vector<16xf32>
      %broadcast_in_dim3A_349 = arith.constant 7 : i32
      %broadcast_in_dim3A_350 = vector.broadcast %broadcast_in_dim3A_349 : i32 to vector<16xi32>
      %gather3A_351 = tpu.vector_load_idx %arg11[%add3A_320, %broadcast_in_dim3A_350] : memref<64x128xf32, #tpu.memory_space<vmem>>[vector<16xi32>, vector<16xi32>], vector<16xf32>,
      %add3A_352 = arith.addf %add3A_348, %gather3A_351 : vector<16xf32>
      %broadcast_in_dim3A_353 = arith.constant 8 : i32
      %broadcast_in_dim3A_354 = vector.broadcast %broadcast_in_dim3A_353 : i32 to vector<16xi32>
      %gather3A_355 = tpu.vector_load_idx %arg11[%add3A_320, %broadcast_in_dim3A_354] : memref<64x128xf32, #tpu.memory_space<vmem>>[vector<16xi32>, vector<16xi32>], vector<16xf32>,
      %add3A_356 = arith.addf %add3A_352, %gather3A_355 : vector<16xf32>
      %broadcast_in_dim3A_357 = arith.constant 9 : i32
      %broadcast_in_dim3A_358 = vector.broadcast %broadcast_in_dim3A_357 : i32 to vector<16xi32>
      %gather3A_359 = tpu.vector_load_idx %arg11[%add3A_320, %broadcast_in_dim3A_358] : memref<64x128xf32, #tpu.memory_space<vmem>>[vector<16xi32>, vector<16xi32>], vector<16xf32>,
      %add3A_360 = arith.addf %add3A_356, %gather3A_359 : vector<16xf32>
      %broadcast_in_dim3A_361 = arith.constant 10 : i32
      %broadcast_in_dim3A_362 = vector.broadcast %broadcast_in_dim3A_361 : i32 to vector<16xi32>
      %gather3A_363 = tpu.vector_load_idx %arg11[%add3A_320, %broadcast_in_dim3A_362] : memref<64x128xf32, #tpu.memory_space<vmem>>[vector<16xi32>, vector<16xi32>], vector<16xf32>,
      %add3A_364 = arith.addf %add3A_360, %gather3A_363 : vector<16xf32>
      %broadcast_in_dim3A_365 = arith.constant 11 : i32
      %broadcast_in_dim3A_366 = vector.broadcast %broadcast_in_dim3A_365 : i32 to vector<16xi32>
      %gather3A_367 = tpu.vector_load_idx %arg11[%add3A_320, %broadcast_in_dim3A_366] : memref<64x128xf32, #tpu.memory_space<vmem>>[vector<16xi32>, vector<16xi32>], vector<16xf32>,
      %add3A_368 = arith.addf %add3A_364, %gather3A_367 : vector<16xf32>
      %broadcast_in_dim3A_369 = arith.constant 12 : i32
      %broadcast_in_dim3A_370 = vector.broadcast %broadcast_in_dim3A_369 : i32 to vector<16xi32>
      %gather3A_371 = tpu.vector_load_idx %arg11[%add3A_320, %broadcast_in_dim3A_370] : memref<64x128xf32, #tpu.memory_space<vmem>>[vector<16xi32>, vector<16xi32>], vector<16xf32>,
      %add3A_372 = arith.addf %add3A_368, %gather3A_371 : vector<16xf32>
      %broadcast_in_dim3A_373 = arith.constant 13 : i32
      %broadcast_in_dim3A_374 = vector.broadcast %broadcast_in_dim3A_373 : i32 to vector<16xi32>
      %gather3A_375 = tpu.vector_load_idx %arg11[%add3A_320, %broadcast_in_dim3A_374] : memref<64x128xf32, #tpu.memory_space<vmem>>[vector<16xi32>, vector<16xi32>], vector<16xf32>,
      %add3A_376 = arith.addf %add3A_372, %gather3A_375 : vector<16xf32>
      %broadcast_in_dim3A_377 = arith.constant 14 : i32
      %broadcast_in_dim3A_378 = vector.broadcast %broadcast_in_dim3A_377 : i32 to vector<16xi32>
      %gather3A_379 = tpu.vector_load_idx %arg11[%add3A_320, %broadcast_in_dim3A_378] : memref<64x128xf32, #tpu.memory_space<vmem>>[vector<16xi32>, vector<16xi32>], vector<16xf32>,
      %add3A_380 = arith.addf %add3A_376, %gather3A_379 : vector<16xf32>
      %broadcast_in_dim3A_381 = arith.constant 15 : i32
      %broadcast_in_dim3A_382 = vector.broadcast %broadcast_in_dim3A_381 : i32 to vector<16xi32>
      %gather3A_383 = tpu.vector_load_idx %arg11[%add3A_320, %broadcast_in_dim3A_382] : memref<64x128xf32, #tpu.memory_space<vmem>>[vector<16xi32>, vector<16xi32>], vector<16xf32>,
      %add3A_384 = arith.addf %add3A_380, %gather3A_383 : vector<16xf32>
      %bitcast3A = vector.bitcast %add3A_384 : vector<16xf32> to vector<16xi32>
      %shift_right_logical3A = arith.constant 1 : i32
      %shift_right_logical3A_385 = vector.broadcast %shift_right_logical3A : i32 to vector<16xi32>
      %shift_right_logical3A_386 = arith.shrui %bitcast3A, %shift_right_logical3A_385 : vector<16xi32>
      %add3A_387 = arith.constant 532487669 : i32
      %add3A_388 = vector.broadcast %add3A_387 : i32 to vector<16xi32>
      %add3A_389 = arith.addi %add3A_388, %shift_right_logical3A_386 : vector<16xi32>
      %bitcast3A_390 = vector.bitcast %add3A_389 : vector<16xi32> to vector<16xf32>
      %div3A = arith.divf %add3A_384, %bitcast3A_390 : vector<16xf32>
      %add3A_391 = arith.addf %bitcast3A_390, %div3A : vector<16xf32>
      %mul3A_392 = arith.constant 5.000000e-01 : f32
      %mul3A_393 = vector.broadcast %mul3A_392 : f32 to vector<16xf32>
      %mul3A_394 = arith.mulf %mul3A_393, %add3A_391 : vector<16xf32>
      %div3A_395 = arith.divf %add3A_384, %mul3A_394 : vector<16xf32>
      %add3A_396 = arith.addf %mul3A_394, %div3A_395 : vector<16xf32>
      %mul3A_397 = arith.constant 5.000000e-01 : f32
      %mul3A_398 = vector.broadcast %mul3A_397 : f32 to vector<16xf32>
      %mul3A_399 = arith.mulf %mul3A_398, %add3A_396 : vector<16xf32>
      %div3A_400 = arith.divf %add3A_384, %mul3A_399 : vector<16xf32>
      %add3A_401 = arith.addf %mul3A_399, %div3A_400 : vector<16xf32>
      %mul3A_402 = arith.constant 5.000000e-01 : f32
      %mul3A_403 = vector.broadcast %mul3A_402 : f32 to vector<16xf32>
      %mul3A_404 = arith.mulf %mul3A_403, %add3A_401 : vector<16xf32>
      %neg3A = arith.constant 0.000000e+00 : f32
      %neg3A_405 = vector.broadcast %neg3A : f32 to vector<16xf32>
      %neg3A_406 = arith.subf %neg3A_405, %mul3A_404 : vector<16xf32>
      %mul3A_407 = arith.constant 16 : i32
      %mul3A_408 = arith.muli %scan3A_316, %mul3A_407 : i32
      %add3A_409 = vector.broadcast %mul3A_408 : i32 to vector<16xi32>
      %add3A_410 = arith.addi %add3A_409, %iota3A : vector<16xi32>
      tpu.vector_store_idx %arg20[%add3A_410], %neg3A_406 : memref<64xf32, #tpu.memory_space<vmem>>[vector<16xi32>], vector<16xf32>,
    }
    %scan3A_77 = arith.constant 4 : i32
    %add3A_78 = arith.constant 0 : i32
    %add3A_79 = arith.addi %mul3A_2, %add3A_78 : i32
    "tpu.region"() ({
      %run_scoped3A = tpu.sem_alloc : memref<!tpu.dma_semaphore, #tpu.memory_space<semaphore_mem>>
      %dma_start3A_316 = tpu.memref_slice %arg7[%add3A_79] : memref<16384xf32, #tpu.memory_space<hbm>> -> memref<64xf32, #tpu.memory_space<hbm>>
      %dma_start3A_317 = tpu.memref_slice %arg7[%add3A_79] : memref<16384xf32, #tpu.memory_space<hbm>> -> memref<64xf32, #tpu.memory_space<hbm>>
      tpu.enqueue_dma source(%arg20 : memref<64xf32, #tpu.memory_space<vmem>>) target(%dma_start3A_317 : memref<64xf32, #tpu.memory_space<hbm>>) target_semaphore(%run_scoped3A : memref<!tpu.dma_semaphore, #tpu.memory_space<semaphore_mem>>)
      %dma_wait3A_318 = tpu.memref_slice %arg7[%add3A_79] : memref<16384xf32, #tpu.memory_space<hbm>> -> memref<64xf32, #tpu.memory_space<hbm>>
      %dma_wait3A_319 = tpu.memref_slice %arg7[%add3A_79] : memref<16384xf32, #tpu.memory_space<hbm>> -> memref<64xf32, #tpu.memory_space<hbm>>
      tpu.wait_dma2 semaphore(%run_scoped3A : memref<!tpu.dma_semaphore, #tpu.memory_space<semaphore_mem>>) src(%arg20 : memref<64xf32, #tpu.memory_space<vmem>>) dst(%dma_wait3A_319 : memref<64xf32, #tpu.memory_space<hbm>>)
      tpu.yield
    }) : () -> ()
    %dma_wait3A_80 = arith.constant 64 : i32
    %dma_wait3A_81 = tpu.memref_slice %arg8[%dma_wait3A_80] : memref<512xi32, #tpu.memory_space<vmem>> -> memref<64xi32, #tpu.memory_space<vmem>>
    %dma_wait3A_82 = arith.constant 0 : i32
    %dma_wait3A_83 = arith.constant 0 : i32
    %dma_wait3A_84 = tpu.memref_slice %arg5[%dma_wait3A_82, %dma_wait3A_83] : memref<1000000x128xf32, #tpu.memory_space<hbm>> -> memref<1000000x128xf32, #tpu.memory_space<hbm>>
    tpu.wait_indirect_dma semaphore(%arg22 : memref<!tpu.dma_semaphore, #tpu.memory_space<semaphore_mem>>) src(%dma_wait3A_84 : memref<1000000x128xf32, #tpu.memory_space<hbm>>) dst(%arg12 : memref<64x128xf32, #tpu.memory_space<vmem>>)
    %dma_wait3A_85 = arith.constant 64 : i32
    %dma_wait3A_86 = tpu.memref_slice %arg9[%dma_wait3A_85] : memref<512xi32, #tpu.memory_space<vmem>> -> memref<64xi32, #tpu.memory_space<vmem>>
    %dma_wait3A_87 = arith.constant 0 : i32
    %dma_wait3A_88 = arith.constant 0 : i32
    %dma_wait3A_89 = tpu.memref_slice %arg6[%dma_wait3A_87, %dma_wait3A_88] : memref<1000x128xf32, #tpu.memory_space<hbm>> -> memref<1000x128xf32, #tpu.memory_space<hbm>>
    tpu.wait_indirect_dma semaphore(%arg22 : memref<!tpu.dma_semaphore, #tpu.memory_space<semaphore_mem>>) src(%dma_wait3A_89 : memref<1000x128xf32, #tpu.memory_space<hbm>>) dst(%arg15 : memref<64x128xf32, #tpu.memory_space<vmem>>)
    %dma_wait3A_90 = arith.constant 64 : i32
    %dma_wait3A_91 = tpu.memref_slice %arg10[%dma_wait3A_90] : memref<512xi32, #tpu.memory_space<vmem>> -> memref<64xi32, #tpu.memory_space<vmem>>
    %dma_wait3A_92 = arith.constant 0 : i32
    %dma_wait3A_93 = arith.constant 0 : i32
    %dma_wait3A_94 = tpu.memref_slice %arg5[%dma_wait3A_92, %dma_wait3A_93] : memref<1000000x128xf32, #tpu.memory_space<hbm>> -> memref<1000000x128xf32, #tpu.memory_space<hbm>>
    tpu.wait_indirect_dma semaphore(%arg22 : memref<!tpu.dma_semaphore, #tpu.memory_space<semaphore_mem>>) src(%dma_wait3A_94 : memref<1000000x128xf32, #tpu.memory_space<hbm>>) dst(%arg18 : memref<64x128xf32, #tpu.memory_space<vmem>>)
    %dma_start3A_95 = arith.constant 192 : i32
    %dma_start3A_96 = tpu.memref_slice %arg8[%dma_start3A_95] : memref<512xi32, #tpu.memory_space<vmem>> -> memref<64xi32, #tpu.memory_space<vmem>>
    %dma_start3A_97 = arith.constant 0 : i32
    %dma_start3A_98 = arith.constant 0 : i32
    %dma_start3A_99 = tpu.memref_slice %arg5[%dma_start3A_97, %dma_start3A_98] : memref<1000000x128xf32, #tpu.memory_space<hbm>> -> memref<1000000x128xf32, #tpu.memory_space<hbm>>
    tpu.enqueue_indirect_dma source(%dma_start3A_99 : memref<1000000x128xf32, #tpu.memory_space<hbm>>) target(%arg11 : memref<64x128xf32, #tpu.memory_space<vmem>>) offsets(%dma_start3A_96 : memref<64xi32, #tpu.memory_space<vmem>>) semaphore(%arg21 : memref<!tpu.dma_semaphore, #tpu.memory_space<semaphore_mem>>)
    %dma_start3A_100 = arith.constant 192 : i32
    %dma_start3A_101 = tpu.memref_slice %arg9[%dma_start3A_100] : memref<512xi32, #tpu.memory_space<vmem>> -> memref<64xi32, #tpu.memory_space<vmem>>
    %dma_start3A_102 = arith.constant 0 : i32
    %dma_start3A_103 = arith.constant 0 : i32
    %dma_start3A_104 = tpu.memref_slice %arg6[%dma_start3A_102, %dma_start3A_103] : memref<1000x128xf32, #tpu.memory_space<hbm>> -> memref<1000x128xf32, #tpu.memory_space<hbm>>
    tpu.enqueue_indirect_dma source(%dma_start3A_104 : memref<1000x128xf32, #tpu.memory_space<hbm>>) target(%arg14 : memref<64x128xf32, #tpu.memory_space<vmem>>) offsets(%dma_start3A_101 : memref<64xi32, #tpu.memory_space<vmem>>) semaphore(%arg21 : memref<!tpu.dma_semaphore, #tpu.memory_space<semaphore_mem>>)
    %dma_start3A_105 = arith.constant 192 : i32
    %dma_start3A_106 = tpu.memref_slice %arg10[%dma_start3A_105] : memref<512xi32, #tpu.memory_space<vmem>> -> memref<64xi32, #tpu.memory_space<vmem>>
    %dma_start3A_107 = arith.constant 0 : i32
    %dma_start3A_108 = arith.constant 0 : i32
    %dma_start3A_109 = tpu.memref_slice %arg5[%dma_start3A_107, %dma_start3A_108] : memref<1000000x128xf32, #tpu.memory_space<hbm>> -> memref<1000000x128xf32, #tpu.memory_space<hbm>>
    tpu.enqueue_indirect_dma source(%dma_start3A_109 : memref<1000000x128xf32, #tpu.memory_space<hbm>>) target(%arg17 : memref<64x128xf32, #tpu.memory_space<vmem>>) offsets(%dma_start3A_106 : memref<64xi32, #tpu.memory_space<vmem>>) semaphore(%arg21 : memref<!tpu.dma_semaphore, #tpu.memory_space<semaphore_mem>>)
    %scan3A_110 = arith.constant 0 : i32
    %scan3A_111 = arith.constant 0 : i32
    %scan3A_112 = arith.constant 4 : i32
    %scan3A_113 = arith.addi %scan3A_111, %scan3A_112 : i32
    %scan3A_114 = arith.constant 1 : i32
    scf.for %scan3A_316 = %scan3A_111 to %scan3A_113 step %scan3A_114  : i32 {
      %mul3A_317 = arith.constant 16 : i32
      %mul3A_318 = arith.muli %scan3A_316, %mul3A_317 : i32
      %add3A_319 = vector.broadcast %mul3A_318 : i32 to vector<16xi32>
      %add3A_320 = arith.addi %add3A_319, %iota3A : vector<16xi32>
      %broadcast_in_dim3A = arith.constant 0.000000e+00 : f32
      %broadcast_in_dim3A_321 = vector.broadcast %broadcast_in_dim3A : f32 to vector<16xf32>
      %broadcast_in_dim3A_322 = arith.constant 0 : i32
      %broadcast_in_dim3A_323 = vector.broadcast %broadcast_in_dim3A_322 : i32 to vector<16xi32>
      %gather3A = tpu.vector_load_idx %arg12[%add3A_320, %broadcast_in_dim3A_323] : memref<64x128xf32, #tpu.memory_space<vmem>>[vector<16xi32>, vector<16xi32>], vector<16xf32>,
      %add3A_324 = arith.addf %broadcast_in_dim3A_321, %gather3A : vector<16xf32>
      %broadcast_in_dim3A_325 = arith.constant 1 : i32
      %broadcast_in_dim3A_326 = vector.broadcast %broadcast_in_dim3A_325 : i32 to vector<16xi32>
      %gather3A_327 = tpu.vector_load_idx %arg12[%add3A_320, %broadcast_in_dim3A_326] : memref<64x128xf32, #tpu.memory_space<vmem>>[vector<16xi32>, vector<16xi32>], vector<16xf32>,
      %add3A_328 = arith.addf %add3A_324, %gather3A_327 : vector<16xf32>
      %broadcast_in_dim3A_329 = arith.constant 2 : i32
      %broadcast_in_dim3A_330 = vector.broadcast %broadcast_in_dim3A_329 : i32 to vector<16xi32>
      %gather3A_331 = tpu.vector_load_idx %arg12[%add3A_320, %broadcast_in_dim3A_330] : memref<64x128xf32, #tpu.memory_space<vmem>>[vector<16xi32>, vector<16xi32>], vector<16xf32>,
      %add3A_332 = arith.addf %add3A_328, %gather3A_331 : vector<16xf32>
      %broadcast_in_dim3A_333 = arith.constant 3 : i32
      %broadcast_in_dim3A_334 = vector.broadcast %broadcast_in_dim3A_333 : i32 to vector<16xi32>
      %gather3A_335 = tpu.vector_load_idx %arg12[%add3A_320, %broadcast_in_dim3A_334] : memref<64x128xf32, #tpu.memory_space<vmem>>[vector<16xi32>, vector<16xi32>], vector<16xf32>,
      %add3A_336 = arith.addf %add3A_332, %gather3A_335 : vector<16xf32>
      %broadcast_in_dim3A_337 = arith.constant 4 : i32
      %broadcast_in_dim3A_338 = vector.broadcast %broadcast_in_dim3A_337 : i32 to vector<16xi32>
      %gather3A_339 = tpu.vector_load_idx %arg12[%add3A_320, %broadcast_in_dim3A_338] : memref<64x128xf32, #tpu.memory_space<vmem>>[vector<16xi32>, vector<16xi32>], vector<16xf32>,
      %add3A_340 = arith.addf %add3A_336, %gather3A_339 : vector<16xf32>
      %broadcast_in_dim3A_341 = arith.constant 5 : i32
      %broadcast_in_dim3A_342 = vector.broadcast %broadcast_in_dim3A_341 : i32 to vector<16xi32>
      %gather3A_343 = tpu.vector_load_idx %arg12[%add3A_320, %broadcast_in_dim3A_342] : memref<64x128xf32, #tpu.memory_space<vmem>>[vector<16xi32>, vector<16xi32>], vector<16xf32>,
      %add3A_344 = arith.addf %add3A_340, %gather3A_343 : vector<16xf32>
      %broadcast_in_dim3A_345 = arith.constant 6 : i32
      %broadcast_in_dim3A_346 = vector.broadcast %broadcast_in_dim3A_345 : i32 to vector<16xi32>
      %gather3A_347 = tpu.vector_load_idx %arg12[%add3A_320, %broadcast_in_dim3A_346] : memref<64x128xf32, #tpu.memory_space<vmem>>[vector<16xi32>, vector<16xi32>], vector<16xf32>,
      %add3A_348 = arith.addf %add3A_344, %gather3A_347 : vector<16xf32>
      %broadcast_in_dim3A_349 = arith.constant 7 : i32
      %broadcast_in_dim3A_350 = vector.broadcast %broadcast_in_dim3A_349 : i32 to vector<16xi32>
      %gather3A_351 = tpu.vector_load_idx %arg12[%add3A_320, %broadcast_in_dim3A_350] : memref<64x128xf32, #tpu.memory_space<vmem>>[vector<16xi32>, vector<16xi32>], vector<16xf32>,
      %add3A_352 = arith.addf %add3A_348, %gather3A_351 : vector<16xf32>
      %broadcast_in_dim3A_353 = arith.constant 8 : i32
      %broadcast_in_dim3A_354 = vector.broadcast %broadcast_in_dim3A_353 : i32 to vector<16xi32>
      %gather3A_355 = tpu.vector_load_idx %arg12[%add3A_320, %broadcast_in_dim3A_354] : memref<64x128xf32, #tpu.memory_space<vmem>>[vector<16xi32>, vector<16xi32>], vector<16xf32>,
      %add3A_356 = arith.addf %add3A_352, %gather3A_355 : vector<16xf32>
      %broadcast_in_dim3A_357 = arith.constant 9 : i32
      %broadcast_in_dim3A_358 = vector.broadcast %broadcast_in_dim3A_357 : i32 to vector<16xi32>
      %gather3A_359 = tpu.vector_load_idx %arg12[%add3A_320, %broadcast_in_dim3A_358] : memref<64x128xf32, #tpu.memory_space<vmem>>[vector<16xi32>, vector<16xi32>], vector<16xf32>,
      %add3A_360 = arith.addf %add3A_356, %gather3A_359 : vector<16xf32>
      %broadcast_in_dim3A_361 = arith.constant 10 : i32
      %broadcast_in_dim3A_362 = vector.broadcast %broadcast_in_dim3A_361 : i32 to vector<16xi32>
      %gather3A_363 = tpu.vector_load_idx %arg12[%add3A_320, %broadcast_in_dim3A_362] : memref<64x128xf32, #tpu.memory_space<vmem>>[vector<16xi32>, vector<16xi32>], vector<16xf32>,
      %add3A_364 = arith.addf %add3A_360, %gather3A_363 : vector<16xf32>
      %broadcast_in_dim3A_365 = arith.constant 11 : i32
      %broadcast_in_dim3A_366 = vector.broadcast %broadcast_in_dim3A_365 : i32 to vector<16xi32>
      %gather3A_367 = tpu.vector_load_idx %arg12[%add3A_320, %broadcast_in_dim3A_366] : memref<64x128xf32, #tpu.memory_space<vmem>>[vector<16xi32>, vector<16xi32>], vector<16xf32>,
      %add3A_368 = arith.addf %add3A_364, %gather3A_367 : vector<16xf32>
      %broadcast_in_dim3A_369 = arith.constant 12 : i32
      %broadcast_in_dim3A_370 = vector.broadcast %broadcast_in_dim3A_369 : i32 to vector<16xi32>
      %gather3A_371 = tpu.vector_load_idx %arg12[%add3A_320, %broadcast_in_dim3A_370] : memref<64x128xf32, #tpu.memory_space<vmem>>[vector<16xi32>, vector<16xi32>], vector<16xf32>,
      %add3A_372 = arith.addf %add3A_368, %gather3A_371 : vector<16xf32>
      %broadcast_in_dim3A_373 = arith.constant 13 : i32
      %broadcast_in_dim3A_374 = vector.broadcast %broadcast_in_dim3A_373 : i32 to vector<16xi32>
      %gather3A_375 = tpu.vector_load_idx %arg12[%add3A_320, %broadcast_in_dim3A_374] : memref<64x128xf32, #tpu.memory_space<vmem>>[vector<16xi32>, vector<16xi32>], vector<16xf32>,
      %add3A_376 = arith.addf %add3A_372, %gather3A_375 : vector<16xf32>
      %broadcast_in_dim3A_377 = arith.constant 14 : i32
      %broadcast_in_dim3A_378 = vector.broadcast %broadcast_in_dim3A_377 : i32 to vector<16xi32>
      %gather3A_379 = tpu.vector_load_idx %arg12[%add3A_320, %broadcast_in_dim3A_378] : memref<64x128xf32, #tpu.memory_space<vmem>>[vector<16xi32>, vector<16xi32>], vector<16xf32>,
      %add3A_380 = arith.addf %add3A_376, %gather3A_379 : vector<16xf32>
      %broadcast_in_dim3A_381 = arith.constant 15 : i32
      %broadcast_in_dim3A_382 = vector.broadcast %broadcast_in_dim3A_381 : i32 to vector<16xi32>
      %gather3A_383 = tpu.vector_load_idx %arg12[%add3A_320, %broadcast_in_dim3A_382] : memref<64x128xf32, #tpu.memory_space<vmem>>[vector<16xi32>, vector<16xi32>], vector<16xf32>,
      %add3A_384 = arith.addf %add3A_380, %gather3A_383 : vector<16xf32>
      %bitcast3A = vector.bitcast %add3A_384 : vector<16xf32> to vector<16xi32>
      %shift_right_logical3A = arith.constant 1 : i32
      %shift_right_logical3A_385 = vector.broadcast %shift_right_logical3A : i32 to vector<16xi32>
      %shift_right_logical3A_386 = arith.shrui %bitcast3A, %shift_right_logical3A_385 : vector<16xi32>
      %add3A_387 = arith.constant 532487669 : i32
      %add3A_388 = vector.broadcast %add3A_387 : i32 to vector<16xi32>
      %add3A_389 = arith.addi %add3A_388, %shift_right_logical3A_386 : vector<16xi32>
      %bitcast3A_390 = vector.bitcast %add3A_389 : vector<16xi32> to vector<16xf32>
      %div3A = arith.divf %add3A_384, %bitcast3A_390 : vector<16xf32>
      %add3A_391 = arith.addf %bitcast3A_390, %div3A : vector<16xf32>
      %mul3A_392 = arith.constant 5.000000e-01 : f32
      %mul3A_393 = vector.broadcast %mul3A_392 : f32 to vector<16xf32>
      %mul3A_394 = arith.mulf %mul3A_393, %add3A_391 : vector<16xf32>
      %div3A_395 = arith.divf %add3A_384, %mul3A_394 : vector<16xf32>
      %add3A_396 = arith.addf %mul3A_394, %div3A_395 : vector<16xf32>
      %mul3A_397 = arith.constant 5.000000e-01 : f32
      %mul3A_398 = vector.broadcast %mul3A_397 : f32 to vector<16xf32>
      %mul3A_399 = arith.mulf %mul3A_398, %add3A_396 : vector<16xf32>
      %div3A_400 = arith.divf %add3A_384, %mul3A_399 : vector<16xf32>
      %add3A_401 = arith.addf %mul3A_399, %div3A_400 : vector<16xf32>
      %mul3A_402 = arith.constant 5.000000e-01 : f32
      %mul3A_403 = vector.broadcast %mul3A_402 : f32 to vector<16xf32>
      %mul3A_404 = arith.mulf %mul3A_403, %add3A_401 : vector<16xf32>
      %neg3A = arith.constant 0.000000e+00 : f32
      %neg3A_405 = vector.broadcast %neg3A : f32 to vector<16xf32>
      %neg3A_406 = arith.subf %neg3A_405, %mul3A_404 : vector<16xf32>
      %mul3A_407 = arith.constant 16 : i32
      %mul3A_408 = arith.muli %scan3A_316, %mul3A_407 : i32
      %add3A_409 = vector.broadcast %mul3A_408 : i32 to vector<16xi32>
      %add3A_410 = arith.addi %add3A_409, %iota3A : vector<16xi32>
      tpu.vector_store_idx %arg20[%add3A_410], %neg3A_406 : memref<64xf32, #tpu.memory_space<vmem>>[vector<16xi32>], vector<16xf32>,
    }
    %scan3A_115 = arith.constant 4 : i32
    %add3A_116 = arith.constant 64 : i32
    %add3A_117 = arith.addi %mul3A_2, %add3A_116 : i32
    "tpu.region"() ({
      %run_scoped3A = tpu.sem_alloc : memref<!tpu.dma_semaphore, #tpu.memory_space<semaphore_mem>>
      %dma_start3A_316 = tpu.memref_slice %arg7[%add3A_117] : memref<16384xf32, #tpu.memory_space<hbm>> -> memref<64xf32, #tpu.memory_space<hbm>>
      %dma_start3A_317 = tpu.memref_slice %arg7[%add3A_117] : memref<16384xf32, #tpu.memory_space<hbm>> -> memref<64xf32, #tpu.memory_space<hbm>>
      tpu.enqueue_dma source(%arg20 : memref<64xf32, #tpu.memory_space<vmem>>) target(%dma_start3A_317 : memref<64xf32, #tpu.memory_space<hbm>>) target_semaphore(%run_scoped3A : memref<!tpu.dma_semaphore, #tpu.memory_space<semaphore_mem>>)
      %dma_wait3A_318 = tpu.memref_slice %arg7[%add3A_117] : memref<16384xf32, #tpu.memory_space<hbm>> -> memref<64xf32, #tpu.memory_space<hbm>>
      %dma_wait3A_319 = tpu.memref_slice %arg7[%add3A_117] : memref<16384xf32, #tpu.memory_space<hbm>> -> memref<64xf32, #tpu.memory_space<hbm>>
      tpu.wait_dma2 semaphore(%run_scoped3A : memref<!tpu.dma_semaphore, #tpu.memory_space<semaphore_mem>>) src(%arg20 : memref<64xf32, #tpu.memory_space<vmem>>) dst(%dma_wait3A_319 : memref<64xf32, #tpu.memory_space<hbm>>)
      tpu.yield
    }) : () -> ()
    %dma_wait3A_118 = arith.constant 128 : i32
    %dma_wait3A_119 = tpu.memref_slice %arg8[%dma_wait3A_118] : memref<512xi32, #tpu.memory_space<vmem>> -> memref<64xi32, #tpu.memory_space<vmem>>
    %dma_wait3A_120 = arith.constant 0 : i32
    %dma_wait3A_121 = arith.constant 0 : i32
    %dma_wait3A_122 = tpu.memref_slice %arg5[%dma_wait3A_120, %dma_wait3A_121] : memref<1000000x128xf32, #tpu.memory_space<hbm>> -> memref<1000000x128xf32, #tpu.memory_space<hbm>>
    tpu.wait_indirect_dma semaphore(%arg23 : memref<!tpu.dma_semaphore, #tpu.memory_space<semaphore_mem>>) src(%dma_wait3A_122 : memref<1000000x128xf32, #tpu.memory_space<hbm>>) dst(%arg13 : memref<64x128xf32, #tpu.memory_space<vmem>>)
    %dma_wait3A_123 = arith.constant 128 : i32
    %dma_wait3A_124 = tpu.memref_slice %arg9[%dma_wait3A_123] : memref<512xi32, #tpu.memory_space<vmem>> -> memref<64xi32, #tpu.memory_space<vmem>>
    %dma_wait3A_125 = arith.constant 0 : i32
    %dma_wait3A_126 = arith.constant 0 : i32
    %dma_wait3A_127 = tpu.memref_slice %arg6[%dma_wait3A_125, %dma_wait3A_126] : memref<1000x128xf32, #tpu.memory_space<hbm>> -> memref<1000x128xf32, #tpu.memory_space<hbm>>
    tpu.wait_indirect_dma semaphore(%arg23 : memref<!tpu.dma_semaphore, #tpu.memory_space<semaphore_mem>>) src(%dma_wait3A_127 : memref<1000x128xf32, #tpu.memory_space<hbm>>) dst(%arg16 : memref<64x128xf32, #tpu.memory_space<vmem>>)
    %dma_wait3A_128 = arith.constant 128 : i32
    %dma_wait3A_129 = tpu.memref_slice %arg10[%dma_wait3A_128] : memref<512xi32, #tpu.memory_space<vmem>> -> memref<64xi32, #tpu.memory_space<vmem>>
    %dma_wait3A_130 = arith.constant 0 : i32
    %dma_wait3A_131 = arith.constant 0 : i32
    %dma_wait3A_132 = tpu.memref_slice %arg5[%dma_wait3A_130, %dma_wait3A_131] : memref<1000000x128xf32, #tpu.memory_space<hbm>> -> memref<1000000x128xf32, #tpu.memory_space<hbm>>
    tpu.wait_indirect_dma semaphore(%arg23 : memref<!tpu.dma_semaphore, #tpu.memory_space<semaphore_mem>>) src(%dma_wait3A_132 : memref<1000000x128xf32, #tpu.memory_space<hbm>>) dst(%arg19 : memref<64x128xf32, #tpu.memory_space<vmem>>)
    %dma_start3A_133 = arith.constant 256 : i32
    %dma_start3A_134 = tpu.memref_slice %arg8[%dma_start3A_133] : memref<512xi32, #tpu.memory_space<vmem>> -> memref<64xi32, #tpu.memory_space<vmem>>
    %dma_start3A_135 = arith.constant 0 : i32
    %dma_start3A_136 = arith.constant 0 : i32
    %dma_start3A_137 = tpu.memref_slice %arg5[%dma_start3A_135, %dma_start3A_136] : memref<1000000x128xf32, #tpu.memory_space<hbm>> -> memref<1000000x128xf32, #tpu.memory_space<hbm>>
    tpu.enqueue_indirect_dma source(%dma_start3A_137 : memref<1000000x128xf32, #tpu.memory_space<hbm>>) target(%arg12 : memref<64x128xf32, #tpu.memory_space<vmem>>) offsets(%dma_start3A_134 : memref<64xi32, #tpu.memory_space<vmem>>) semaphore(%arg22 : memref<!tpu.dma_semaphore, #tpu.memory_space<semaphore_mem>>)
    %dma_start3A_138 = arith.constant 256 : i32
    %dma_start3A_139 = tpu.memref_slice %arg9[%dma_start3A_138] : memref<512xi32, #tpu.memory_space<vmem>> -> memref<64xi32, #tpu.memory_space<vmem>>
    %dma_start3A_140 = arith.constant 0 : i32
    %dma_start3A_141 = arith.constant 0 : i32
    %dma_start3A_142 = tpu.memref_slice %arg6[%dma_start3A_140, %dma_start3A_141] : memref<1000x128xf32, #tpu.memory_space<hbm>> -> memref<1000x128xf32, #tpu.memory_space<hbm>>
    tpu.enqueue_indirect_dma source(%dma_start3A_142 : memref<1000x128xf32, #tpu.memory_space<hbm>>) target(%arg15 : memref<64x128xf32, #tpu.memory_space<vmem>>) offsets(%dma_start3A_139 : memref<64xi32, #tpu.memory_space<vmem>>) semaphore(%arg22 : memref<!tpu.dma_semaphore, #tpu.memory_space<semaphore_mem>>)
    %dma_start3A_143 = arith.constant 256 : i32
    %dma_start3A_144 = tpu.memref_slice %arg10[%dma_start3A_143] : memref<512xi32, #tpu.memory_space<vmem>> -> memref<64xi32, #tpu.memory_space<vmem>>
    %dma_start3A_145 = arith.constant 0 : i32
    %dma_start3A_146 = arith.constant 0 : i32
    %dma_start3A_147 = tpu.memref_slice %arg5[%dma_start3A_145, %dma_start3A_146] : memref<1000000x128xf32, #tpu.memory_space<hbm>> -> memref<1000000x128xf32, #tpu.memory_space<hbm>>
    tpu.enqueue_indirect_dma source(%dma_start3A_147 : memref<1000000x128xf32, #tpu.memory_space<hbm>>) target(%arg18 : memref<64x128xf32, #tpu.memory_space<vmem>>) offsets(%dma_start3A_144 : memref<64xi32, #tpu.memory_space<vmem>>) semaphore(%arg22 : memref<!tpu.dma_semaphore, #tpu.memory_space<semaphore_mem>>)
    %scan3A_148 = arith.constant 0 : i32
    %scan3A_149 = arith.constant 0 : i32
    %scan3A_150 = arith.constant 4 : i32
    %scan3A_151 = arith.addi %scan3A_149, %scan3A_150 : i32
    %scan3A_152 = arith.constant 1 : i32
    scf.for %scan3A_316 = %scan3A_149 to %scan3A_151 step %scan3A_152  : i32 {
      %mul3A_317 = arith.constant 16 : i32
      %mul3A_318 = arith.muli %scan3A_316, %mul3A_317 : i32
      %add3A_319 = vector.broadcast %mul3A_318 : i32 to vector<16xi32>
      %add3A_320 = arith.addi %add3A_319, %iota3A : vector<16xi32>
      %broadcast_in_dim3A = arith.constant 0.000000e+00 : f32
      %broadcast_in_dim3A_321 = vector.broadcast %broadcast_in_dim3A : f32 to vector<16xf32>
      %broadcast_in_dim3A_322 = arith.constant 0 : i32
      %broadcast_in_dim3A_323 = vector.broadcast %broadcast_in_dim3A_322 : i32 to vector<16xi32>
      %gather3A = tpu.vector_load_idx %arg13[%add3A_320, %broadcast_in_dim3A_323] : memref<64x128xf32, #tpu.memory_space<vmem>>[vector<16xi32>, vector<16xi32>], vector<16xf32>,
      %add3A_324 = arith.addf %broadcast_in_dim3A_321, %gather3A : vector<16xf32>
      %broadcast_in_dim3A_325 = arith.constant 1 : i32
      %broadcast_in_dim3A_326 = vector.broadcast %broadcast_in_dim3A_325 : i32 to vector<16xi32>
      %gather3A_327 = tpu.vector_load_idx %arg13[%add3A_320, %broadcast_in_dim3A_326] : memref<64x128xf32, #tpu.memory_space<vmem>>[vector<16xi32>, vector<16xi32>], vector<16xf32>,
      %add3A_328 = arith.addf %add3A_324, %gather3A_327 : vector<16xf32>
      %broadcast_in_dim3A_329 = arith.constant 2 : i32
      %broadcast_in_dim3A_330 = vector.broadcast %broadcast_in_dim3A_329 : i32 to vector<16xi32>
      %gather3A_331 = tpu.vector_load_idx %arg13[%add3A_320, %broadcast_in_dim3A_330] : memref<64x128xf32, #tpu.memory_space<vmem>>[vector<16xi32>, vector<16xi32>], vector<16xf32>,
      %add3A_332 = arith.addf %add3A_328, %gather3A_331 : vector<16xf32>
      %broadcast_in_dim3A_333 = arith.constant 3 : i32
      %broadcast_in_dim3A_334 = vector.broadcast %broadcast_in_dim3A_333 : i32 to vector<16xi32>
      %gather3A_335 = tpu.vector_load_idx %arg13[%add3A_320, %broadcast_in_dim3A_334] : memref<64x128xf32, #tpu.memory_space<vmem>>[vector<16xi32>, vector<16xi32>], vector<16xf32>,
      %add3A_336 = arith.addf %add3A_332, %gather3A_335 : vector<16xf32>
      %broadcast_in_dim3A_337 = arith.constant 4 : i32
      %broadcast_in_dim3A_338 = vector.broadcast %broadcast_in_dim3A_337 : i32 to vector<16xi32>
      %gather3A_339 = tpu.vector_load_idx %arg13[%add3A_320, %broadcast_in_dim3A_338] : memref<64x128xf32, #tpu.memory_space<vmem>>[vector<16xi32>, vector<16xi32>], vector<16xf32>,
      %add3A_340 = arith.addf %add3A_336, %gather3A_339 : vector<16xf32>
      %broadcast_in_dim3A_341 = arith.constant 5 : i32
      %broadcast_in_dim3A_342 = vector.broadcast %broadcast_in_dim3A_341 : i32 to vector<16xi32>
      %gather3A_343 = tpu.vector_load_idx %arg13[%add3A_320, %broadcast_in_dim3A_342] : memref<64x128xf32, #tpu.memory_space<vmem>>[vector<16xi32>, vector<16xi32>], vector<16xf32>,
      %add3A_344 = arith.addf %add3A_340, %gather3A_343 : vector<16xf32>
      %broadcast_in_dim3A_345 = arith.constant 6 : i32
      %broadcast_in_dim3A_346 = vector.broadcast %broadcast_in_dim3A_345 : i32 to vector<16xi32>
      %gather3A_347 = tpu.vector_load_idx %arg13[%add3A_320, %broadcast_in_dim3A_346] : memref<64x128xf32, #tpu.memory_space<vmem>>[vector<16xi32>, vector<16xi32>], vector<16xf32>,
      %add3A_348 = arith.addf %add3A_344, %gather3A_347 : vector<16xf32>
      %broadcast_in_dim3A_349 = arith.constant 7 : i32
      %broadcast_in_dim3A_350 = vector.broadcast %broadcast_in_dim3A_349 : i32 to vector<16xi32>
      %gather3A_351 = tpu.vector_load_idx %arg13[%add3A_320, %broadcast_in_dim3A_350] : memref<64x128xf32, #tpu.memory_space<vmem>>[vector<16xi32>, vector<16xi32>], vector<16xf32>,
      %add3A_352 = arith.addf %add3A_348, %gather3A_351 : vector<16xf32>
      %broadcast_in_dim3A_353 = arith.constant 8 : i32
      %broadcast_in_dim3A_354 = vector.broadcast %broadcast_in_dim3A_353 : i32 to vector<16xi32>
      %gather3A_355 = tpu.vector_load_idx %arg13[%add3A_320, %broadcast_in_dim3A_354] : memref<64x128xf32, #tpu.memory_space<vmem>>[vector<16xi32>, vector<16xi32>], vector<16xf32>,
      %add3A_356 = arith.addf %add3A_352, %gather3A_355 : vector<16xf32>
      %broadcast_in_dim3A_357 = arith.constant 9 : i32
      %broadcast_in_dim3A_358 = vector.broadcast %broadcast_in_dim3A_357 : i32 to vector<16xi32>
      %gather3A_359 = tpu.vector_load_idx %arg13[%add3A_320, %broadcast_in_dim3A_358] : memref<64x128xf32, #tpu.memory_space<vmem>>[vector<16xi32>, vector<16xi32>], vector<16xf32>,
      %add3A_360 = arith.addf %add3A_356, %gather3A_359 : vector<16xf32>
      %broadcast_in_dim3A_361 = arith.constant 10 : i32
      %broadcast_in_dim3A_362 = vector.broadcast %broadcast_in_dim3A_361 : i32 to vector<16xi32>
      %gather3A_363 = tpu.vector_load_idx %arg13[%add3A_320, %broadcast_in_dim3A_362] : memref<64x128xf32, #tpu.memory_space<vmem>>[vector<16xi32>, vector<16xi32>], vector<16xf32>,
      %add3A_364 = arith.addf %add3A_360, %gather3A_363 : vector<16xf32>
      %broadcast_in_dim3A_365 = arith.constant 11 : i32
      %broadcast_in_dim3A_366 = vector.broadcast %broadcast_in_dim3A_365 : i32 to vector<16xi32>
      %gather3A_367 = tpu.vector_load_idx %arg13[%add3A_320, %broadcast_in_dim3A_366] : memref<64x128xf32, #tpu.memory_space<vmem>>[vector<16xi32>, vector<16xi32>], vector<16xf32>,
      %add3A_368 = arith.addf %add3A_364, %gather3A_367 : vector<16xf32>
      %broadcast_in_dim3A_369 = arith.constant 12 : i32
      %broadcast_in_dim3A_370 = vector.broadcast %broadcast_in_dim3A_369 : i32 to vector<16xi32>
      %gather3A_371 = tpu.vector_load_idx %arg13[%add3A_320, %broadcast_in_dim3A_370] : memref<64x128xf32, #tpu.memory_space<vmem>>[vector<16xi32>, vector<16xi32>], vector<16xf32>,
      %add3A_372 = arith.addf %add3A_368, %gather3A_371 : vector<16xf32>
      %broadcast_in_dim3A_373 = arith.constant 13 : i32
      %broadcast_in_dim3A_374 = vector.broadcast %broadcast_in_dim3A_373 : i32 to vector<16xi32>
      %gather3A_375 = tpu.vector_load_idx %arg13[%add3A_320, %broadcast_in_dim3A_374] : memref<64x128xf32, #tpu.memory_space<vmem>>[vector<16xi32>, vector<16xi32>], vector<16xf32>,
      %add3A_376 = arith.addf %add3A_372, %gather3A_375 : vector<16xf32>
      %broadcast_in_dim3A_377 = arith.constant 14 : i32
      %broadcast_in_dim3A_378 = vector.broadcast %broadcast_in_dim3A_377 : i32 to vector<16xi32>
      %gather3A_379 = tpu.vector_load_idx %arg13[%add3A_320, %broadcast_in_dim3A_378] : memref<64x128xf32, #tpu.memory_space<vmem>>[vector<16xi32>, vector<16xi32>], vector<16xf32>,
      %add3A_380 = arith.addf %add3A_376, %gather3A_379 : vector<16xf32>
      %broadcast_in_dim3A_381 = arith.constant 15 : i32
      %broadcast_in_dim3A_382 = vector.broadcast %broadcast_in_dim3A_381 : i32 to vector<16xi32>
      %gather3A_383 = tpu.vector_load_idx %arg13[%add3A_320, %broadcast_in_dim3A_382] : memref<64x128xf32, #tpu.memory_space<vmem>>[vector<16xi32>, vector<16xi32>], vector<16xf32>,
      %add3A_384 = arith.addf %add3A_380, %gather3A_383 : vector<16xf32>
      %bitcast3A = vector.bitcast %add3A_384 : vector<16xf32> to vector<16xi32>
      %shift_right_logical3A = arith.constant 1 : i32
      %shift_right_logical3A_385 = vector.broadcast %shift_right_logical3A : i32 to vector<16xi32>
      %shift_right_logical3A_386 = arith.shrui %bitcast3A, %shift_right_logical3A_385 : vector<16xi32>
      %add3A_387 = arith.constant 532487669 : i32
      %add3A_388 = vector.broadcast %add3A_387 : i32 to vector<16xi32>
      %add3A_389 = arith.addi %add3A_388, %shift_right_logical3A_386 : vector<16xi32>
      %bitcast3A_390 = vector.bitcast %add3A_389 : vector<16xi32> to vector<16xf32>
      %div3A = arith.divf %add3A_384, %bitcast3A_390 : vector<16xf32>
      %add3A_391 = arith.addf %bitcast3A_390, %div3A : vector<16xf32>
      %mul3A_392 = arith.constant 5.000000e-01 : f32
      %mul3A_393 = vector.broadcast %mul3A_392 : f32 to vector<16xf32>
      %mul3A_394 = arith.mulf %mul3A_393, %add3A_391 : vector<16xf32>
      %div3A_395 = arith.divf %add3A_384, %mul3A_394 : vector<16xf32>
      %add3A_396 = arith.addf %mul3A_394, %div3A_395 : vector<16xf32>
      %mul3A_397 = arith.constant 5.000000e-01 : f32
      %mul3A_398 = vector.broadcast %mul3A_397 : f32 to vector<16xf32>
      %mul3A_399 = arith.mulf %mul3A_398, %add3A_396 : vector<16xf32>
      %div3A_400 = arith.divf %add3A_384, %mul3A_399 : vector<16xf32>
      %add3A_401 = arith.addf %mul3A_399, %div3A_400 : vector<16xf32>
      %mul3A_402 = arith.constant 5.000000e-01 : f32
      %mul3A_403 = vector.broadcast %mul3A_402 : f32 to vector<16xf32>
      %mul3A_404 = arith.mulf %mul3A_403, %add3A_401 : vector<16xf32>
      %neg3A = arith.constant 0.000000e+00 : f32
      %neg3A_405 = vector.broadcast %neg3A : f32 to vector<16xf32>
      %neg3A_406 = arith.subf %neg3A_405, %mul3A_404 : vector<16xf32>
      %mul3A_407 = arith.constant 16 : i32
      %mul3A_408 = arith.muli %scan3A_316, %mul3A_407 : i32
      %add3A_409 = vector.broadcast %mul3A_408 : i32 to vector<16xi32>
      %add3A_410 = arith.addi %add3A_409, %iota3A : vector<16xi32>
      tpu.vector_store_idx %arg20[%add3A_410], %neg3A_406 : memref<64xf32, #tpu.memory_space<vmem>>[vector<16xi32>], vector<16xf32>,
    }
    %scan3A_153 = arith.constant 4 : i32
    %add3A_154 = arith.constant 128 : i32
    %add3A_155 = arith.addi %mul3A_2, %add3A_154 : i32
    "tpu.region"() ({
      %run_scoped3A = tpu.sem_alloc : memref<!tpu.dma_semaphore, #tpu.memory_space<semaphore_mem>>
      %dma_start3A_316 = tpu.memref_slice %arg7[%add3A_155] : memref<16384xf32, #tpu.memory_space<hbm>> -> memref<64xf32, #tpu.memory_space<hbm>>
      %dma_start3A_317 = tpu.memref_slice %arg7[%add3A_155] : memref<16384xf32, #tpu.memory_space<hbm>> -> memref<64xf32, #tpu.memory_space<hbm>>
      tpu.enqueue_dma source(%arg20 : memref<64xf32, #tpu.memory_space<vmem>>) target(%dma_start3A_317 : memref<64xf32, #tpu.memory_space<hbm>>) target_semaphore(%run_scoped3A : memref<!tpu.dma_semaphore, #tpu.memory_space<semaphore_mem>>)
      %dma_wait3A_318 = tpu.memref_slice %arg7[%add3A_155] : memref<16384xf32, #tpu.memory_space<hbm>> -> memref<64xf32, #tpu.memory_space<hbm>>
      %dma_wait3A_319 = tpu.memref_slice %arg7[%add3A_155] : memref<16384xf32, #tpu.memory_space<hbm>> -> memref<64xf32, #tpu.memory_space<hbm>>
      tpu.wait_dma2 semaphore(%run_scoped3A : memref<!tpu.dma_semaphore, #tpu.memory_space<semaphore_mem>>) src(%arg20 : memref<64xf32, #tpu.memory_space<vmem>>) dst(%dma_wait3A_319 : memref<64xf32, #tpu.memory_space<hbm>>)
      tpu.yield
    }) : () -> ()
    %dma_wait3A_156 = arith.constant 192 : i32
    %dma_wait3A_157 = tpu.memref_slice %arg8[%dma_wait3A_156] : memref<512xi32, #tpu.memory_space<vmem>> -> memref<64xi32, #tpu.memory_space<vmem>>
    %dma_wait3A_158 = arith.constant 0 : i32
    %dma_wait3A_159 = arith.constant 0 : i32
    %dma_wait3A_160 = tpu.memref_slice %arg5[%dma_wait3A_158, %dma_wait3A_159] : memref<1000000x128xf32, #tpu.memory_space<hbm>> -> memref<1000000x128xf32, #tpu.memory_space<hbm>>
    tpu.wait_indirect_dma semaphore(%arg21 : memref<!tpu.dma_semaphore, #tpu.memory_space<semaphore_mem>>) src(%dma_wait3A_160 : memref<1000000x128xf32, #tpu.memory_space<hbm>>) dst(%arg11 : memref<64x128xf32, #tpu.memory_space<vmem>>)
    %dma_wait3A_161 = arith.constant 192 : i32
    %dma_wait3A_162 = tpu.memref_slice %arg9[%dma_wait3A_161] : memref<512xi32, #tpu.memory_space<vmem>> -> memref<64xi32, #tpu.memory_space<vmem>>
    %dma_wait3A_163 = arith.constant 0 : i32
    %dma_wait3A_164 = arith.constant 0 : i32
    %dma_wait3A_165 = tpu.memref_slice %arg6[%dma_wait3A_163, %dma_wait3A_164] : memref<1000x128xf32, #tpu.memory_space<hbm>> -> memref<1000x128xf32, #tpu.memory_space<hbm>>
    tpu.wait_indirect_dma semaphore(%arg21 : memref<!tpu.dma_semaphore, #tpu.memory_space<semaphore_mem>>) src(%dma_wait3A_165 : memref<1000x128xf32, #tpu.memory_space<hbm>>) dst(%arg14 : memref<64x128xf32, #tpu.memory_space<vmem>>)
    %dma_wait3A_166 = arith.constant 192 : i32
    %dma_wait3A_167 = tpu.memref_slice %arg10[%dma_wait3A_166] : memref<512xi32, #tpu.memory_space<vmem>> -> memref<64xi32, #tpu.memory_space<vmem>>
    %dma_wait3A_168 = arith.constant 0 : i32
    %dma_wait3A_169 = arith.constant 0 : i32
    %dma_wait3A_170 = tpu.memref_slice %arg5[%dma_wait3A_168, %dma_wait3A_169] : memref<1000000x128xf32, #tpu.memory_space<hbm>> -> memref<1000000x128xf32, #tpu.memory_space<hbm>>
    tpu.wait_indirect_dma semaphore(%arg21 : memref<!tpu.dma_semaphore, #tpu.memory_space<semaphore_mem>>) src(%dma_wait3A_170 : memref<1000000x128xf32, #tpu.memory_space<hbm>>) dst(%arg17 : memref<64x128xf32, #tpu.memory_space<vmem>>)
    %dma_start3A_171 = arith.constant 320 : i32
    %dma_start3A_172 = tpu.memref_slice %arg8[%dma_start3A_171] : memref<512xi32, #tpu.memory_space<vmem>> -> memref<64xi32, #tpu.memory_space<vmem>>
    %dma_start3A_173 = arith.constant 0 : i32
    %dma_start3A_174 = arith.constant 0 : i32
    %dma_start3A_175 = tpu.memref_slice %arg5[%dma_start3A_173, %dma_start3A_174] : memref<1000000x128xf32, #tpu.memory_space<hbm>> -> memref<1000000x128xf32, #tpu.memory_space<hbm>>
    tpu.enqueue_indirect_dma source(%dma_start3A_175 : memref<1000000x128xf32, #tpu.memory_space<hbm>>) target(%arg13 : memref<64x128xf32, #tpu.memory_space<vmem>>) offsets(%dma_start3A_172 : memref<64xi32, #tpu.memory_space<vmem>>) semaphore(%arg23 : memref<!tpu.dma_semaphore, #tpu.memory_space<semaphore_mem>>)
    %dma_start3A_176 = arith.constant 320 : i32
    %dma_start3A_177 = tpu.memref_slice %arg9[%dma_start3A_176] : memref<512xi32, #tpu.memory_space<vmem>> -> memref<64xi32, #tpu.memory_space<vmem>>
    %dma_start3A_178 = arith.constant 0 : i32
    %dma_start3A_179 = arith.constant 0 : i32
    %dma_start3A_180 = tpu.memref_slice %arg6[%dma_start3A_178, %dma_start3A_179] : memref<1000x128xf32, #tpu.memory_space<hbm>> -> memref<1000x128xf32, #tpu.memory_space<hbm>>
    tpu.enqueue_indirect_dma source(%dma_start3A_180 : memref<1000x128xf32, #tpu.memory_space<hbm>>) target(%arg16 : memref<64x128xf32, #tpu.memory_space<vmem>>) offsets(%dma_start3A_177 : memref<64xi32, #tpu.memory_space<vmem>>) semaphore(%arg23 : memref<!tpu.dma_semaphore, #tpu.memory_space<semaphore_mem>>)
    %dma_start3A_181 = arith.constant 320 : i32
    %dma_start3A_182 = tpu.memref_slice %arg10[%dma_start3A_181] : memref<512xi32, #tpu.memory_space<vmem>> -> memref<64xi32, #tpu.memory_space<vmem>>
    %dma_start3A_183 = arith.constant 0 : i32
    %dma_start3A_184 = arith.constant 0 : i32
    %dma_start3A_185 = tpu.memref_slice %arg5[%dma_start3A_183, %dma_start3A_184] : memref<1000000x128xf32, #tpu.memory_space<hbm>> -> memref<1000000x128xf32, #tpu.memory_space<hbm>>
    tpu.enqueue_indirect_dma source(%dma_start3A_185 : memref<1000000x128xf32, #tpu.memory_space<hbm>>) target(%arg19 : memref<64x128xf32, #tpu.memory_space<vmem>>) offsets(%dma_start3A_182 : memref<64xi32, #tpu.memory_space<vmem>>) semaphore(%arg23 : memref<!tpu.dma_semaphore, #tpu.memory_space<semaphore_mem>>)
    %scan3A_186 = arith.constant 0 : i32
    %scan3A_187 = arith.constant 0 : i32
    %scan3A_188 = arith.constant 4 : i32
    %scan3A_189 = arith.addi %scan3A_187, %scan3A_188 : i32
    %scan3A_190 = arith.constant 1 : i32
    scf.for %scan3A_316 = %scan3A_187 to %scan3A_189 step %scan3A_190  : i32 {
      %mul3A_317 = arith.constant 16 : i32
      %mul3A_318 = arith.muli %scan3A_316, %mul3A_317 : i32
      %add3A_319 = vector.broadcast %mul3A_318 : i32 to vector<16xi32>
      %add3A_320 = arith.addi %add3A_319, %iota3A : vector<16xi32>
      %broadcast_in_dim3A = arith.constant 0.000000e+00 : f32
      %broadcast_in_dim3A_321 = vector.broadcast %broadcast_in_dim3A : f32 to vector<16xf32>
      %broadcast_in_dim3A_322 = arith.constant 0 : i32
      %broadcast_in_dim3A_323 = vector.broadcast %broadcast_in_dim3A_322 : i32 to vector<16xi32>
      %gather3A = tpu.vector_load_idx %arg11[%add3A_320, %broadcast_in_dim3A_323] : memref<64x128xf32, #tpu.memory_space<vmem>>[vector<16xi32>, vector<16xi32>], vector<16xf32>,
      %add3A_324 = arith.addf %broadcast_in_dim3A_321, %gather3A : vector<16xf32>
      %broadcast_in_dim3A_325 = arith.constant 1 : i32
      %broadcast_in_dim3A_326 = vector.broadcast %broadcast_in_dim3A_325 : i32 to vector<16xi32>
      %gather3A_327 = tpu.vector_load_idx %arg11[%add3A_320, %broadcast_in_dim3A_326] : memref<64x128xf32, #tpu.memory_space<vmem>>[vector<16xi32>, vector<16xi32>], vector<16xf32>,
      %add3A_328 = arith.addf %add3A_324, %gather3A_327 : vector<16xf32>
      %broadcast_in_dim3A_329 = arith.constant 2 : i32
      %broadcast_in_dim3A_330 = vector.broadcast %broadcast_in_dim3A_329 : i32 to vector<16xi32>
      %gather3A_331 = tpu.vector_load_idx %arg11[%add3A_320, %broadcast_in_dim3A_330] : memref<64x128xf32, #tpu.memory_space<vmem>>[vector<16xi32>, vector<16xi32>], vector<16xf32>,
      %add3A_332 = arith.addf %add3A_328, %gather3A_331 : vector<16xf32>
      %broadcast_in_dim3A_333 = arith.constant 3 : i32
      %broadcast_in_dim3A_334 = vector.broadcast %broadcast_in_dim3A_333 : i32 to vector<16xi32>
      %gather3A_335 = tpu.vector_load_idx %arg11[%add3A_320, %broadcast_in_dim3A_334] : memref<64x128xf32, #tpu.memory_space<vmem>>[vector<16xi32>, vector<16xi32>], vector<16xf32>,
      %add3A_336 = arith.addf %add3A_332, %gather3A_335 : vector<16xf32>
      %broadcast_in_dim3A_337 = arith.constant 4 : i32
      %broadcast_in_dim3A_338 = vector.broadcast %broadcast_in_dim3A_337 : i32 to vector<16xi32>
      %gather3A_339 = tpu.vector_load_idx %arg11[%add3A_320, %broadcast_in_dim3A_338] : memref<64x128xf32, #tpu.memory_space<vmem>>[vector<16xi32>, vector<16xi32>], vector<16xf32>,
      %add3A_340 = arith.addf %add3A_336, %gather3A_339 : vector<16xf32>
      %broadcast_in_dim3A_341 = arith.constant 5 : i32
      %broadcast_in_dim3A_342 = vector.broadcast %broadcast_in_dim3A_341 : i32 to vector<16xi32>
      %gather3A_343 = tpu.vector_load_idx %arg11[%add3A_320, %broadcast_in_dim3A_342] : memref<64x128xf32, #tpu.memory_space<vmem>>[vector<16xi32>, vector<16xi32>], vector<16xf32>,
      %add3A_344 = arith.addf %add3A_340, %gather3A_343 : vector<16xf32>
      %broadcast_in_dim3A_345 = arith.constant 6 : i32
      %broadcast_in_dim3A_346 = vector.broadcast %broadcast_in_dim3A_345 : i32 to vector<16xi32>
      %gather3A_347 = tpu.vector_load_idx %arg11[%add3A_320, %broadcast_in_dim3A_346] : memref<64x128xf32, #tpu.memory_space<vmem>>[vector<16xi32>, vector<16xi32>], vector<16xf32>,
      %add3A_348 = arith.addf %add3A_344, %gather3A_347 : vector<16xf32>
      %broadcast_in_dim3A_349 = arith.constant 7 : i32
      %broadcast_in_dim3A_350 = vector.broadcast %broadcast_in_dim3A_349 : i32 to vector<16xi32>
      %gather3A_351 = tpu.vector_load_idx %arg11[%add3A_320, %broadcast_in_dim3A_350] : memref<64x128xf32, #tpu.memory_space<vmem>>[vector<16xi32>, vector<16xi32>], vector<16xf32>,
      %add3A_352 = arith.addf %add3A_348, %gather3A_351 : vector<16xf32>
      %broadcast_in_dim3A_353 = arith.constant 8 : i32
      %broadcast_in_dim3A_354 = vector.broadcast %broadcast_in_dim3A_353 : i32 to vector<16xi32>
      %gather3A_355 = tpu.vector_load_idx %arg11[%add3A_320, %broadcast_in_dim3A_354] : memref<64x128xf32, #tpu.memory_space<vmem>>[vector<16xi32>, vector<16xi32>], vector<16xf32>,
      %add3A_356 = arith.addf %add3A_352, %gather3A_355 : vector<16xf32>
      %broadcast_in_dim3A_357 = arith.constant 9 : i32
      %broadcast_in_dim3A_358 = vector.broadcast %broadcast_in_dim3A_357 : i32 to vector<16xi32>
      %gather3A_359 = tpu.vector_load_idx %arg11[%add3A_320, %broadcast_in_dim3A_358] : memref<64x128xf32, #tpu.memory_space<vmem>>[vector<16xi32>, vector<16xi32>], vector<16xf32>,
      %add3A_360 = arith.addf %add3A_356, %gather3A_359 : vector<16xf32>
      %broadcast_in_dim3A_361 = arith.constant 10 : i32
      %broadcast_in_dim3A_362 = vector.broadcast %broadcast_in_dim3A_361 : i32 to vector<16xi32>
      %gather3A_363 = tpu.vector_load_idx %arg11[%add3A_320, %broadcast_in_dim3A_362] : memref<64x128xf32, #tpu.memory_space<vmem>>[vector<16xi32>, vector<16xi32>], vector<16xf32>,
      %add3A_364 = arith.addf %add3A_360, %gather3A_363 : vector<16xf32>
      %broadcast_in_dim3A_365 = arith.constant 11 : i32
      %broadcast_in_dim3A_366 = vector.broadcast %broadcast_in_dim3A_365 : i32 to vector<16xi32>
      %gather3A_367 = tpu.vector_load_idx %arg11[%add3A_320, %broadcast_in_dim3A_366] : memref<64x128xf32, #tpu.memory_space<vmem>>[vector<16xi32>, vector<16xi32>], vector<16xf32>,
      %add3A_368 = arith.addf %add3A_364, %gather3A_367 : vector<16xf32>
      %broadcast_in_dim3A_369 = arith.constant 12 : i32
      %broadcast_in_dim3A_370 = vector.broadcast %broadcast_in_dim3A_369 : i32 to vector<16xi32>
      %gather3A_371 = tpu.vector_load_idx %arg11[%add3A_320, %broadcast_in_dim3A_370] : memref<64x128xf32, #tpu.memory_space<vmem>>[vector<16xi32>, vector<16xi32>], vector<16xf32>,
      %add3A_372 = arith.addf %add3A_368, %gather3A_371 : vector<16xf32>
      %broadcast_in_dim3A_373 = arith.constant 13 : i32
      %broadcast_in_dim3A_374 = vector.broadcast %broadcast_in_dim3A_373 : i32 to vector<16xi32>
      %gather3A_375 = tpu.vector_load_idx %arg11[%add3A_320, %broadcast_in_dim3A_374] : memref<64x128xf32, #tpu.memory_space<vmem>>[vector<16xi32>, vector<16xi32>], vector<16xf32>,
      %add3A_376 = arith.addf %add3A_372, %gather3A_375 : vector<16xf32>
      %broadcast_in_dim3A_377 = arith.constant 14 : i32
      %broadcast_in_dim3A_378 = vector.broadcast %broadcast_in_dim3A_377 : i32 to vector<16xi32>
      %gather3A_379 = tpu.vector_load_idx %arg11[%add3A_320, %broadcast_in_dim3A_378] : memref<64x128xf32, #tpu.memory_space<vmem>>[vector<16xi32>, vector<16xi32>], vector<16xf32>,
      %add3A_380 = arith.addf %add3A_376, %gather3A_379 : vector<16xf32>
      %broadcast_in_dim3A_381 = arith.constant 15 : i32
      %broadcast_in_dim3A_382 = vector.broadcast %broadcast_in_dim3A_381 : i32 to vector<16xi32>
      %gather3A_383 = tpu.vector_load_idx %arg11[%add3A_320, %broadcast_in_dim3A_382] : memref<64x128xf32, #tpu.memory_space<vmem>>[vector<16xi32>, vector<16xi32>], vector<16xf32>,
      %add3A_384 = arith.addf %add3A_380, %gather3A_383 : vector<16xf32>
      %bitcast3A = vector.bitcast %add3A_384 : vector<16xf32> to vector<16xi32>
      %shift_right_logical3A = arith.constant 1 : i32
      %shift_right_logical3A_385 = vector.broadcast %shift_right_logical3A : i32 to vector<16xi32>
      %shift_right_logical3A_386 = arith.shrui %bitcast3A, %shift_right_logical3A_385 : vector<16xi32>
      %add3A_387 = arith.constant 532487669 : i32
      %add3A_388 = vector.broadcast %add3A_387 : i32 to vector<16xi32>
      %add3A_389 = arith.addi %add3A_388, %shift_right_logical3A_386 : vector<16xi32>
      %bitcast3A_390 = vector.bitcast %add3A_389 : vector<16xi32> to vector<16xf32>
      %div3A = arith.divf %add3A_384, %bitcast3A_390 : vector<16xf32>
      %add3A_391 = arith.addf %bitcast3A_390, %div3A : vector<16xf32>
      %mul3A_392 = arith.constant 5.000000e-01 : f32
      %mul3A_393 = vector.broadcast %mul3A_392 : f32 to vector<16xf32>
      %mul3A_394 = arith.mulf %mul3A_393, %add3A_391 : vector<16xf32>
      %div3A_395 = arith.divf %add3A_384, %mul3A_394 : vector<16xf32>
      %add3A_396 = arith.addf %mul3A_394, %div3A_395 : vector<16xf32>
      %mul3A_397 = arith.constant 5.000000e-01 : f32
      %mul3A_398 = vector.broadcast %mul3A_397 : f32 to vector<16xf32>
      %mul3A_399 = arith.mulf %mul3A_398, %add3A_396 : vector<16xf32>
      %div3A_400 = arith.divf %add3A_384, %mul3A_399 : vector<16xf32>
      %add3A_401 = arith.addf %mul3A_399, %div3A_400 : vector<16xf32>
      %mul3A_402 = arith.constant 5.000000e-01 : f32
      %mul3A_403 = vector.broadcast %mul3A_402 : f32 to vector<16xf32>
      %mul3A_404 = arith.mulf %mul3A_403, %add3A_401 : vector<16xf32>
      %neg3A = arith.constant 0.000000e+00 : f32
      %neg3A_405 = vector.broadcast %neg3A : f32 to vector<16xf32>
      %neg3A_406 = arith.subf %neg3A_405, %mul3A_404 : vector<16xf32>
      %mul3A_407 = arith.constant 16 : i32
      %mul3A_408 = arith.muli %scan3A_316, %mul3A_407 : i32
      %add3A_409 = vector.broadcast %mul3A_408 : i32 to vector<16xi32>
      %add3A_410 = arith.addi %add3A_409, %iota3A : vector<16xi32>
      tpu.vector_store_idx %arg20[%add3A_410], %neg3A_406 : memref<64xf32, #tpu.memory_space<vmem>>[vector<16xi32>], vector<16xf32>,
    }
    %scan3A_191 = arith.constant 4 : i32
    %add3A_192 = arith.constant 192 : i32
    %add3A_193 = arith.addi %mul3A_2, %add3A_192 : i32
    "tpu.region"() ({
      %run_scoped3A = tpu.sem_alloc : memref<!tpu.dma_semaphore, #tpu.memory_space<semaphore_mem>>
      %dma_start3A_316 = tpu.memref_slice %arg7[%add3A_193] : memref<16384xf32, #tpu.memory_space<hbm>> -> memref<64xf32, #tpu.memory_space<hbm>>
      %dma_start3A_317 = tpu.memref_slice %arg7[%add3A_193] : memref<16384xf32, #tpu.memory_space<hbm>> -> memref<64xf32, #tpu.memory_space<hbm>>
      tpu.enqueue_dma source(%arg20 : memref<64xf32, #tpu.memory_space<vmem>>) target(%dma_start3A_317 : memref<64xf32, #tpu.memory_space<hbm>>) target_semaphore(%run_scoped3A : memref<!tpu.dma_semaphore, #tpu.memory_space<semaphore_mem>>)
      %dma_wait3A_318 = tpu.memref_slice %arg7[%add3A_193] : memref<16384xf32, #tpu.memory_space<hbm>> -> memref<64xf32, #tpu.memory_space<hbm>>
      %dma_wait3A_319 = tpu.memref_slice %arg7[%add3A_193] : memref<16384xf32, #tpu.memory_space<hbm>> -> memref<64xf32, #tpu.memory_space<hbm>>
      tpu.wait_dma2 semaphore(%run_scoped3A : memref<!tpu.dma_semaphore, #tpu.memory_space<semaphore_mem>>) src(%arg20 : memref<64xf32, #tpu.memory_space<vmem>>) dst(%dma_wait3A_319 : memref<64xf32, #tpu.memory_space<hbm>>)
      tpu.yield
    }) : () -> ()
    %dma_wait3A_194 = arith.constant 256 : i32
    %dma_wait3A_195 = tpu.memref_slice %arg8[%dma_wait3A_194] : memref<512xi32, #tpu.memory_space<vmem>> -> memref<64xi32, #tpu.memory_space<vmem>>
    %dma_wait3A_196 = arith.constant 0 : i32
    %dma_wait3A_197 = arith.constant 0 : i32
    %dma_wait3A_198 = tpu.memref_slice %arg5[%dma_wait3A_196, %dma_wait3A_197] : memref<1000000x128xf32, #tpu.memory_space<hbm>> -> memref<1000000x128xf32, #tpu.memory_space<hbm>>
    tpu.wait_indirect_dma semaphore(%arg22 : memref<!tpu.dma_semaphore, #tpu.memory_space<semaphore_mem>>) src(%dma_wait3A_198 : memref<1000000x128xf32, #tpu.memory_space<hbm>>) dst(%arg12 : memref<64x128xf32, #tpu.memory_space<vmem>>)
    %dma_wait3A_199 = arith.constant 256 : i32
    %dma_wait3A_200 = tpu.memref_slice %arg9[%dma_wait3A_199] : memref<512xi32, #tpu.memory_space<vmem>> -> memref<64xi32, #tpu.memory_space<vmem>>
    %dma_wait3A_201 = arith.constant 0 : i32
    %dma_wait3A_202 = arith.constant 0 : i32
    %dma_wait3A_203 = tpu.memref_slice %arg6[%dma_wait3A_201, %dma_wait3A_202] : memref<1000x128xf32, #tpu.memory_space<hbm>> -> memref<1000x128xf32, #tpu.memory_space<hbm>>
    tpu.wait_indirect_dma semaphore(%arg22 : memref<!tpu.dma_semaphore, #tpu.memory_space<semaphore_mem>>) src(%dma_wait3A_203 : memref<1000x128xf32, #tpu.memory_space<hbm>>) dst(%arg15 : memref<64x128xf32, #tpu.memory_space<vmem>>)
    %dma_wait3A_204 = arith.constant 256 : i32
    %dma_wait3A_205 = tpu.memref_slice %arg10[%dma_wait3A_204] : memref<512xi32, #tpu.memory_space<vmem>> -> memref<64xi32, #tpu.memory_space<vmem>>
    %dma_wait3A_206 = arith.constant 0 : i32
    %dma_wait3A_207 = arith.constant 0 : i32
    %dma_wait3A_208 = tpu.memref_slice %arg5[%dma_wait3A_206, %dma_wait3A_207] : memref<1000000x128xf32, #tpu.memory_space<hbm>> -> memref<1000000x128xf32, #tpu.memory_space<hbm>>
    tpu.wait_indirect_dma semaphore(%arg22 : memref<!tpu.dma_semaphore, #tpu.memory_space<semaphore_mem>>) src(%dma_wait3A_208 : memref<1000000x128xf32, #tpu.memory_space<hbm>>) dst(%arg18 : memref<64x128xf32, #tpu.memory_space<vmem>>)
    %dma_start3A_209 = arith.constant 384 : i32
    %dma_start3A_210 = tpu.memref_slice %arg8[%dma_start3A_209] : memref<512xi32, #tpu.memory_space<vmem>> -> memref<64xi32, #tpu.memory_space<vmem>>
    %dma_start3A_211 = arith.constant 0 : i32
    %dma_start3A_212 = arith.constant 0 : i32
    %dma_start3A_213 = tpu.memref_slice %arg5[%dma_start3A_211, %dma_start3A_212] : memref<1000000x128xf32, #tpu.memory_space<hbm>> -> memref<1000000x128xf32, #tpu.memory_space<hbm>>
    tpu.enqueue_indirect_dma source(%dma_start3A_213 : memref<1000000x128xf32, #tpu.memory_space<hbm>>) target(%arg11 : memref<64x128xf32, #tpu.memory_space<vmem>>) offsets(%dma_start3A_210 : memref<64xi32, #tpu.memory_space<vmem>>) semaphore(%arg21 : memref<!tpu.dma_semaphore, #tpu.memory_space<semaphore_mem>>)
    %dma_start3A_214 = arith.constant 384 : i32
    %dma_start3A_215 = tpu.memref_slice %arg9[%dma_start3A_214] : memref<512xi32, #tpu.memory_space<vmem>> -> memref<64xi32, #tpu.memory_space<vmem>>
    %dma_start3A_216 = arith.constant 0 : i32
    %dma_start3A_217 = arith.constant 0 : i32
    %dma_start3A_218 = tpu.memref_slice %arg6[%dma_start3A_216, %dma_start3A_217] : memref<1000x128xf32, #tpu.memory_space<hbm>> -> memref<1000x128xf32, #tpu.memory_space<hbm>>
    tpu.enqueue_indirect_dma source(%dma_start3A_218 : memref<1000x128xf32, #tpu.memory_space<hbm>>) target(%arg14 : memref<64x128xf32, #tpu.memory_space<vmem>>) offsets(%dma_start3A_215 : memref<64xi32, #tpu.memory_space<vmem>>) semaphore(%arg21 : memref<!tpu.dma_semaphore, #tpu.memory_space<semaphore_mem>>)
    %dma_start3A_219 = arith.constant 384 : i32
    %dma_start3A_220 = tpu.memref_slice %arg10[%dma_start3A_219] : memref<512xi32, #tpu.memory_space<vmem>> -> memref<64xi32, #tpu.memory_space<vmem>>
    %dma_start3A_221 = arith.constant 0 : i32
    %dma_start3A_222 = arith.constant 0 : i32
    %dma_start3A_223 = tpu.memref_slice %arg5[%dma_start3A_221, %dma_start3A_222] : memref<1000000x128xf32, #tpu.memory_space<hbm>> -> memref<1000000x128xf32, #tpu.memory_space<hbm>>
    tpu.enqueue_indirect_dma source(%dma_start3A_223 : memref<1000000x128xf32, #tpu.memory_space<hbm>>) target(%arg17 : memref<64x128xf32, #tpu.memory_space<vmem>>) offsets(%dma_start3A_220 : memref<64xi32, #tpu.memory_space<vmem>>) semaphore(%arg21 : memref<!tpu.dma_semaphore, #tpu.memory_space<semaphore_mem>>)
    %scan3A_224 = arith.constant 0 : i32
    %scan3A_225 = arith.constant 0 : i32
    %scan3A_226 = arith.constant 4 : i32
    %scan3A_227 = arith.addi %scan3A_225, %scan3A_226 : i32
    %scan3A_228 = arith.constant 1 : i32
    scf.for %scan3A_316 = %scan3A_225 to %scan3A_227 step %scan3A_228  : i32 {
      %mul3A_317 = arith.constant 16 : i32
      %mul3A_318 = arith.muli %scan3A_316, %mul3A_317 : i32
      %add3A_319 = vector.broadcast %mul3A_318 : i32 to vector<16xi32>
      %add3A_320 = arith.addi %add3A_319, %iota3A : vector<16xi32>
      %broadcast_in_dim3A = arith.constant 0.000000e+00 : f32
      %broadcast_in_dim3A_321 = vector.broadcast %broadcast_in_dim3A : f32 to vector<16xf32>
      %broadcast_in_dim3A_322 = arith.constant 0 : i32
      %broadcast_in_dim3A_323 = vector.broadcast %broadcast_in_dim3A_322 : i32 to vector<16xi32>
      %gather3A = tpu.vector_load_idx %arg12[%add3A_320, %broadcast_in_dim3A_323] : memref<64x128xf32, #tpu.memory_space<vmem>>[vector<16xi32>, vector<16xi32>], vector<16xf32>,
      %add3A_324 = arith.addf %broadcast_in_dim3A_321, %gather3A : vector<16xf32>
      %broadcast_in_dim3A_325 = arith.constant 1 : i32
      %broadcast_in_dim3A_326 = vector.broadcast %broadcast_in_dim3A_325 : i32 to vector<16xi32>
      %gather3A_327 = tpu.vector_load_idx %arg12[%add3A_320, %broadcast_in_dim3A_326] : memref<64x128xf32, #tpu.memory_space<vmem>>[vector<16xi32>, vector<16xi32>], vector<16xf32>,
      %add3A_328 = arith.addf %add3A_324, %gather3A_327 : vector<16xf32>
      %broadcast_in_dim3A_329 = arith.constant 2 : i32
      %broadcast_in_dim3A_330 = vector.broadcast %broadcast_in_dim3A_329 : i32 to vector<16xi32>
      %gather3A_331 = tpu.vector_load_idx %arg12[%add3A_320, %broadcast_in_dim3A_330] : memref<64x128xf32, #tpu.memory_space<vmem>>[vector<16xi32>, vector<16xi32>], vector<16xf32>,
      %add3A_332 = arith.addf %add3A_328, %gather3A_331 : vector<16xf32>
      %broadcast_in_dim3A_333 = arith.constant 3 : i32
      %broadcast_in_dim3A_334 = vector.broadcast %broadcast_in_dim3A_333 : i32 to vector<16xi32>
      %gather3A_335 = tpu.vector_load_idx %arg12[%add3A_320, %broadcast_in_dim3A_334] : memref<64x128xf32, #tpu.memory_space<vmem>>[vector<16xi32>, vector<16xi32>], vector<16xf32>,
      %add3A_336 = arith.addf %add3A_332, %gather3A_335 : vector<16xf32>
      %broadcast_in_dim3A_337 = arith.constant 4 : i32
      %broadcast_in_dim3A_338 = vector.broadcast %broadcast_in_dim3A_337 : i32 to vector<16xi32>
      %gather3A_339 = tpu.vector_load_idx %arg12[%add3A_320, %broadcast_in_dim3A_338] : memref<64x128xf32, #tpu.memory_space<vmem>>[vector<16xi32>, vector<16xi32>], vector<16xf32>,
      %add3A_340 = arith.addf %add3A_336, %gather3A_339 : vector<16xf32>
      %broadcast_in_dim3A_341 = arith.constant 5 : i32
      %broadcast_in_dim3A_342 = vector.broadcast %broadcast_in_dim3A_341 : i32 to vector<16xi32>
      %gather3A_343 = tpu.vector_load_idx %arg12[%add3A_320, %broadcast_in_dim3A_342] : memref<64x128xf32, #tpu.memory_space<vmem>>[vector<16xi32>, vector<16xi32>], vector<16xf32>,
      %add3A_344 = arith.addf %add3A_340, %gather3A_343 : vector<16xf32>
      %broadcast_in_dim3A_345 = arith.constant 6 : i32
      %broadcast_in_dim3A_346 = vector.broadcast %broadcast_in_dim3A_345 : i32 to vector<16xi32>
      %gather3A_347 = tpu.vector_load_idx %arg12[%add3A_320, %broadcast_in_dim3A_346] : memref<64x128xf32, #tpu.memory_space<vmem>>[vector<16xi32>, vector<16xi32>], vector<16xf32>,
      %add3A_348 = arith.addf %add3A_344, %gather3A_347 : vector<16xf32>
      %broadcast_in_dim3A_349 = arith.constant 7 : i32
      %broadcast_in_dim3A_350 = vector.broadcast %broadcast_in_dim3A_349 : i32 to vector<16xi32>
      %gather3A_351 = tpu.vector_load_idx %arg12[%add3A_320, %broadcast_in_dim3A_350] : memref<64x128xf32, #tpu.memory_space<vmem>>[vector<16xi32>, vector<16xi32>], vector<16xf32>,
      %add3A_352 = arith.addf %add3A_348, %gather3A_351 : vector<16xf32>
      %broadcast_in_dim3A_353 = arith.constant 8 : i32
      %broadcast_in_dim3A_354 = vector.broadcast %broadcast_in_dim3A_353 : i32 to vector<16xi32>
      %gather3A_355 = tpu.vector_load_idx %arg12[%add3A_320, %broadcast_in_dim3A_354] : memref<64x128xf32, #tpu.memory_space<vmem>>[vector<16xi32>, vector<16xi32>], vector<16xf32>,
      %add3A_356 = arith.addf %add3A_352, %gather3A_355 : vector<16xf32>
      %broadcast_in_dim3A_357 = arith.constant 9 : i32
      %broadcast_in_dim3A_358 = vector.broadcast %broadcast_in_dim3A_357 : i32 to vector<16xi32>
      %gather3A_359 = tpu.vector_load_idx %arg12[%add3A_320, %broadcast_in_dim3A_358] : memref<64x128xf32, #tpu.memory_space<vmem>>[vector<16xi32>, vector<16xi32>], vector<16xf32>,
      %add3A_360 = arith.addf %add3A_356, %gather3A_359 : vector<16xf32>
      %broadcast_in_dim3A_361 = arith.constant 10 : i32
      %broadcast_in_dim3A_362 = vector.broadcast %broadcast_in_dim3A_361 : i32 to vector<16xi32>
      %gather3A_363 = tpu.vector_load_idx %arg12[%add3A_320, %broadcast_in_dim3A_362] : memref<64x128xf32, #tpu.memory_space<vmem>>[vector<16xi32>, vector<16xi32>], vector<16xf32>,
      %add3A_364 = arith.addf %add3A_360, %gather3A_363 : vector<16xf32>
      %broadcast_in_dim3A_365 = arith.constant 11 : i32
      %broadcast_in_dim3A_366 = vector.broadcast %broadcast_in_dim3A_365 : i32 to vector<16xi32>
      %gather3A_367 = tpu.vector_load_idx %arg12[%add3A_320, %broadcast_in_dim3A_366] : memref<64x128xf32, #tpu.memory_space<vmem>>[vector<16xi32>, vector<16xi32>], vector<16xf32>,
      %add3A_368 = arith.addf %add3A_364, %gather3A_367 : vector<16xf32>
      %broadcast_in_dim3A_369 = arith.constant 12 : i32
      %broadcast_in_dim3A_370 = vector.broadcast %broadcast_in_dim3A_369 : i32 to vector<16xi32>
      %gather3A_371 = tpu.vector_load_idx %arg12[%add3A_320, %broadcast_in_dim3A_370] : memref<64x128xf32, #tpu.memory_space<vmem>>[vector<16xi32>, vector<16xi32>], vector<16xf32>,
      %add3A_372 = arith.addf %add3A_368, %gather3A_371 : vector<16xf32>
      %broadcast_in_dim3A_373 = arith.constant 13 : i32
      %broadcast_in_dim3A_374 = vector.broadcast %broadcast_in_dim3A_373 : i32 to vector<16xi32>
      %gather3A_375 = tpu.vector_load_idx %arg12[%add3A_320, %broadcast_in_dim3A_374] : memref<64x128xf32, #tpu.memory_space<vmem>>[vector<16xi32>, vector<16xi32>], vector<16xf32>,
      %add3A_376 = arith.addf %add3A_372, %gather3A_375 : vector<16xf32>
      %broadcast_in_dim3A_377 = arith.constant 14 : i32
      %broadcast_in_dim3A_378 = vector.broadcast %broadcast_in_dim3A_377 : i32 to vector<16xi32>
      %gather3A_379 = tpu.vector_load_idx %arg12[%add3A_320, %broadcast_in_dim3A_378] : memref<64x128xf32, #tpu.memory_space<vmem>>[vector<16xi32>, vector<16xi32>], vector<16xf32>,
      %add3A_380 = arith.addf %add3A_376, %gather3A_379 : vector<16xf32>
      %broadcast_in_dim3A_381 = arith.constant 15 : i32
      %broadcast_in_dim3A_382 = vector.broadcast %broadcast_in_dim3A_381 : i32 to vector<16xi32>
      %gather3A_383 = tpu.vector_load_idx %arg12[%add3A_320, %broadcast_in_dim3A_382] : memref<64x128xf32, #tpu.memory_space<vmem>>[vector<16xi32>, vector<16xi32>], vector<16xf32>,
      %add3A_384 = arith.addf %add3A_380, %gather3A_383 : vector<16xf32>
      %bitcast3A = vector.bitcast %add3A_384 : vector<16xf32> to vector<16xi32>
      %shift_right_logical3A = arith.constant 1 : i32
      %shift_right_logical3A_385 = vector.broadcast %shift_right_logical3A : i32 to vector<16xi32>
      %shift_right_logical3A_386 = arith.shrui %bitcast3A, %shift_right_logical3A_385 : vector<16xi32>
      %add3A_387 = arith.constant 532487669 : i32
      %add3A_388 = vector.broadcast %add3A_387 : i32 to vector<16xi32>
      %add3A_389 = arith.addi %add3A_388, %shift_right_logical3A_386 : vector<16xi32>
      %bitcast3A_390 = vector.bitcast %add3A_389 : vector<16xi32> to vector<16xf32>
      %div3A = arith.divf %add3A_384, %bitcast3A_390 : vector<16xf32>
      %add3A_391 = arith.addf %bitcast3A_390, %div3A : vector<16xf32>
      %mul3A_392 = arith.constant 5.000000e-01 : f32
      %mul3A_393 = vector.broadcast %mul3A_392 : f32 to vector<16xf32>
      %mul3A_394 = arith.mulf %mul3A_393, %add3A_391 : vector<16xf32>
      %div3A_395 = arith.divf %add3A_384, %mul3A_394 : vector<16xf32>
      %add3A_396 = arith.addf %mul3A_394, %div3A_395 : vector<16xf32>
      %mul3A_397 = arith.constant 5.000000e-01 : f32
      %mul3A_398 = vector.broadcast %mul3A_397 : f32 to vector<16xf32>
      %mul3A_399 = arith.mulf %mul3A_398, %add3A_396 : vector<16xf32>
      %div3A_400 = arith.divf %add3A_384, %mul3A_399 : vector<16xf32>
      %add3A_401 = arith.addf %mul3A_399, %div3A_400 : vector<16xf32>
      %mul3A_402 = arith.constant 5.000000e-01 : f32
      %mul3A_403 = vector.broadcast %mul3A_402 : f32 to vector<16xf32>
      %mul3A_404 = arith.mulf %mul3A_403, %add3A_401 : vector<16xf32>
      %neg3A = arith.constant 0.000000e+00 : f32
      %neg3A_405 = vector.broadcast %neg3A : f32 to vector<16xf32>
      %neg3A_406 = arith.subf %neg3A_405, %mul3A_404 : vector<16xf32>
      %mul3A_407 = arith.constant 16 : i32
      %mul3A_408 = arith.muli %scan3A_316, %mul3A_407 : i32
      %add3A_409 = vector.broadcast %mul3A_408 : i32 to vector<16xi32>
      %add3A_410 = arith.addi %add3A_409, %iota3A : vector<16xi32>
      tpu.vector_store_idx %arg20[%add3A_410], %neg3A_406 : memref<64xf32, #tpu.memory_space<vmem>>[vector<16xi32>], vector<16xf32>,
    }
    %scan3A_229 = arith.constant 4 : i32
    %add3A_230 = arith.constant 256 : i32
    %add3A_231 = arith.addi %mul3A_2, %add3A_230 : i32
    "tpu.region"() ({
      %run_scoped3A = tpu.sem_alloc : memref<!tpu.dma_semaphore, #tpu.memory_space<semaphore_mem>>
      %dma_start3A_316 = tpu.memref_slice %arg7[%add3A_231] : memref<16384xf32, #tpu.memory_space<hbm>> -> memref<64xf32, #tpu.memory_space<hbm>>
      %dma_start3A_317 = tpu.memref_slice %arg7[%add3A_231] : memref<16384xf32, #tpu.memory_space<hbm>> -> memref<64xf32, #tpu.memory_space<hbm>>
      tpu.enqueue_dma source(%arg20 : memref<64xf32, #tpu.memory_space<vmem>>) target(%dma_start3A_317 : memref<64xf32, #tpu.memory_space<hbm>>) target_semaphore(%run_scoped3A : memref<!tpu.dma_semaphore, #tpu.memory_space<semaphore_mem>>)
      %dma_wait3A_318 = tpu.memref_slice %arg7[%add3A_231] : memref<16384xf32, #tpu.memory_space<hbm>> -> memref<64xf32, #tpu.memory_space<hbm>>
      %dma_wait3A_319 = tpu.memref_slice %arg7[%add3A_231] : memref<16384xf32, #tpu.memory_space<hbm>> -> memref<64xf32, #tpu.memory_space<hbm>>
      tpu.wait_dma2 semaphore(%run_scoped3A : memref<!tpu.dma_semaphore, #tpu.memory_space<semaphore_mem>>) src(%arg20 : memref<64xf32, #tpu.memory_space<vmem>>) dst(%dma_wait3A_319 : memref<64xf32, #tpu.memory_space<hbm>>)
      tpu.yield
    }) : () -> ()
    %dma_wait3A_232 = arith.constant 320 : i32
    %dma_wait3A_233 = tpu.memref_slice %arg8[%dma_wait3A_232] : memref<512xi32, #tpu.memory_space<vmem>> -> memref<64xi32, #tpu.memory_space<vmem>>
    %dma_wait3A_234 = arith.constant 0 : i32
    %dma_wait3A_235 = arith.constant 0 : i32
    %dma_wait3A_236 = tpu.memref_slice %arg5[%dma_wait3A_234, %dma_wait3A_235] : memref<1000000x128xf32, #tpu.memory_space<hbm>> -> memref<1000000x128xf32, #tpu.memory_space<hbm>>
    tpu.wait_indirect_dma semaphore(%arg23 : memref<!tpu.dma_semaphore, #tpu.memory_space<semaphore_mem>>) src(%dma_wait3A_236 : memref<1000000x128xf32, #tpu.memory_space<hbm>>) dst(%arg13 : memref<64x128xf32, #tpu.memory_space<vmem>>)
    %dma_wait3A_237 = arith.constant 320 : i32
    %dma_wait3A_238 = tpu.memref_slice %arg9[%dma_wait3A_237] : memref<512xi32, #tpu.memory_space<vmem>> -> memref<64xi32, #tpu.memory_space<vmem>>
    %dma_wait3A_239 = arith.constant 0 : i32
    %dma_wait3A_240 = arith.constant 0 : i32
    %dma_wait3A_241 = tpu.memref_slice %arg6[%dma_wait3A_239, %dma_wait3A_240] : memref<1000x128xf32, #tpu.memory_space<hbm>> -> memref<1000x128xf32, #tpu.memory_space<hbm>>
    tpu.wait_indirect_dma semaphore(%arg23 : memref<!tpu.dma_semaphore, #tpu.memory_space<semaphore_mem>>) src(%dma_wait3A_241 : memref<1000x128xf32, #tpu.memory_space<hbm>>) dst(%arg16 : memref<64x128xf32, #tpu.memory_space<vmem>>)
    %dma_wait3A_242 = arith.constant 320 : i32
    %dma_wait3A_243 = tpu.memref_slice %arg10[%dma_wait3A_242] : memref<512xi32, #tpu.memory_space<vmem>> -> memref<64xi32, #tpu.memory_space<vmem>>
    %dma_wait3A_244 = arith.constant 0 : i32
    %dma_wait3A_245 = arith.constant 0 : i32
    %dma_wait3A_246 = tpu.memref_slice %arg5[%dma_wait3A_244, %dma_wait3A_245] : memref<1000000x128xf32, #tpu.memory_space<hbm>> -> memref<1000000x128xf32, #tpu.memory_space<hbm>>
    tpu.wait_indirect_dma semaphore(%arg23 : memref<!tpu.dma_semaphore, #tpu.memory_space<semaphore_mem>>) src(%dma_wait3A_246 : memref<1000000x128xf32, #tpu.memory_space<hbm>>) dst(%arg19 : memref<64x128xf32, #tpu.memory_space<vmem>>)
    %dma_start3A_247 = arith.constant 448 : i32
    %dma_start3A_248 = tpu.memref_slice %arg8[%dma_start3A_247] : memref<512xi32, #tpu.memory_space<vmem>> -> memref<64xi32, #tpu.memory_space<vmem>>
    %dma_start3A_249 = arith.constant 0 : i32
    %dma_start3A_250 = arith.constant 0 : i32
    %dma_start3A_251 = tpu.memref_slice %arg5[%dma_start3A_249, %dma_start3A_250] : memref<1000000x128xf32, #tpu.memory_space<hbm>> -> memref<1000000x128xf32, #tpu.memory_space<hbm>>
    tpu.enqueue_indirect_dma source(%dma_start3A_251 : memref<1000000x128xf32, #tpu.memory_space<hbm>>) target(%arg12 : memref<64x128xf32, #tpu.memory_space<vmem>>) offsets(%dma_start3A_248 : memref<64xi32, #tpu.memory_space<vmem>>) semaphore(%arg22 : memref<!tpu.dma_semaphore, #tpu.memory_space<semaphore_mem>>)
    %dma_start3A_252 = arith.constant 448 : i32
    %dma_start3A_253 = tpu.memref_slice %arg9[%dma_start3A_252] : memref<512xi32, #tpu.memory_space<vmem>> -> memref<64xi32, #tpu.memory_space<vmem>>
    %dma_start3A_254 = arith.constant 0 : i32
    %dma_start3A_255 = arith.constant 0 : i32
    %dma_start3A_256 = tpu.memref_slice %arg6[%dma_start3A_254, %dma_start3A_255] : memref<1000x128xf32, #tpu.memory_space<hbm>> -> memref<1000x128xf32, #tpu.memory_space<hbm>>
    tpu.enqueue_indirect_dma source(%dma_start3A_256 : memref<1000x128xf32, #tpu.memory_space<hbm>>) target(%arg15 : memref<64x128xf32, #tpu.memory_space<vmem>>) offsets(%dma_start3A_253 : memref<64xi32, #tpu.memory_space<vmem>>) semaphore(%arg22 : memref<!tpu.dma_semaphore, #tpu.memory_space<semaphore_mem>>)
    %dma_start3A_257 = arith.constant 448 : i32
    %dma_start3A_258 = tpu.memref_slice %arg10[%dma_start3A_257] : memref<512xi32, #tpu.memory_space<vmem>> -> memref<64xi32, #tpu.memory_space<vmem>>
    %dma_start3A_259 = arith.constant 0 : i32
    %dma_start3A_260 = arith.constant 0 : i32
    %dma_start3A_261 = tpu.memref_slice %arg5[%dma_start3A_259, %dma_start3A_260] : memref<1000000x128xf32, #tpu.memory_space<hbm>> -> memref<1000000x128xf32, #tpu.memory_space<hbm>>
    tpu.enqueue_indirect_dma source(%dma_start3A_261 : memref<1000000x128xf32, #tpu.memory_space<hbm>>) target(%arg18 : memref<64x128xf32, #tpu.memory_space<vmem>>) offsets(%dma_start3A_258 : memref<64xi32, #tpu.memory_space<vmem>>) semaphore(%arg22 : memref<!tpu.dma_semaphore, #tpu.memory_space<semaphore_mem>>)
    %scan3A_262 = arith.constant 0 : i32
    %scan3A_263 = arith.constant 0 : i32
    %scan3A_264 = arith.constant 4 : i32
    %scan3A_265 = arith.addi %scan3A_263, %scan3A_264 : i32
    %scan3A_266 = arith.constant 1 : i32
    scf.for %scan3A_316 = %scan3A_263 to %scan3A_265 step %scan3A_266  : i32 {
      %mul3A_317 = arith.constant 16 : i32
      %mul3A_318 = arith.muli %scan3A_316, %mul3A_317 : i32
      %add3A_319 = vector.broadcast %mul3A_318 : i32 to vector<16xi32>
      %add3A_320 = arith.addi %add3A_319, %iota3A : vector<16xi32>
      %broadcast_in_dim3A = arith.constant 0.000000e+00 : f32
      %broadcast_in_dim3A_321 = vector.broadcast %broadcast_in_dim3A : f32 to vector<16xf32>
      %broadcast_in_dim3A_322 = arith.constant 0 : i32
      %broadcast_in_dim3A_323 = vector.broadcast %broadcast_in_dim3A_322 : i32 to vector<16xi32>
      %gather3A = tpu.vector_load_idx %arg13[%add3A_320, %broadcast_in_dim3A_323] : memref<64x128xf32, #tpu.memory_space<vmem>>[vector<16xi32>, vector<16xi32>], vector<16xf32>,
      %add3A_324 = arith.addf %broadcast_in_dim3A_321, %gather3A : vector<16xf32>
      %broadcast_in_dim3A_325 = arith.constant 1 : i32
      %broadcast_in_dim3A_326 = vector.broadcast %broadcast_in_dim3A_325 : i32 to vector<16xi32>
      %gather3A_327 = tpu.vector_load_idx %arg13[%add3A_320, %broadcast_in_dim3A_326] : memref<64x128xf32, #tpu.memory_space<vmem>>[vector<16xi32>, vector<16xi32>], vector<16xf32>,
      %add3A_328 = arith.addf %add3A_324, %gather3A_327 : vector<16xf32>
      %broadcast_in_dim3A_329 = arith.constant 2 : i32
      %broadcast_in_dim3A_330 = vector.broadcast %broadcast_in_dim3A_329 : i32 to vector<16xi32>
      %gather3A_331 = tpu.vector_load_idx %arg13[%add3A_320, %broadcast_in_dim3A_330] : memref<64x128xf32, #tpu.memory_space<vmem>>[vector<16xi32>, vector<16xi32>], vector<16xf32>,
      %add3A_332 = arith.addf %add3A_328, %gather3A_331 : vector<16xf32>
      %broadcast_in_dim3A_333 = arith.constant 3 : i32
      %broadcast_in_dim3A_334 = vector.broadcast %broadcast_in_dim3A_333 : i32 to vector<16xi32>
      %gather3A_335 = tpu.vector_load_idx %arg13[%add3A_320, %broadcast_in_dim3A_334] : memref<64x128xf32, #tpu.memory_space<vmem>>[vector<16xi32>, vector<16xi32>], vector<16xf32>,
      %add3A_336 = arith.addf %add3A_332, %gather3A_335 : vector<16xf32>
      %broadcast_in_dim3A_337 = arith.constant 4 : i32
      %broadcast_in_dim3A_338 = vector.broadcast %broadcast_in_dim3A_337 : i32 to vector<16xi32>
      %gather3A_339 = tpu.vector_load_idx %arg13[%add3A_320, %broadcast_in_dim3A_338] : memref<64x128xf32, #tpu.memory_space<vmem>>[vector<16xi32>, vector<16xi32>], vector<16xf32>,
      %add3A_340 = arith.addf %add3A_336, %gather3A_339 : vector<16xf32>
      %broadcast_in_dim3A_341 = arith.constant 5 : i32
      %broadcast_in_dim3A_342 = vector.broadcast %broadcast_in_dim3A_341 : i32 to vector<16xi32>
      %gather3A_343 = tpu.vector_load_idx %arg13[%add3A_320, %broadcast_in_dim3A_342] : memref<64x128xf32, #tpu.memory_space<vmem>>[vector<16xi32>, vector<16xi32>], vector<16xf32>,
      %add3A_344 = arith.addf %add3A_340, %gather3A_343 : vector<16xf32>
      %broadcast_in_dim3A_345 = arith.constant 6 : i32
      %broadcast_in_dim3A_346 = vector.broadcast %broadcast_in_dim3A_345 : i32 to vector<16xi32>
      %gather3A_347 = tpu.vector_load_idx %arg13[%add3A_320, %broadcast_in_dim3A_346] : memref<64x128xf32, #tpu.memory_space<vmem>>[vector<16xi32>, vector<16xi32>], vector<16xf32>,
      %add3A_348 = arith.addf %add3A_344, %gather3A_347 : vector<16xf32>
      %broadcast_in_dim3A_349 = arith.constant 7 : i32
      %broadcast_in_dim3A_350 = vector.broadcast %broadcast_in_dim3A_349 : i32 to vector<16xi32>
      %gather3A_351 = tpu.vector_load_idx %arg13[%add3A_320, %broadcast_in_dim3A_350] : memref<64x128xf32, #tpu.memory_space<vmem>>[vector<16xi32>, vector<16xi32>], vector<16xf32>,
      %add3A_352 = arith.addf %add3A_348, %gather3A_351 : vector<16xf32>
      %broadcast_in_dim3A_353 = arith.constant 8 : i32
      %broadcast_in_dim3A_354 = vector.broadcast %broadcast_in_dim3A_353 : i32 to vector<16xi32>
      %gather3A_355 = tpu.vector_load_idx %arg13[%add3A_320, %broadcast_in_dim3A_354] : memref<64x128xf32, #tpu.memory_space<vmem>>[vector<16xi32>, vector<16xi32>], vector<16xf32>,
      %add3A_356 = arith.addf %add3A_352, %gather3A_355 : vector<16xf32>
      %broadcast_in_dim3A_357 = arith.constant 9 : i32
      %broadcast_in_dim3A_358 = vector.broadcast %broadcast_in_dim3A_357 : i32 to vector<16xi32>
      %gather3A_359 = tpu.vector_load_idx %arg13[%add3A_320, %broadcast_in_dim3A_358] : memref<64x128xf32, #tpu.memory_space<vmem>>[vector<16xi32>, vector<16xi32>], vector<16xf32>,
      %add3A_360 = arith.addf %add3A_356, %gather3A_359 : vector<16xf32>
      %broadcast_in_dim3A_361 = arith.constant 10 : i32
      %broadcast_in_dim3A_362 = vector.broadcast %broadcast_in_dim3A_361 : i32 to vector<16xi32>
      %gather3A_363 = tpu.vector_load_idx %arg13[%add3A_320, %broadcast_in_dim3A_362] : memref<64x128xf32, #tpu.memory_space<vmem>>[vector<16xi32>, vector<16xi32>], vector<16xf32>,
      %add3A_364 = arith.addf %add3A_360, %gather3A_363 : vector<16xf32>
      %broadcast_in_dim3A_365 = arith.constant 11 : i32
      %broadcast_in_dim3A_366 = vector.broadcast %broadcast_in_dim3A_365 : i32 to vector<16xi32>
      %gather3A_367 = tpu.vector_load_idx %arg13[%add3A_320, %broadcast_in_dim3A_366] : memref<64x128xf32, #tpu.memory_space<vmem>>[vector<16xi32>, vector<16xi32>], vector<16xf32>,
      %add3A_368 = arith.addf %add3A_364, %gather3A_367 : vector<16xf32>
      %broadcast_in_dim3A_369 = arith.constant 12 : i32
      %broadcast_in_dim3A_370 = vector.broadcast %broadcast_in_dim3A_369 : i32 to vector<16xi32>
      %gather3A_371 = tpu.vector_load_idx %arg13[%add3A_320, %broadcast_in_dim3A_370] : memref<64x128xf32, #tpu.memory_space<vmem>>[vector<16xi32>, vector<16xi32>], vector<16xf32>,
      %add3A_372 = arith.addf %add3A_368, %gather3A_371 : vector<16xf32>
      %broadcast_in_dim3A_373 = arith.constant 13 : i32
      %broadcast_in_dim3A_374 = vector.broadcast %broadcast_in_dim3A_373 : i32 to vector<16xi32>
      %gather3A_375 = tpu.vector_load_idx %arg13[%add3A_320, %broadcast_in_dim3A_374] : memref<64x128xf32, #tpu.memory_space<vmem>>[vector<16xi32>, vector<16xi32>], vector<16xf32>,
      %add3A_376 = arith.addf %add3A_372, %gather3A_375 : vector<16xf32>
      %broadcast_in_dim3A_377 = arith.constant 14 : i32
      %broadcast_in_dim3A_378 = vector.broadcast %broadcast_in_dim3A_377 : i32 to vector<16xi32>
      %gather3A_379 = tpu.vector_load_idx %arg13[%add3A_320, %broadcast_in_dim3A_378] : memref<64x128xf32, #tpu.memory_space<vmem>>[vector<16xi32>, vector<16xi32>], vector<16xf32>,
      %add3A_380 = arith.addf %add3A_376, %gather3A_379 : vector<16xf32>
      %broadcast_in_dim3A_381 = arith.constant 15 : i32
      %broadcast_in_dim3A_382 = vector.broadcast %broadcast_in_dim3A_381 : i32 to vector<16xi32>
      %gather3A_383 = tpu.vector_load_idx %arg13[%add3A_320, %broadcast_in_dim3A_382] : memref<64x128xf32, #tpu.memory_space<vmem>>[vector<16xi32>, vector<16xi32>], vector<16xf32>,
      %add3A_384 = arith.addf %add3A_380, %gather3A_383 : vector<16xf32>
      %bitcast3A = vector.bitcast %add3A_384 : vector<16xf32> to vector<16xi32>
      %shift_right_logical3A = arith.constant 1 : i32
      %shift_right_logical3A_385 = vector.broadcast %shift_right_logical3A : i32 to vector<16xi32>
      %shift_right_logical3A_386 = arith.shrui %bitcast3A, %shift_right_logical3A_385 : vector<16xi32>
      %add3A_387 = arith.constant 532487669 : i32
      %add3A_388 = vector.broadcast %add3A_387 : i32 to vector<16xi32>
      %add3A_389 = arith.addi %add3A_388, %shift_right_logical3A_386 : vector<16xi32>
      %bitcast3A_390 = vector.bitcast %add3A_389 : vector<16xi32> to vector<16xf32>
      %div3A = arith.divf %add3A_384, %bitcast3A_390 : vector<16xf32>
      %add3A_391 = arith.addf %bitcast3A_390, %div3A : vector<16xf32>
      %mul3A_392 = arith.constant 5.000000e-01 : f32
      %mul3A_393 = vector.broadcast %mul3A_392 : f32 to vector<16xf32>
      %mul3A_394 = arith.mulf %mul3A_393, %add3A_391 : vector<16xf32>
      %div3A_395 = arith.divf %add3A_384, %mul3A_394 : vector<16xf32>
      %add3A_396 = arith.addf %mul3A_394, %div3A_395 : vector<16xf32>
      %mul3A_397 = arith.constant 5.000000e-01 : f32
      %mul3A_398 = vector.broadcast %mul3A_397 : f32 to vector<16xf32>
      %mul3A_399 = arith.mulf %mul3A_398, %add3A_396 : vector<16xf32>
      %div3A_400 = arith.divf %add3A_384, %mul3A_399 : vector<16xf32>
      %add3A_401 = arith.addf %mul3A_399, %div3A_400 : vector<16xf32>
      %mul3A_402 = arith.constant 5.000000e-01 : f32
      %mul3A_403 = vector.broadcast %mul3A_402 : f32 to vector<16xf32>
      %mul3A_404 = arith.mulf %mul3A_403, %add3A_401 : vector<16xf32>
      %neg3A = arith.constant 0.000000e+00 : f32
      %neg3A_405 = vector.broadcast %neg3A : f32 to vector<16xf32>
      %neg3A_406 = arith.subf %neg3A_405, %mul3A_404 : vector<16xf32>
      %mul3A_407 = arith.constant 16 : i32
      %mul3A_408 = arith.muli %scan3A_316, %mul3A_407 : i32
      %add3A_409 = vector.broadcast %mul3A_408 : i32 to vector<16xi32>
      %add3A_410 = arith.addi %add3A_409, %iota3A : vector<16xi32>
      tpu.vector_store_idx %arg20[%add3A_410], %neg3A_406 : memref<64xf32, #tpu.memory_space<vmem>>[vector<16xi32>], vector<16xf32>,
    }
    %scan3A_267 = arith.constant 4 : i32
    %add3A_268 = arith.constant 320 : i32
    %add3A_269 = arith.addi %mul3A_2, %add3A_268 : i32
    "tpu.region"() ({
      %run_scoped3A = tpu.sem_alloc : memref<!tpu.dma_semaphore, #tpu.memory_space<semaphore_mem>>
      %dma_start3A_316 = tpu.memref_slice %arg7[%add3A_269] : memref<16384xf32, #tpu.memory_space<hbm>> -> memref<64xf32, #tpu.memory_space<hbm>>
      %dma_start3A_317 = tpu.memref_slice %arg7[%add3A_269] : memref<16384xf32, #tpu.memory_space<hbm>> -> memref<64xf32, #tpu.memory_space<hbm>>
      tpu.enqueue_dma source(%arg20 : memref<64xf32, #tpu.memory_space<vmem>>) target(%dma_start3A_317 : memref<64xf32, #tpu.memory_space<hbm>>) target_semaphore(%run_scoped3A : memref<!tpu.dma_semaphore, #tpu.memory_space<semaphore_mem>>)
      %dma_wait3A_318 = tpu.memref_slice %arg7[%add3A_269] : memref<16384xf32, #tpu.memory_space<hbm>> -> memref<64xf32, #tpu.memory_space<hbm>>
      %dma_wait3A_319 = tpu.memref_slice %arg7[%add3A_269] : memref<16384xf32, #tpu.memory_space<hbm>> -> memref<64xf32, #tpu.memory_space<hbm>>
      tpu.wait_dma2 semaphore(%run_scoped3A : memref<!tpu.dma_semaphore, #tpu.memory_space<semaphore_mem>>) src(%arg20 : memref<64xf32, #tpu.memory_space<vmem>>) dst(%dma_wait3A_319 : memref<64xf32, #tpu.memory_space<hbm>>)
      tpu.yield
    }) : () -> ()
    %dma_wait3A_270 = arith.constant 384 : i32
    %dma_wait3A_271 = tpu.memref_slice %arg8[%dma_wait3A_270] : memref<512xi32, #tpu.memory_space<vmem>> -> memref<64xi32, #tpu.memory_space<vmem>>
    %dma_wait3A_272 = arith.constant 0 : i32
    %dma_wait3A_273 = arith.constant 0 : i32
    %dma_wait3A_274 = tpu.memref_slice %arg5[%dma_wait3A_272, %dma_wait3A_273] : memref<1000000x128xf32, #tpu.memory_space<hbm>> -> memref<1000000x128xf32, #tpu.memory_space<hbm>>
    tpu.wait_indirect_dma semaphore(%arg21 : memref<!tpu.dma_semaphore, #tpu.memory_space<semaphore_mem>>) src(%dma_wait3A_274 : memref<1000000x128xf32, #tpu.memory_space<hbm>>) dst(%arg11 : memref<64x128xf32, #tpu.memory_space<vmem>>)
    %dma_wait3A_275 = arith.constant 384 : i32
    %dma_wait3A_276 = tpu.memref_slice %arg9[%dma_wait3A_275] : memref<512xi32, #tpu.memory_space<vmem>> -> memref<64xi32, #tpu.memory_space<vmem>>
    %dma_wait3A_277 = arith.constant 0 : i32
    %dma_wait3A_278 = arith.constant 0 : i32
    %dma_wait3A_279 = tpu.memref_slice %arg6[%dma_wait3A_277, %dma_wait3A_278] : memref<1000x128xf32, #tpu.memory_space<hbm>> -> memref<1000x128xf32, #tpu.memory_space<hbm>>
    tpu.wait_indirect_dma semaphore(%arg21 : memref<!tpu.dma_semaphore, #tpu.memory_space<semaphore_mem>>) src(%dma_wait3A_279 : memref<1000x128xf32, #tpu.memory_space<hbm>>) dst(%arg14 : memref<64x128xf32, #tpu.memory_space<vmem>>)
    %dma_wait3A_280 = arith.constant 384 : i32
    %dma_wait3A_281 = tpu.memref_slice %arg10[%dma_wait3A_280] : memref<512xi32, #tpu.memory_space<vmem>> -> memref<64xi32, #tpu.memory_space<vmem>>
    %dma_wait3A_282 = arith.constant 0 : i32
    %dma_wait3A_283 = arith.constant 0 : i32
    %dma_wait3A_284 = tpu.memref_slice %arg5[%dma_wait3A_282, %dma_wait3A_283] : memref<1000000x128xf32, #tpu.memory_space<hbm>> -> memref<1000000x128xf32, #tpu.memory_space<hbm>>
    tpu.wait_indirect_dma semaphore(%arg21 : memref<!tpu.dma_semaphore, #tpu.memory_space<semaphore_mem>>) src(%dma_wait3A_284 : memref<1000000x128xf32, #tpu.memory_space<hbm>>) dst(%arg17 : memref<64x128xf32, #tpu.memory_space<vmem>>)
    %scan3A_285 = arith.constant 0 : i32
    %scan3A_286 = arith.constant 0 : i32
    %scan3A_287 = arith.constant 4 : i32
    %scan3A_288 = arith.addi %scan3A_286, %scan3A_287 : i32
    %scan3A_289 = arith.constant 1 : i32
    scf.for %scan3A_316 = %scan3A_286 to %scan3A_288 step %scan3A_289  : i32 {
      %mul3A_317 = arith.constant 16 : i32
      %mul3A_318 = arith.muli %scan3A_316, %mul3A_317 : i32
      %add3A_319 = vector.broadcast %mul3A_318 : i32 to vector<16xi32>
      %add3A_320 = arith.addi %add3A_319, %iota3A : vector<16xi32>
      %broadcast_in_dim3A = arith.constant 0.000000e+00 : f32
      %broadcast_in_dim3A_321 = vector.broadcast %broadcast_in_dim3A : f32 to vector<16xf32>
      %broadcast_in_dim3A_322 = arith.constant 0 : i32
      %broadcast_in_dim3A_323 = vector.broadcast %broadcast_in_dim3A_322 : i32 to vector<16xi32>
      %gather3A = tpu.vector_load_idx %arg11[%add3A_320, %broadcast_in_dim3A_323] : memref<64x128xf32, #tpu.memory_space<vmem>>[vector<16xi32>, vector<16xi32>], vector<16xf32>,
      %add3A_324 = arith.addf %broadcast_in_dim3A_321, %gather3A : vector<16xf32>
      %broadcast_in_dim3A_325 = arith.constant 1 : i32
      %broadcast_in_dim3A_326 = vector.broadcast %broadcast_in_dim3A_325 : i32 to vector<16xi32>
      %gather3A_327 = tpu.vector_load_idx %arg11[%add3A_320, %broadcast_in_dim3A_326] : memref<64x128xf32, #tpu.memory_space<vmem>>[vector<16xi32>, vector<16xi32>], vector<16xf32>,
      %add3A_328 = arith.addf %add3A_324, %gather3A_327 : vector<16xf32>
      %broadcast_in_dim3A_329 = arith.constant 2 : i32
      %broadcast_in_dim3A_330 = vector.broadcast %broadcast_in_dim3A_329 : i32 to vector<16xi32>
      %gather3A_331 = tpu.vector_load_idx %arg11[%add3A_320, %broadcast_in_dim3A_330] : memref<64x128xf32, #tpu.memory_space<vmem>>[vector<16xi32>, vector<16xi32>], vector<16xf32>,
      %add3A_332 = arith.addf %add3A_328, %gather3A_331 : vector<16xf32>
      %broadcast_in_dim3A_333 = arith.constant 3 : i32
      %broadcast_in_dim3A_334 = vector.broadcast %broadcast_in_dim3A_333 : i32 to vector<16xi32>
      %gather3A_335 = tpu.vector_load_idx %arg11[%add3A_320, %broadcast_in_dim3A_334] : memref<64x128xf32, #tpu.memory_space<vmem>>[vector<16xi32>, vector<16xi32>], vector<16xf32>,
      %add3A_336 = arith.addf %add3A_332, %gather3A_335 : vector<16xf32>
      %broadcast_in_dim3A_337 = arith.constant 4 : i32
      %broadcast_in_dim3A_338 = vector.broadcast %broadcast_in_dim3A_337 : i32 to vector<16xi32>
      %gather3A_339 = tpu.vector_load_idx %arg11[%add3A_320, %broadcast_in_dim3A_338] : memref<64x128xf32, #tpu.memory_space<vmem>>[vector<16xi32>, vector<16xi32>], vector<16xf32>,
      %add3A_340 = arith.addf %add3A_336, %gather3A_339 : vector<16xf32>
      %broadcast_in_dim3A_341 = arith.constant 5 : i32
      %broadcast_in_dim3A_342 = vector.broadcast %broadcast_in_dim3A_341 : i32 to vector<16xi32>
      %gather3A_343 = tpu.vector_load_idx %arg11[%add3A_320, %broadcast_in_dim3A_342] : memref<64x128xf32, #tpu.memory_space<vmem>>[vector<16xi32>, vector<16xi32>], vector<16xf32>,
      %add3A_344 = arith.addf %add3A_340, %gather3A_343 : vector<16xf32>
      %broadcast_in_dim3A_345 = arith.constant 6 : i32
      %broadcast_in_dim3A_346 = vector.broadcast %broadcast_in_dim3A_345 : i32 to vector<16xi32>
      %gather3A_347 = tpu.vector_load_idx %arg11[%add3A_320, %broadcast_in_dim3A_346] : memref<64x128xf32, #tpu.memory_space<vmem>>[vector<16xi32>, vector<16xi32>], vector<16xf32>,
      %add3A_348 = arith.addf %add3A_344, %gather3A_347 : vector<16xf32>
      %broadcast_in_dim3A_349 = arith.constant 7 : i32
      %broadcast_in_dim3A_350 = vector.broadcast %broadcast_in_dim3A_349 : i32 to vector<16xi32>
      %gather3A_351 = tpu.vector_load_idx %arg11[%add3A_320, %broadcast_in_dim3A_350] : memref<64x128xf32, #tpu.memory_space<vmem>>[vector<16xi32>, vector<16xi32>], vector<16xf32>,
      %add3A_352 = arith.addf %add3A_348, %gather3A_351 : vector<16xf32>
      %broadcast_in_dim3A_353 = arith.constant 8 : i32
      %broadcast_in_dim3A_354 = vector.broadcast %broadcast_in_dim3A_353 : i32 to vector<16xi32>
      %gather3A_355 = tpu.vector_load_idx %arg11[%add3A_320, %broadcast_in_dim3A_354] : memref<64x128xf32, #tpu.memory_space<vmem>>[vector<16xi32>, vector<16xi32>], vector<16xf32>,
      %add3A_356 = arith.addf %add3A_352, %gather3A_355 : vector<16xf32>
      %broadcast_in_dim3A_357 = arith.constant 9 : i32
      %broadcast_in_dim3A_358 = vector.broadcast %broadcast_in_dim3A_357 : i32 to vector<16xi32>
      %gather3A_359 = tpu.vector_load_idx %arg11[%add3A_320, %broadcast_in_dim3A_358] : memref<64x128xf32, #tpu.memory_space<vmem>>[vector<16xi32>, vector<16xi32>], vector<16xf32>,
      %add3A_360 = arith.addf %add3A_356, %gather3A_359 : vector<16xf32>
      %broadcast_in_dim3A_361 = arith.constant 10 : i32
      %broadcast_in_dim3A_362 = vector.broadcast %broadcast_in_dim3A_361 : i32 to vector<16xi32>
      %gather3A_363 = tpu.vector_load_idx %arg11[%add3A_320, %broadcast_in_dim3A_362] : memref<64x128xf32, #tpu.memory_space<vmem>>[vector<16xi32>, vector<16xi32>], vector<16xf32>,
      %add3A_364 = arith.addf %add3A_360, %gather3A_363 : vector<16xf32>
      %broadcast_in_dim3A_365 = arith.constant 11 : i32
      %broadcast_in_dim3A_366 = vector.broadcast %broadcast_in_dim3A_365 : i32 to vector<16xi32>
      %gather3A_367 = tpu.vector_load_idx %arg11[%add3A_320, %broadcast_in_dim3A_366] : memref<64x128xf32, #tpu.memory_space<vmem>>[vector<16xi32>, vector<16xi32>], vector<16xf32>,
      %add3A_368 = arith.addf %add3A_364, %gather3A_367 : vector<16xf32>
      %broadcast_in_dim3A_369 = arith.constant 12 : i32
      %broadcast_in_dim3A_370 = vector.broadcast %broadcast_in_dim3A_369 : i32 to vector<16xi32>
      %gather3A_371 = tpu.vector_load_idx %arg11[%add3A_320, %broadcast_in_dim3A_370] : memref<64x128xf32, #tpu.memory_space<vmem>>[vector<16xi32>, vector<16xi32>], vector<16xf32>,
      %add3A_372 = arith.addf %add3A_368, %gather3A_371 : vector<16xf32>
      %broadcast_in_dim3A_373 = arith.constant 13 : i32
      %broadcast_in_dim3A_374 = vector.broadcast %broadcast_in_dim3A_373 : i32 to vector<16xi32>
      %gather3A_375 = tpu.vector_load_idx %arg11[%add3A_320, %broadcast_in_dim3A_374] : memref<64x128xf32, #tpu.memory_space<vmem>>[vector<16xi32>, vector<16xi32>], vector<16xf32>,
      %add3A_376 = arith.addf %add3A_372, %gather3A_375 : vector<16xf32>
      %broadcast_in_dim3A_377 = arith.constant 14 : i32
      %broadcast_in_dim3A_378 = vector.broadcast %broadcast_in_dim3A_377 : i32 to vector<16xi32>
      %gather3A_379 = tpu.vector_load_idx %arg11[%add3A_320, %broadcast_in_dim3A_378] : memref<64x128xf32, #tpu.memory_space<vmem>>[vector<16xi32>, vector<16xi32>], vector<16xf32>,
      %add3A_380 = arith.addf %add3A_376, %gather3A_379 : vector<16xf32>
      %broadcast_in_dim3A_381 = arith.constant 15 : i32
      %broadcast_in_dim3A_382 = vector.broadcast %broadcast_in_dim3A_381 : i32 to vector<16xi32>
      %gather3A_383 = tpu.vector_load_idx %arg11[%add3A_320, %broadcast_in_dim3A_382] : memref<64x128xf32, #tpu.memory_space<vmem>>[vector<16xi32>, vector<16xi32>], vector<16xf32>,
      %add3A_384 = arith.addf %add3A_380, %gather3A_383 : vector<16xf32>
      %bitcast3A = vector.bitcast %add3A_384 : vector<16xf32> to vector<16xi32>
      %shift_right_logical3A = arith.constant 1 : i32
      %shift_right_logical3A_385 = vector.broadcast %shift_right_logical3A : i32 to vector<16xi32>
      %shift_right_logical3A_386 = arith.shrui %bitcast3A, %shift_right_logical3A_385 : vector<16xi32>
      %add3A_387 = arith.constant 532487669 : i32
      %add3A_388 = vector.broadcast %add3A_387 : i32 to vector<16xi32>
      %add3A_389 = arith.addi %add3A_388, %shift_right_logical3A_386 : vector<16xi32>
      %bitcast3A_390 = vector.bitcast %add3A_389 : vector<16xi32> to vector<16xf32>
      %div3A = arith.divf %add3A_384, %bitcast3A_390 : vector<16xf32>
      %add3A_391 = arith.addf %bitcast3A_390, %div3A : vector<16xf32>
      %mul3A_392 = arith.constant 5.000000e-01 : f32
      %mul3A_393 = vector.broadcast %mul3A_392 : f32 to vector<16xf32>
      %mul3A_394 = arith.mulf %mul3A_393, %add3A_391 : vector<16xf32>
      %div3A_395 = arith.divf %add3A_384, %mul3A_394 : vector<16xf32>
      %add3A_396 = arith.addf %mul3A_394, %div3A_395 : vector<16xf32>
      %mul3A_397 = arith.constant 5.000000e-01 : f32
      %mul3A_398 = vector.broadcast %mul3A_397 : f32 to vector<16xf32>
      %mul3A_399 = arith.mulf %mul3A_398, %add3A_396 : vector<16xf32>
      %div3A_400 = arith.divf %add3A_384, %mul3A_399 : vector<16xf32>
      %add3A_401 = arith.addf %mul3A_399, %div3A_400 : vector<16xf32>
      %mul3A_402 = arith.constant 5.000000e-01 : f32
      %mul3A_403 = vector.broadcast %mul3A_402 : f32 to vector<16xf32>
      %mul3A_404 = arith.mulf %mul3A_403, %add3A_401 : vector<16xf32>
      %neg3A = arith.constant 0.000000e+00 : f32
      %neg3A_405 = vector.broadcast %neg3A : f32 to vector<16xf32>
      %neg3A_406 = arith.subf %neg3A_405, %mul3A_404 : vector<16xf32>
      %mul3A_407 = arith.constant 16 : i32
      %mul3A_408 = arith.muli %scan3A_316, %mul3A_407 : i32
      %add3A_409 = vector.broadcast %mul3A_408 : i32 to vector<16xi32>
      %add3A_410 = arith.addi %add3A_409, %iota3A : vector<16xi32>
      tpu.vector_store_idx %arg20[%add3A_410], %neg3A_406 : memref<64xf32, #tpu.memory_space<vmem>>[vector<16xi32>], vector<16xf32>,
    }
    %scan3A_290 = arith.constant 4 : i32
    %add3A_291 = arith.constant 384 : i32
    %add3A_292 = arith.addi %mul3A_2, %add3A_291 : i32
    "tpu.region"() ({
      %run_scoped3A = tpu.sem_alloc : memref<!tpu.dma_semaphore, #tpu.memory_space<semaphore_mem>>
      %dma_start3A_316 = tpu.memref_slice %arg7[%add3A_292] : memref<16384xf32, #tpu.memory_space<hbm>> -> memref<64xf32, #tpu.memory_space<hbm>>
      %dma_start3A_317 = tpu.memref_slice %arg7[%add3A_292] : memref<16384xf32, #tpu.memory_space<hbm>> -> memref<64xf32, #tpu.memory_space<hbm>>
      tpu.enqueue_dma source(%arg20 : memref<64xf32, #tpu.memory_space<vmem>>) target(%dma_start3A_317 : memref<64xf32, #tpu.memory_space<hbm>>) target_semaphore(%run_scoped3A : memref<!tpu.dma_semaphore, #tpu.memory_space<semaphore_mem>>)
      %dma_wait3A_318 = tpu.memref_slice %arg7[%add3A_292] : memref<16384xf32, #tpu.memory_space<hbm>> -> memref<64xf32, #tpu.memory_space<hbm>>
      %dma_wait3A_319 = tpu.memref_slice %arg7[%add3A_292] : memref<16384xf32, #tpu.memory_space<hbm>> -> memref<64xf32, #tpu.memory_space<hbm>>
      tpu.wait_dma2 semaphore(%run_scoped3A : memref<!tpu.dma_semaphore, #tpu.memory_space<semaphore_mem>>) src(%arg20 : memref<64xf32, #tpu.memory_space<vmem>>) dst(%dma_wait3A_319 : memref<64xf32, #tpu.memory_space<hbm>>)
      tpu.yield
    }) : () -> ()
    %dma_wait3A_293 = arith.constant 448 : i32
    %dma_wait3A_294 = tpu.memref_slice %arg8[%dma_wait3A_293] : memref<512xi32, #tpu.memory_space<vmem>> -> memref<64xi32, #tpu.memory_space<vmem>>
    %dma_wait3A_295 = arith.constant 0 : i32
    %dma_wait3A_296 = arith.constant 0 : i32
    %dma_wait3A_297 = tpu.memref_slice %arg5[%dma_wait3A_295, %dma_wait3A_296] : memref<1000000x128xf32, #tpu.memory_space<hbm>> -> memref<1000000x128xf32, #tpu.memory_space<hbm>>
    tpu.wait_indirect_dma semaphore(%arg22 : memref<!tpu.dma_semaphore, #tpu.memory_space<semaphore_mem>>) src(%dma_wait3A_297 : memref<1000000x128xf32, #tpu.memory_space<hbm>>) dst(%arg12 : memref<64x128xf32, #tpu.memory_space<vmem>>)
    %dma_wait3A_298 = arith.constant 448 : i32
    %dma_wait3A_299 = tpu.memref_slice %arg9[%dma_wait3A_298] : memref<512xi32, #tpu.memory_space<vmem>> -> memref<64xi32, #tpu.memory_space<vmem>>
    %dma_wait3A_300 = arith.constant 0 : i32
    %dma_wait3A_301 = arith.constant 0 : i32
    %dma_wait3A_302 = tpu.memref_slice %arg6[%dma_wait3A_300, %dma_wait3A_301] : memref<1000x128xf32, #tpu.memory_space<hbm>> -> memref<1000x128xf32, #tpu.memory_space<hbm>>
    tpu.wait_indirect_dma semaphore(%arg22 : memref<!tpu.dma_semaphore, #tpu.memory_space<semaphore_mem>>) src(%dma_wait3A_302 : memref<1000x128xf32, #tpu.memory_space<hbm>>) dst(%arg15 : memref<64x128xf32, #tpu.memory_space<vmem>>)
    %dma_wait3A_303 = arith.constant 448 : i32
    %dma_wait3A_304 = tpu.memref_slice %arg10[%dma_wait3A_303] : memref<512xi32, #tpu.memory_space<vmem>> -> memref<64xi32, #tpu.memory_space<vmem>>
    %dma_wait3A_305 = arith.constant 0 : i32
    %dma_wait3A_306 = arith.constant 0 : i32
    %dma_wait3A_307 = tpu.memref_slice %arg5[%dma_wait3A_305, %dma_wait3A_306] : memref<1000000x128xf32, #tpu.memory_space<hbm>> -> memref<1000000x128xf32, #tpu.memory_space<hbm>>
    tpu.wait_indirect_dma semaphore(%arg22 : memref<!tpu.dma_semaphore, #tpu.memory_space<semaphore_mem>>) src(%dma_wait3A_307 : memref<1000000x128xf32, #tpu.memory_space<hbm>>) dst(%arg18 : memref<64x128xf32, #tpu.memory_space<vmem>>)
    %scan3A_308 = arith.constant 0 : i32
    %scan3A_309 = arith.constant 0 : i32
    %scan3A_310 = arith.constant 4 : i32
    %scan3A_311 = arith.addi %scan3A_309, %scan3A_310 : i32
    %scan3A_312 = arith.constant 1 : i32
    scf.for %scan3A_316 = %scan3A_309 to %scan3A_311 step %scan3A_312  : i32 {
      %mul3A_317 = arith.constant 16 : i32
      %mul3A_318 = arith.muli %scan3A_316, %mul3A_317 : i32
      %add3A_319 = vector.broadcast %mul3A_318 : i32 to vector<16xi32>
      %add3A_320 = arith.addi %add3A_319, %iota3A : vector<16xi32>
      %broadcast_in_dim3A = arith.constant 0.000000e+00 : f32
      %broadcast_in_dim3A_321 = vector.broadcast %broadcast_in_dim3A : f32 to vector<16xf32>
      %broadcast_in_dim3A_322 = arith.constant 0 : i32
      %broadcast_in_dim3A_323 = vector.broadcast %broadcast_in_dim3A_322 : i32 to vector<16xi32>
      %gather3A = tpu.vector_load_idx %arg12[%add3A_320, %broadcast_in_dim3A_323] : memref<64x128xf32, #tpu.memory_space<vmem>>[vector<16xi32>, vector<16xi32>], vector<16xf32>,
      %add3A_324 = arith.addf %broadcast_in_dim3A_321, %gather3A : vector<16xf32>
      %broadcast_in_dim3A_325 = arith.constant 1 : i32
      %broadcast_in_dim3A_326 = vector.broadcast %broadcast_in_dim3A_325 : i32 to vector<16xi32>
      %gather3A_327 = tpu.vector_load_idx %arg12[%add3A_320, %broadcast_in_dim3A_326] : memref<64x128xf32, #tpu.memory_space<vmem>>[vector<16xi32>, vector<16xi32>], vector<16xf32>,
      %add3A_328 = arith.addf %add3A_324, %gather3A_327 : vector<16xf32>
      %broadcast_in_dim3A_329 = arith.constant 2 : i32
      %broadcast_in_dim3A_330 = vector.broadcast %broadcast_in_dim3A_329 : i32 to vector<16xi32>
      %gather3A_331 = tpu.vector_load_idx %arg12[%add3A_320, %broadcast_in_dim3A_330] : memref<64x128xf32, #tpu.memory_space<vmem>>[vector<16xi32>, vector<16xi32>], vector<16xf32>,
      %add3A_332 = arith.addf %add3A_328, %gather3A_331 : vector<16xf32>
      %broadcast_in_dim3A_333 = arith.constant 3 : i32
      %broadcast_in_dim3A_334 = vector.broadcast %broadcast_in_dim3A_333 : i32 to vector<16xi32>
      %gather3A_335 = tpu.vector_load_idx %arg12[%add3A_320, %broadcast_in_dim3A_334] : memref<64x128xf32, #tpu.memory_space<vmem>>[vector<16xi32>, vector<16xi32>], vector<16xf32>,
      %add3A_336 = arith.addf %add3A_332, %gather3A_335 : vector<16xf32>
      %broadcast_in_dim3A_337 = arith.constant 4 : i32
      %broadcast_in_dim3A_338 = vector.broadcast %broadcast_in_dim3A_337 : i32 to vector<16xi32>
      %gather3A_339 = tpu.vector_load_idx %arg12[%add3A_320, %broadcast_in_dim3A_338] : memref<64x128xf32, #tpu.memory_space<vmem>>[vector<16xi32>, vector<16xi32>], vector<16xf32>,
      %add3A_340 = arith.addf %add3A_336, %gather3A_339 : vector<16xf32>
      %broadcast_in_dim3A_341 = arith.constant 5 : i32
      %broadcast_in_dim3A_342 = vector.broadcast %broadcast_in_dim3A_341 : i32 to vector<16xi32>
      %gather3A_343 = tpu.vector_load_idx %arg12[%add3A_320, %broadcast_in_dim3A_342] : memref<64x128xf32, #tpu.memory_space<vmem>>[vector<16xi32>, vector<16xi32>], vector<16xf32>,
      %add3A_344 = arith.addf %add3A_340, %gather3A_343 : vector<16xf32>
      %broadcast_in_dim3A_345 = arith.constant 6 : i32
      %broadcast_in_dim3A_346 = vector.broadcast %broadcast_in_dim3A_345 : i32 to vector<16xi32>
      %gather3A_347 = tpu.vector_load_idx %arg12[%add3A_320, %broadcast_in_dim3A_346] : memref<64x128xf32, #tpu.memory_space<vmem>>[vector<16xi32>, vector<16xi32>], vector<16xf32>,
      %add3A_348 = arith.addf %add3A_344, %gather3A_347 : vector<16xf32>
      %broadcast_in_dim3A_349 = arith.constant 7 : i32
      %broadcast_in_dim3A_350 = vector.broadcast %broadcast_in_dim3A_349 : i32 to vector<16xi32>
      %gather3A_351 = tpu.vector_load_idx %arg12[%add3A_320, %broadcast_in_dim3A_350] : memref<64x128xf32, #tpu.memory_space<vmem>>[vector<16xi32>, vector<16xi32>], vector<16xf32>,
      %add3A_352 = arith.addf %add3A_348, %gather3A_351 : vector<16xf32>
      %broadcast_in_dim3A_353 = arith.constant 8 : i32
      %broadcast_in_dim3A_354 = vector.broadcast %broadcast_in_dim3A_353 : i32 to vector<16xi32>
      %gather3A_355 = tpu.vector_load_idx %arg12[%add3A_320, %broadcast_in_dim3A_354] : memref<64x128xf32, #tpu.memory_space<vmem>>[vector<16xi32>, vector<16xi32>], vector<16xf32>,
      %add3A_356 = arith.addf %add3A_352, %gather3A_355 : vector<16xf32>
      %broadcast_in_dim3A_357 = arith.constant 9 : i32
      %broadcast_in_dim3A_358 = vector.broadcast %broadcast_in_dim3A_357 : i32 to vector<16xi32>
      %gather3A_359 = tpu.vector_load_idx %arg12[%add3A_320, %broadcast_in_dim3A_358] : memref<64x128xf32, #tpu.memory_space<vmem>>[vector<16xi32>, vector<16xi32>], vector<16xf32>,
      %add3A_360 = arith.addf %add3A_356, %gather3A_359 : vector<16xf32>
      %broadcast_in_dim3A_361 = arith.constant 10 : i32
      %broadcast_in_dim3A_362 = vector.broadcast %broadcast_in_dim3A_361 : i32 to vector<16xi32>
      %gather3A_363 = tpu.vector_load_idx %arg12[%add3A_320, %broadcast_in_dim3A_362] : memref<64x128xf32, #tpu.memory_space<vmem>>[vector<16xi32>, vector<16xi32>], vector<16xf32>,
      %add3A_364 = arith.addf %add3A_360, %gather3A_363 : vector<16xf32>
      %broadcast_in_dim3A_365 = arith.constant 11 : i32
      %broadcast_in_dim3A_366 = vector.broadcast %broadcast_in_dim3A_365 : i32 to vector<16xi32>
      %gather3A_367 = tpu.vector_load_idx %arg12[%add3A_320, %broadcast_in_dim3A_366] : memref<64x128xf32, #tpu.memory_space<vmem>>[vector<16xi32>, vector<16xi32>], vector<16xf32>,
      %add3A_368 = arith.addf %add3A_364, %gather3A_367 : vector<16xf32>
      %broadcast_in_dim3A_369 = arith.constant 12 : i32
      %broadcast_in_dim3A_370 = vector.broadcast %broadcast_in_dim3A_369 : i32 to vector<16xi32>
      %gather3A_371 = tpu.vector_load_idx %arg12[%add3A_320, %broadcast_in_dim3A_370] : memref<64x128xf32, #tpu.memory_space<vmem>>[vector<16xi32>, vector<16xi32>], vector<16xf32>,
      %add3A_372 = arith.addf %add3A_368, %gather3A_371 : vector<16xf32>
      %broadcast_in_dim3A_373 = arith.constant 13 : i32
      %broadcast_in_dim3A_374 = vector.broadcast %broadcast_in_dim3A_373 : i32 to vector<16xi32>
      %gather3A_375 = tpu.vector_load_idx %arg12[%add3A_320, %broadcast_in_dim3A_374] : memref<64x128xf32, #tpu.memory_space<vmem>>[vector<16xi32>, vector<16xi32>], vector<16xf32>,
      %add3A_376 = arith.addf %add3A_372, %gather3A_375 : vector<16xf32>
      %broadcast_in_dim3A_377 = arith.constant 14 : i32
      %broadcast_in_dim3A_378 = vector.broadcast %broadcast_in_dim3A_377 : i32 to vector<16xi32>
      %gather3A_379 = tpu.vector_load_idx %arg12[%add3A_320, %broadcast_in_dim3A_378] : memref<64x128xf32, #tpu.memory_space<vmem>>[vector<16xi32>, vector<16xi32>], vector<16xf32>,
      %add3A_380 = arith.addf %add3A_376, %gather3A_379 : vector<16xf32>
      %broadcast_in_dim3A_381 = arith.constant 15 : i32
      %broadcast_in_dim3A_382 = vector.broadcast %broadcast_in_dim3A_381 : i32 to vector<16xi32>
      %gather3A_383 = tpu.vector_load_idx %arg12[%add3A_320, %broadcast_in_dim3A_382] : memref<64x128xf32, #tpu.memory_space<vmem>>[vector<16xi32>, vector<16xi32>], vector<16xf32>,
      %add3A_384 = arith.addf %add3A_380, %gather3A_383 : vector<16xf32>
      %bitcast3A = vector.bitcast %add3A_384 : vector<16xf32> to vector<16xi32>
      %shift_right_logical3A = arith.constant 1 : i32
      %shift_right_logical3A_385 = vector.broadcast %shift_right_logical3A : i32 to vector<16xi32>
      %shift_right_logical3A_386 = arith.shrui %bitcast3A, %shift_right_logical3A_385 : vector<16xi32>
      %add3A_387 = arith.constant 532487669 : i32
      %add3A_388 = vector.broadcast %add3A_387 : i32 to vector<16xi32>
      %add3A_389 = arith.addi %add3A_388, %shift_right_logical3A_386 : vector<16xi32>
      %bitcast3A_390 = vector.bitcast %add3A_389 : vector<16xi32> to vector<16xf32>
      %div3A = arith.divf %add3A_384, %bitcast3A_390 : vector<16xf32>
      %add3A_391 = arith.addf %bitcast3A_390, %div3A : vector<16xf32>
      %mul3A_392 = arith.constant 5.000000e-01 : f32
      %mul3A_393 = vector.broadcast %mul3A_392 : f32 to vector<16xf32>
      %mul3A_394 = arith.mulf %mul3A_393, %add3A_391 : vector<16xf32>
      %div3A_395 = arith.divf %add3A_384, %mul3A_394 : vector<16xf32>
      %add3A_396 = arith.addf %mul3A_394, %div3A_395 : vector<16xf32>
      %mul3A_397 = arith.constant 5.000000e-01 : f32
      %mul3A_398 = vector.broadcast %mul3A_397 : f32 to vector<16xf32>
      %mul3A_399 = arith.mulf %mul3A_398, %add3A_396 : vector<16xf32>
      %div3A_400 = arith.divf %add3A_384, %mul3A_399 : vector<16xf32>
      %add3A_401 = arith.addf %mul3A_399, %div3A_400 : vector<16xf32>
      %mul3A_402 = arith.constant 5.000000e-01 : f32
      %mul3A_403 = vector.broadcast %mul3A_402 : f32 to vector<16xf32>
      %mul3A_404 = arith.mulf %mul3A_403, %add3A_401 : vector<16xf32>
      %neg3A = arith.constant 0.000000e+00 : f32
      %neg3A_405 = vector.broadcast %neg3A : f32 to vector<16xf32>
      %neg3A_406 = arith.subf %neg3A_405, %mul3A_404 : vector<16xf32>
      %mul3A_407 = arith.constant 16 : i32
      %mul3A_408 = arith.muli %scan3A_316, %mul3A_407 : i32
      %add3A_409 = vector.broadcast %mul3A_408 : i32 to vector<16xi32>
      %add3A_410 = arith.addi %add3A_409, %iota3A : vector<16xi32>
      tpu.vector_store_idx %arg20[%add3A_410], %neg3A_406 : memref<64xf32, #tpu.memory_space<vmem>>[vector<16xi32>], vector<16xf32>,
    }
    %scan3A_313 = arith.constant 4 : i32
    %add3A_314 = arith.constant 448 : i32
    %add3A_315 = arith.addi %mul3A_2, %add3A_314 : i32
    "tpu.region"() ({
      %run_scoped3A = tpu.sem_alloc : memref<!tpu.dma_semaphore, #tpu.memory_space<semaphore_mem>>
      %dma_start3A_316 = tpu.memref_slice %arg7[%add3A_315] : memref<16384xf32, #tpu.memory_space<hbm>> -> memref<64xf32, #tpu.memory_space<hbm>>
      %dma_start3A_317 = tpu.memref_slice %arg7[%add3A_315] : memref<16384xf32, #tpu.memory_space<hbm>> -> memref<64xf32, #tpu.memory_space<hbm>>
      tpu.enqueue_dma source(%arg20 : memref<64xf32, #tpu.memory_space<vmem>>) target(%dma_start3A_317 : memref<64xf32, #tpu.memory_space<hbm>>) target_semaphore(%run_scoped3A : memref<!tpu.dma_semaphore, #tpu.memory_space<semaphore_mem>>)
      %dma_wait3A_318 = tpu.memref_slice %arg7[%add3A_315] : memref<16384xf32, #tpu.memory_space<hbm>> -> memref<64xf32, #tpu.memory_space<hbm>>
      %dma_wait3A_319 = tpu.memref_slice %arg7[%add3A_315] : memref<16384xf32, #tpu.memory_space<hbm>> -> memref<64xf32, #tpu.memory_space<hbm>>
      tpu.wait_dma2 semaphore(%run_scoped3A : memref<!tpu.dma_semaphore, #tpu.memory_space<semaphore_mem>>) src(%arg20 : memref<64xf32, #tpu.memory_space<vmem>>) dst(%dma_wait3A_319 : memref<64xf32, #tpu.memory_space<hbm>>)
      tpu.yield
    }) : () -> ()
    return
  }
}

</mosaic_0001>

<sc_bundles>
// kernel: kernel.3.cloned.1.call-start
scs
__scs_entry_jumppad:
0x0: {  	(pc) =	sbr.rel $0x88, $3  }
0x1: {  	(tag) =	ssettag $0x0;
	lr =	simm.s32 $0x1  }
0x2: {  	[smem:$0x3F9E] =	sst lr;
	_ =	strace $0xD0000000  }
0x3: {  	_ = 	snop  }
0x4: {  	_ = 	snop  }
0x5: {  	_ = 	snop  }
0x6: {  	_ = 	snop  }
0x7: {  	_ = 	snop  }
__scs_overlays_trampoline_lowered:
0x8: {  	[smem:$0x3FAD] =	sst s0  }
0x9: {  	[smem:$0x3FAE] =	sst s1  }
0xa: {  	[smem:$0x3FAF] =	sst s2  }
0xb: {  	[smem:$0x3FB0] =	sst s3  }
0xc: {  	[smem:$0x3FB1] =	sst s4  }
0xd: {  	[smem:$0x3FB2] =	sst s5  }
0xe: {  	[smem:$0x3FB3] =	sst s6  }
0xf: {  	[smem:$0x3FB4] =	sst s7  }
0x10: {  	[smem:$0x3FB5] =	sst s8  }
0x11: {  	[smem:$0x3FB6] =	sst s9;
	s0 =	simm.s32 @!p0 $0x0  }
0x12: {  	s1 =	sld [smem:$0x3F9C];
	s0 =	simm.s32 @p0 $0x1  }
0x13: {  	[smem:$0x3FB7] =	sst s0;
	s0 =	simm.s32 @!p1 $0x0  }
0x14: {  	s2 =	sld [smem:$0x3F9B];
	s0 =	simm.s32 @p1 $0x1  }
0x15: {  	[smem:$0x3FB8] =	sst s0;
	s0 =	simm.s32 @!p2 $0x0  }
0x16: {  	s3 =	sld [smem:$0x3FDB];
	s0 =	simm.s32 @p2 $0x1  }
0x17: {  	s4 =	simm.s32 $0x1BF5;
	[smem:$0x3FBA] =	sst s0  }
0x18: {  	s0 =	sld [smem:$0x3F9D];
	_ =	swait.ge [sflag:s4], $0x0  }
0x19: {  	s7 =	sld [smem:$0x3F9E]  }
0x1a: {  	s8 =	sadd.s32 $0xFFFFE003, lr  }
0x1b: {  	s9 =	sadd.s32 $0xFFFFFEF7, lr;
	s5 =	simm.s32 $0xFFFFFFFF;
	p2 =	slt.u32 s8, $0xFFFFF086  }
0x1c: {  	p1 =	slt.u32 s9, $0xF7A;
	s5 =	simm.s32 @!p2 $0x0  }
0x1d: {  	s5 =	simm.s32 @p1 $0x1;
	p0 =	seq.s32 s7, s2  }
0x1e: {  	s7 =	smul.u32 @!p0 $0xF7A, s2;
	p2 =	seq.s32 @!p0 s5, $0x0  }
0x1f: {  	s9 =	smul.u32 $0xF7A, s1;
	s8 =	simm.s32 @!p0 $0x1BF5;
	p2 =	por !p2, p0  }
0x20: {  	[sflag:s8] =	ssyncset.s32 @!p0 $0xFFFFF086;
	s6 =	sadd.s32 @!p0 s3, s7;
	s7 =	simm.s32 @!p0 $0x108  }
0x21: {  	s3 =	sadd.s32 s3, s9;
	s6 =	sadd.s32 @!p0 $0x88, s6;
	s7 =	simm.s32 @p2 $0x1082  }
0x22: {  	[simem:s7], [sflag:s8] =	dma.local @!p0 [hbm:s6], $0xF7A  }
0x23: {  	s9 =	sor.u32 $0xD0000000, s2;
	s6 =	simm.s32 $0x108;
	_ =	swait.ge @!p0 [sflag:s8], $0x0  }
0x24: {  	s3 =	sadd.s32 $0x88, s3;
	s6 =	simm.s32 @!p1 $0x1082;
	[sflag:s4] =	ssyncset.s32 $0xFFFFF086  }
0x25: {  	[simem:s6], [sflag:s4] =	dma.local [hbm:s3], $0xF7A  }
0x26: {  	[smem:$0x3F9E] =	sst s1;
	(tag) =	ssettag s2;
	_ =	strace s9  }
0x27: {  	s1 =	sld [smem:$0x3FAE]  }
0x28: {  	s2 =	sld [smem:$0x3FAF]  }
0x29: {  	s4 =	sld [smem:$0x3FB1]  }
0x2a: {  	p0 =	seq.s32 s5, $0x0;
	s5 =	sld [smem:$0x3FB2]  }
0x2b: {  	s6 =	sld [smem:$0x3FB3]  }
0x2c: {  	s7 =	sld [smem:$0x3FB4]  }
0x2d: {  	s3 =	simm.s32 $0x108;
	s8 =	sld [smem:$0x3FB5]  }
0x2e: {  	s3 =	simm.s32 @!p0 $0x1082;
	s9 =	sld [smem:$0x3FB6]  }
0x2f: {  	lr =	sadd.s32 s0, s3;
	s0 =	sld [smem:$0x3FAD]  }
0x30: {  	s3 =	sld [smem:$0x3FB0]  }
0x31: {  	[smem:$0x3FB9] =	sst s10  }
0x32: {  	s10 =	sld [smem:$0x3FB7];
	_ =	sdelay $0x3  }
0x33: {  	p0 =	seq.s32 s10, $0x1;
	s10 =	sld [smem:$0x3FB9];
	_ =	sdelay $0x3  }
0x34: {  	[smem:$0x3FB9] =	sst s10  }
0x35: {  	s10 =	sld [smem:$0x3FB8];
	_ =	sdelay $0x3  }
0x36: {  	p1 =	seq.s32 s10, $0x1;
	s10 =	sld [smem:$0x3FB9];
	_ =	sdelay $0x3  }
0x37: {  	[smem:$0x3FB9] =	sst s10  }
0x38: {  	s10 =	sld [smem:$0x3FBA]  }
0x39: {  	_ = 	snop;
	(pc) =	sbr.ind lr, $3  }
0x3a: {  	_ = 	snop  }
0x3b: {  	_ = 	snop  }
0x3c: {  	p2 =	seq.s32 s10, $0x1;
	s10 =	sld [smem:$0x3FB9]  }
0x3d: {  	_ =	shalt  }
0x3e: {  	_ =	shalt  }
0x3f: {  	_ =	shalt  }
0x40: {  	_ =	shalt  }
0x41: {  	_ =	shalt  }
0x42: {  	_ =	shalt  }
0x43: {  	_ =	shalt  }
0x44: {  	_ =	shalt  }
0x45: {  	_ =	shalt  }
0x46: {  	_ =	shalt  }
0x47: {  	_ =	shalt  }
0x48: {  	_ =	shalt  }
0x49: {  	_ =	shalt  }
0x4a: {  	_ =	shalt  }
0x4b: {  	_ =	shalt  }
0x4c: {  	_ =	shalt  }
0x4d: {  	_ =	shalt  }
0x4e: {  	_ =	shalt  }
0x4f: {  	_ =	shalt  }
0x50: {  	_ =	shalt  }
0x51: {  	_ =	shalt  }
0x52: {  	_ =	shalt  }
0x53: {  	_ =	shalt  }
0x54: {  	_ =	shalt  }
0x55: {  	_ =	shalt  }
0x56: {  	_ =	shalt  }
0x57: {  	_ =	shalt  }
0x58: {  	_ =	shalt  }
0x59: {  	_ =	shalt  }
0x5a: {  	_ =	shalt  }
0x5b: {  	_ =	shalt  }
0x5c: {  	_ =	shalt  }
0x5d: {  	_ =	shalt  }
0x5e: {  	_ =	shalt  }
0x5f: {  	_ =	shalt  }
0x60: {  	_ =	shalt  }
0x61: {  	_ =	shalt  }
0x62: {  	_ =	shalt  }
0x63: {  	_ =	shalt  }
0x64: {  	_ =	shalt  }
0x65: {  	_ =	shalt  }
0x66: {  	_ =	shalt  }
0x67: {  	_ =	shalt  }
0x68: {  	_ =	shalt  }
0x69: {  	_ =	shalt  }
0x6a: {  	_ =	shalt  }
0x6b: {  	_ =	shalt  }
0x6c: {  	_ =	shalt  }
0x6d: {  	_ =	shalt  }
0x6e: {  	_ =	shalt  }
0x6f: {  	_ =	shalt  }
0x70: {  	_ =	shalt  }
0x71: {  	_ =	shalt  }
0x72: {  	_ =	shalt  }
0x73: {  	_ =	shalt  }
0x74: {  	_ =	shalt  }
0x75: {  	_ =	shalt  }
0x76: {  	_ =	shalt  }
0x77: {  	_ =	shalt  }
0x78: {  	_ =	shalt  }
0x79: {  	_ =	shalt  }
0x7a: {  	_ =	shalt  }
0x7b: {  	_ =	shalt  }
0x7c: {  	_ =	shalt  }
0x7d: {  	_ =	shalt  }
0x7e: {  	_ =	shalt  }
0x7f: {  	_ =	shalt  }
0x80: {  	_ =	shalt  }
0x81: {  	_ =	shalt  }
0x82: {  	_ =	shalt  }
0x83: {  	_ =	shalt  }
0x84: {  	_ =	shalt  }
0x85: {  	_ =	shalt  }
0x86: {  	_ =	shalt  }
0x87: {  	_ =	shalt  }
.Lfunc_end0:
.L_simem_size_0:
called_computation_lowered:
.L_overlay_start_0:
0x88: {  	s2 =	sld [smem:$0x3FD9]  }
0x89: {  	s3 =	sld [smem:$0x3FFE];
	_ =	sdelay $0x1  }
0x8a: {  	s1 =	srdreg.scid  }
0x8b: {  	s0 =	sand.u32 $0x1, s1  }
0x8c: {  	s17 =	sshll.u32 s0, $0xA;
	s2 =	sadd.s32 s3, s2  }
0x8d: {  	s2 =	sadd.s32 s2, s17  }
0x8e: {  	[smem:$0x3FC5] =	sst s2  }
0x8f: {  	_ = 	snop  }
0x90: {  	s2 =	sld [smem:$0x3FC8]  }
0x91: {  	s18 =	sld [smem:$0x3FC7]  }
0x92: {  	s4 =	sld [smem:$0x3FD0];
	(tm) =	ssettm $0x1  }
0x93: {  	s5 =	sld [smem:$0x3FFB];
	_ =	sdelay $0x3  }
0x94: {  	_ =	strace s5  }
0x95: {  	s5 =	sld [smem:$0x3FFC];
	_ =	sdelay $0x3  }
0x96: {  	_ =	strace s5  }
0x97: {  	s5 =	sld [smem:$0x3FFD];
	_ =	sdelay $0x3  }
0x98: {  	_ =	strace s5  }
0x99: {  	_ =	strace $0x8FFFFFFF  }
0x9a: {  	s19 =	sld [smem:$0x3FDB];
	_ =	sdelay $0x1  }
0x9b: {  	s6 =	simm.s32 $_scs_section_size  }
0x9c: {  	s7 =	simm.s32 $_size__tile_overlayer_lowered;
	s8 =	simm.s32 $_tile_overlayer_lowered  }
0x9d: {  	s22 =	simm.s32 $0x1BFF;
	s21 =	sshll.u32 s8, $0x1;
	s5 =	sadd.s32 s6, s19  }
0x9e: {  	s9 =	simm.s32 $0x0;
	s20 =	sshll.u32 s7, $0x1;
	s7 =	sadd.s32 s21, s5  }
0x9f: {  	[timem:s9], [sflag:s22] =	dma.local [hbm:s7], s20  }
0xa0: {  	_ =	swait.ge [sflag:s22], s20  }
0xa1: {  	s6 =	ssub.s32 $0x0, s20;
	[sflag:s22] =	ssyncset.done $0x0  }
0xa2: {  	[sflag:s22] =	ssyncadd.s32 s6;
	_ =	sdelay $0x1  }
0xa3: {  	s23 =	simm.s32 $0x1B8B  }
0xa4: {  	_ =	swait.ge [sflag:s23], $0x1  }
0xa5: {  	[sflag:s23] =	ssyncset.done $0x0  }
0xa6: {  	s25 =	simm.s32 $0x1B8E;
	s24 =	sld [smem:$0x3FFE];
	[sflag:s23] =	ssyncadd.s32 $0xFFFFFFFF  }
0xa7: {  	s26 =	simm.s32 $execute0_lowered;
	[smem:$0x3FD2] =	sst s25  }
0xa8: {  	s7 =	sshll.u32 s26, $0x1;
	_ =	strace $0x80000046;
	[dreg:$0x1] =	wrdreg $0xFFFFFFFF  }
0xa9: {  	s28 =	simm.s32 $_size_execute0_lowered;
	s5 =	sadd.s32 s5, s7;
	[dreg:$0x0] =	wrdreg $0x0  }
0xaa: {  	s7 =	sshll.u32 s28, $0x1;
	[dreg:$0x2] =	wrdreg s5  }
0xab: {  	[dreg:$0x3] =	wrdreg s7  }
0xac: {  	[dreg:$0x4] =	wrdreg $0xC0  }
0xad: {  	_ =	task [dreg:s9], $0x5FFFF  }
0xae: {  	[dreg:$0x1] =	wrdreg $0xFFFFFFFF  }
0xaf: {  	[dreg:$0x0] =	wrdreg $0x60  }
0xb0: {  	[dreg:$0x2] =	wrdreg s24  }
0xb1: {  	[dreg:$0x3] =	wrdreg s2  }
0xb2: {  	[dreg:$0x4] =	wrdreg s18  }
0xb3: {  	[dreg:$0x5] =	wrdreg s4  }
0xb4: {  	[dreg:$0x6] =	wrdreg $0x9  }
0xb5: {  	_ =	task.clear_ibuf [dreg:s9], $0x7FFFF;
	_ =	strace $0x90000046  }
0xb6: {  	s29 =	simm.s32 $0x9;
	_ =	strace $0x80000048  }
0xb7: {  	_ =	swait.ge [sflag:s29], $0x1  }
0xb8: {  	[sflag:s29] =	ssyncadd.s32 $0xFFFFFFFF  }
0xb9: {  	_ =	strace $0x90000048  }
0xba: {  	_ =	sfence  }
0xbb: {  	s30 =	sld [smem:$0x0];
	_ =	sdelay $0x2  }
0xbc: {  	s31 =	sshll.u32 s1, $0xD;
	s1 =	sshrl.u32 s1, $0x2  }
0xbd: {  	s3 =	sand.u32 $0x4000, s31;
	s1 =	sadd.s32 s1, s30  }
0xbe: {  	s0 =	sor.u32 s3, s0;
	s1 =	sshll.u32 s1, $0x11  }
0xbf: {  	s0 =	sor.u32 s1, s0  }
0xc0: {  	s0 =	sadd.s32 $0x8F2B, s0  }
0xc1: {  	[sflag:s0] =	ssyncadd.remote.s32 $0x1  }
0xc2: {  	_ =	sfence.sel $0xFFFF  }
0xc3: {  	[dreg:$0x0] =	wrdreg $0xFFFFFFFF;
	(pc) =	sbr.abs _section_cstart, $3  }
0xc4: {  	[dreg:$0x1] =	wrdreg $0xFFFFFFFF  }
0xc5: {  	_ =	task.clear_ibuf [dreg:s9], $0x2FFFF;
	_ =	strace $0x9FFFFFFF  }
0xc6: {  	(tm) =	ssettm $0x7FFFFFFF  }
0xc7: {  	_ =	shalt  }
tec
execute0_lowered:
.L_overlay_start_1:
0x0: {  	(tag) =	ssettag $0x1  }
0x1: {  	s0 =	rddreg [dreg:$0x0]  }
0x2: {  	s1 =	rddreg [dreg:$0x1]  }
0x3: {  	s2 =	rddreg [dreg:$0x2]  }
0x4: {  	s3 =	rddreg [dreg:$0x3];
	s5 =	srdreg.scid;
	s4 =	simm.s32 $0x0  }
0x5: {  	s6 =	stileid.u32;
	s19 =	simm.s32 $0x4;
	s20 =	simm.s32 $0x40  }
0x6: {  	s21 =	simm.s32 $0x600;
	s22 =	simm.s32 $0x6600;
	s23 =	simm.s32 $0xC600  }
0x7: {  	s29 =	simm.s32 $0xE600;
	s30 =	simm.s32 $0x1;
	s28 =	simm.s32 $0x5  }
0x8: {  	s17 =	simm.s32 $0x2;
	s18 =	simm.s32 $0x3;
	s5 =	sand.u32 $0x1, s5  }
0x9: {  	s6 =	sshll.u32 s6, $0x7;
	s7 =	sshll.u32 s5, $0x6;
	s5 =	ssub.s32 $0x2, s5  }
0xa: {  	[smem:$0x7FF] =	sst s4;
	s7 =	sor.u32 s7, s6;
	s24 =	sshrl.u32 s5, $0x1  }
0xb: {  	_ =	strace $0x80000047;
	s0 =	sadd.s32 s7, s0;
	s16 =	ssub.s32 s5, s24  }
0xc: {  	s7 =	sadd.s32 s3, s7;
	s24 =	simm.s32 $0x2600;
	s3 =	simm.s32 $0x12600  }
0xd: {  	s25 =	sadd.s32 $0x1600, s0;
	s26 =	sadd.s32 $0xE00, s0;
	s0 =	sadd.s32 $0x600, s0  }
0xe: {  	s31 =	sadd.s32 $0x8, s7;
	s10 =	sadd.s32 $0x10, s7;
	[dreg:$0x5] =	wrdreg s25  }
0xf: {  	s11 =	sadd.s32 $0x18, s7;
	s12 =	sadd.s32 $0x20, s7;
	[dreg:$0x6] =	wrdreg s26  }
0x10: {  	s13 =	sadd.s32 $0x28, s7;
	s14 =	sadd.s32 $0x30, s7;
	[dreg:$0x7] =	wrdreg s0  }
0x11: {  	s15 =	sadd.s32 $0x38, s7;
	s16 =	smax.u32 s16, $0x1;
	[dreg:$0x8] =	wrdreg s31  }
0x12: {  	v0 =	vlaneseq.u32;
	s26 =	simm.s32 $0x8600;
	s0 =	simm.s32 $0x4600;
	s25 =	simm.s32 $0x0  }
.LBB2_1:
0x13: {  	s5 =	rddreg [dreg:$0x5]  }
0x14: {  	[tilespmem:s4], [sflag:$0x4] =	stream.linear.gather [hbm4b:s5+s4], $0x200, $0x38;
	[tilespmem:$0x12680] =	vst v63  }
0x15: {  	s31 =	simm.s32 $0x200;
	s9 =	rddreg [dreg:$0x6]  }
0x16: {  	[tilespmem:s31], [sflag:$0x4] =	stream.linear.gather [hbm4b:s9+s4], $0x200, $0x38;
	[tilespmem:$0x12680] =	vst v63  }
0x17: {  	s5 =	simm.s32 $0x400;
	s9 =	rddreg [dreg:$0x7]  }
0x18: {  	[tilespmem:s5], [sflag:$0x4] =	stream.linear.gather [hbm4b:s9+s4], $0x200, $0x38;
	[tilespmem:$0x12680] =	vst v63  }
0x19: {  	_ =	swait.ge [sflag:s19], $0x200  }
0x1a: {  	[sflag:s19] =	ssyncset.done $0x0  }
0x1b: {  	[sflag:s19] =	ssyncadd.s32 $0xFFFFFE00  }
0x1c: {  	_ =	swait.ge [sflag:s19], $0x200  }
0x1d: {  	[sflag:s19] =	ssyncset.done $0x0  }
0x1e: {  	[sflag:s19] =	ssyncadd.s32 $0xFFFFFE00  }
0x1f: {  	_ =	swait.ge [sflag:s19], $0x200  }
0x20: {  	[sflag:s19] =	ssyncset.done $0x0  }
0x21: {  	[sflag:s19] =	ssyncadd.s32 $0xFFFFFE00  }
0x22: {  	[tilespmem:s21], [sflag:$0x1] =	stream.indirect.gather [hbm4b:s1+s20], $0x80, s4, s20, $0xb8;
	[tilespmem:$0x12680] =	vst v63  }
0x23: {  	_ = 	snop  }
0x24: {  	[tilespmem:s22], [sflag:$0x1] =	stream.indirect.gather [hbm4b:s2+s20], $0x80, s31, s20, $0xb8;
	[tilespmem:$0x12680] =	vst v63  }
0x25: {  	_ = 	snop  }
0x26: {  	[tilespmem:s23], [sflag:$0x1] =	stream.indirect.gather [hbm4b:s1+s20], $0x80, s5, s20, $0xb8;
	[tilespmem:$0x12680] =	vst v63  }
0x27: {  	_ = 	snop  }
0x28: {  	[tilespmem:s24], [sflag:$0x2] =	stream.indirect.gather [hbm4b:s1+s20], $0x80, s20, s20, $0xb8;
	[tilespmem:$0x12680] =	vst v63  }
0x29: {  	s9 =	simm.s32 $0x240  }
0x2a: {  	[tilespmem:s26], [sflag:$0x2] =	stream.indirect.gather [hbm4b:s2+s20], $0x80, s9, s20, $0xb8;
	[tilespmem:$0x12680] =	vst v63  }
0x2b: {  	s9 =	simm.s32 $0x440  }
0x2c: {  	[tilespmem:s29], [sflag:$0x2] =	stream.indirect.gather [hbm4b:s1+s20], $0x80, s9, s20, $0xb8;
	[tilespmem:$0x12680] =	vst v63  }
0x2d: {  	_ =	swait.ge [sflag:s30], $0x2000  }
0x2e: {  	[sflag:s30] =	ssyncset.done $0x0  }
0x2f: {  	[sflag:s30] =	ssyncadd.s32 $0xFFFFE000  }
0x30: {  	_ =	swait.ge [sflag:s30], $0x2000  }
0x31: {  	[sflag:s30] =	ssyncset.done $0x0  }
0x32: {  	[sflag:s30] =	ssyncadd.s32 $0xFFFFE000  }
0x33: {  	_ =	swait.ge [sflag:s30], $0x2000  }
0x34: {  	[sflag:s30] =	ssyncset.done $0x0  }
0x35: {  	v1 =	vor.u32 s4, v0;
	s9 =	simm.s32 $0x80;
	[sflag:s30] =	ssyncadd.s32 $0xFFFFE000  }
0x36: {  	v2 =	vshll.u32 v1, $0x7;
	[tilespmem:s0], [sflag:$0x3] =	stream.indirect.gather [hbm4b:s1+s20], $0x80, s9, s20, $0xb8;
	[tilespmem:$0x12680] =	vst v63  }
0x37: {  	s6 =	simm.s32 $0xA600;
	s9 =	simm.s32 $0x280  }
0x38: {  	v3 =	vor.u32 $0x1, v2;
	[tilespmem:s6], [sflag:$0x3] =	stream.indirect.gather [hbm4b:s2+s20], $0x80, s9, s20, $0xb8;
	[tilespmem:$0x12680] =	vst v63  }
0x39: {  	s8 =	simm.s32 $0x10600;
	s9 =	simm.s32 $0x480  }
0x3a: {  	v4 =	vor.u32 $0x2, v2;
	[tilespmem:s8], [sflag:$0x3] =	stream.indirect.gather [hbm4b:s1+s20], $0x80, s9, s20, $0xb8;
	[tilespmem:$0x12680] =	vst v63  }
0x3b: {  	v5 =	vld.idx.msk [tilespmem:v2+s21+$0x0], $0xffff  }
0x3c: {  	v6 =	vor.u32 $0x3, v2  }
0x3d: {  	v3 =	vld.idx.msk [tilespmem:v3+s21+$0x0], $0xffff  }
0x3e: {  	v7 =	vor.u32 $0x4, v2  }
0x3f: {  	v4 =	vld.idx.msk [tilespmem:v4+s21+$0x0], $0xffff  }
0x40: {  	v8 =	vor.u32 $0x5, v2;
	v5 =	vadd.f32 $0.0e+00, v5  }
0x41: {  	v6 =	vld.idx.msk [tilespmem:v6+s21+$0x0], $0xffff  }
0x42: {  	v9 =	vor.u32 $0x6, v2;
	v3 =	vadd.f32 v3, v5  }
0x43: {  	v5 =	vld.idx.msk [tilespmem:v7+s21+$0x0], $0xffff  }
0x44: {  	v53 =	vor.u32 $0x7, v2;
	v3 =	vadd.f32 v4, v3  }
0x45: {  	v4 =	vld.idx.msk [tilespmem:v8+s21+$0x0], $0xffff  }
0x46: {  	v54 =	vor.u32 $0x8, v2;
	v3 =	vadd.f32 v6, v3  }
0x47: {  	v55 =	vld.idx.msk [tilespmem:v9+s21+$0x0], $0xffff  }
0x48: {  	v56 =	vor.u32 $0x9, v2;
	v3 =	vadd.f32 v5, v3  }
0x49: {  	v5 =	vld.idx.msk [tilespmem:v53+s21+$0x0], $0xffff  }
0x4a: {  	v57 =	vor.u32 $0xA, v2;
	v3 =	vadd.f32 v4, v3  }
0x4b: {  	v4 =	vld.idx.msk [tilespmem:v54+s21+$0x0], $0xffff  }
0x4c: {  	v58 =	vor.u32 $0xB, v2;
	v3 =	vadd.f32 v55, v3  }
0x4d: {  	v59 =	vld.idx.msk [tilespmem:v56+s21+$0x0], $0xffff  }
0x4e: {  	v60 =	vor.u32 $0xC, v2;
	v3 =	vadd.f32 v5, v3  }
0x4f: {  	v5 =	vld.idx.msk [tilespmem:v57+s21+$0x0], $0xffff  }
0x50: {  	v61 =	vor.u32 $0xD, v2;
	v3 =	vadd.f32 v4, v3  }
0x51: {  	v4 =	vld.idx.msk [tilespmem:v58+s21+$0x0], $0xffff  }
0x52: {  	v62 =	vor.u32 $0xE, v2;
	v3 =	vadd.f32 v59, v3  }
0x53: {  	v63 =	vld.idx.msk [tilespmem:v60+s21+$0x0], $0xffff  }
0x54: {  	v2 =	vor.u32 $0xF, v2;
	v3 =	vadd.f32 v5, v3  }
0x55: {  	v5 =	vld.idx.msk [tilespmem:v61+s21+$0x0], $0xffff  }
0x56: {  	v3 =	vadd.f32 v4, v3  }
0x57: {  	v4 =	vld.idx.msk [tilespmem:v62+s21+$0x0], $0xffff  }
0x58: {  	v3 =	vadd.f32 v63, v3  }
0x59: {  	v2 =	vld.idx.msk [tilespmem:v2+s21+$0x0], $0xffff  }
0x5a: {  	v3 =	vadd.f32 v5, v3;
	_ =	sdelay $0x1  }
0x5b: {  	v3 =	vadd.f32 v4, v3;
	_ =	sdelay $0x1  }
0x5c: {  	v2 =	vadd.f32 v2, v3;
	_ =	sdelay $0x1  }
0x5d: {  	v3 =	vshrl.u32 v2, $0x1  }
0x5e: {  	v3 =	vadd.s32 $0x1FBD1DF5, v3  }
0x5f: {  	(erf) = vrcp.f32 v3;
	_ =	sdelay $0x8  }
0x60: {  	v4 =	vpop (erf)  }
0x61: {  	v4 =	vmul.f32 v4, v2;
	_ =	sdelay $0x1  }
0x62: {  	v3 =	vadd.f32 v3, v4;
	_ =	sdelay $0x1  }
0x63: {  	v3 =	vmul.f32 $5.000000000e-01, v3;
	_ =	sdelay $0x1  }
0x64: {  	(erf) = vrcp.f32 v3;
	_ =	sdelay $0x8  }
0x65: {  	v4 =	vpop (erf)  }
0x66: {  	v4 =	vmul.f32 v4, v2;
	_ =	sdelay $0x1  }
0x67: {  	v3 =	vadd.f32 v4, v3;
	_ =	sdelay $0x1  }
0x68: {  	v3 =	vmul.f32 $5.000000000e-01, v3;
	_ =	sdelay $0x1  }
0x69: {  	(erf) = vrcp.f32 v3;
	_ =	sdelay $0x8  }
0x6a: {  	v4 =	vpop (erf)  }
0x6b: {  	v2 =	vmul.f32 v4, v2;
	_ =	sdelay $0x1  }
0x6c: {  	s31 =	simm.s32 $0x10;
	v3 =	vadd.f32 v2, v3  }
0x6d: {  	s5 =	simm.s32 $0xA600;
	s6 =	simm.s32 $0x10600;
	v2 =	vor.u32 s31, v0;
	s31 =	simm.s32 $0x20  }
.LBB2_2:
0x6e: {  	p0 =	sne.s32 s31, $0x30;
	v4 =	vshll.u32 v2, $0x7;
	v3 =	vmul.f32 $5.000000000e-01, v3;
	_ =	sdelay $0x1  }
0x6f: {  	v5 =	vor.u32 $0x1, v4;
	v3 =	vsub.f32 $0.0e+00, v3;
	_ =	sdelay $0x1  }
0x70: {  	v6 =	vor.u32 $0x2, v4;
	[tilespmem:v1+s3+$0x0] =	vst.idx.msk $0xffff, v3;
	v1 =	vmov v2  }
0x71: {  	v2 =	vld.idx.msk [tilespmem:v4+s21+$0x0], $0xffff  }
0x72: {  	v3 =	vor.u32 $0x3, v4  }
0x73: {  	v5 =	vld.idx.msk [tilespmem:v5+s21+$0x0], $0xffff  }
0x74: {  	v7 =	vor.u32 $0x4, v4  }
0x75: {  	v6 =	vld.idx.msk [tilespmem:v6+s21+$0x0], $0xffff  }
0x76: {  	v8 =	vor.u32 $0x5, v4  }
0x77: {  	v2 =	vadd.f32 $0.0e+00, v2;
	v3 =	vld.idx.msk [tilespmem:v3+s21+$0x0], $0xffff  }
0x78: {  	v9 =	vor.u32 $0x6, v4  }
0x79: {  	v2 =	vadd.f32 v5, v2;
	v5 =	vld.idx.msk [tilespmem:v7+s21+$0x0], $0xffff  }
0x7a: {  	v7 =	vor.u32 $0x7, v4  }
0x7b: {  	v2 =	vadd.f32 v6, v2;
	v6 =	vld.idx.msk [tilespmem:v8+s21+$0x0], $0xffff  }
0x7c: {  	v8 =	vor.u32 $0x8, v4  }
0x7d: {  	v2 =	vadd.f32 v3, v2;
	v3 =	vld.idx.msk [tilespmem:v9+s21+$0x0], $0xffff  }
0x7e: {  	v9 =	vor.u32 $0x9, v4  }
0x7f: {  	v2 =	vadd.f32 v5, v2;
	v5 =	vld.idx.msk [tilespmem:v7+s21+$0x0], $0xffff  }
0x80: {  	v7 =	vor.u32 $0xA, v4  }
0x81: {  	v2 =	vadd.f32 v6, v2;
	v6 =	vld.idx.msk [tilespmem:v8+s21+$0x0], $0xffff  }
0x82: {  	v8 =	vor.u32 $0xB, v4  }
0x83: {  	v2 =	vadd.f32 v3, v2;
	v3 =	vld.idx.msk [tilespmem:v9+s21+$0x0], $0xffff  }
0x84: {  	v9 =	vor.u32 $0xC, v4  }
0x85: {  	v2 =	vadd.f32 v5, v2;
	v5 =	vld.idx.msk [tilespmem:v7+s21+$0x0], $0xffff  }
0x86: {  	v7 =	vor.u32 $0xD, v4  }
0x87: {  	v2 =	vadd.f32 v6, v2;
	v6 =	vld.idx.msk [tilespmem:v8+s21+$0x0], $0xffff  }
0x88: {  	v8 =	vor.u32 $0xE, v4  }
0x89: {  	v2 =	vadd.f32 v3, v2;
	v3 =	vld.idx.msk [tilespmem:v9+s21+$0x0], $0xffff  }
0x8a: {  	v4 =	vor.u32 $0xF, v4  }
0x8b: {  	v2 =	vadd.f32 v5, v2;
	v5 =	vld.idx.msk [tilespmem:v7+s21+$0x0], $0xffff;
	_ =	sdelay $0x1  }
0x8c: {  	v2 =	vadd.f32 v6, v2;
	v6 =	vld.idx.msk [tilespmem:v8+s21+$0x0], $0xffff;
	_ =	sdelay $0x1  }
0x8d: {  	v2 =	vadd.f32 v3, v2;
	v3 =	vld.idx.msk [tilespmem:v4+s21+$0x0], $0xffff;
	_ =	sdelay $0x1  }
0x8e: {  	v2 =	vadd.f32 v5, v2;
	_ =	sdelay $0x1  }
0x8f: {  	v2 =	vadd.f32 v6, v2;
	_ =	sdelay $0x1  }
0x90: {  	v2 =	vadd.f32 v3, v2;
	_ =	sdelay $0x1  }
0x91: {  	v3 =	vshrl.u32 v2, $0x1  }
0x92: {  	v3 =	vadd.s32 $0x1FBD1DF5, v3  }
0x93: {  	(erf) = vrcp.f32 v3;
	_ =	sdelay $0x8  }
0x94: {  	v4 =	vpop (erf)  }
0x95: {  	v4 =	vmul.f32 v4, v2;
	_ =	sdelay $0x1  }
0x96: {  	v3 =	vadd.f32 v3, v4;
	_ =	sdelay $0x1  }
0x97: {  	v3 =	vmul.f32 $5.000000000e-01, v3;
	_ =	sdelay $0x1  }
0x98: {  	(erf) = vrcp.f32 v3;
	_ =	sdelay $0x8  }
0x99: {  	v4 =	vpop (erf)  }
0x9a: {  	v4 =	vmul.f32 v4, v2;
	_ =	sdelay $0x1  }
0x9b: {  	v3 =	vadd.f32 v4, v3;
	_ =	sdelay $0x1  }
0x9c: {  	v3 =	vmul.f32 $5.000000000e-01, v3;
	_ =	sdelay $0x1  }
0x9d: {  	(erf) = vrcp.f32 v3;
	_ =	sdelay $0x8  }
.Ltmp0:
0x9e: {  	v4 =	vpop (erf);
	(pc) =	sbr.rel @p0 .LBB2_2-.Ltmp0, $3  }
0x9f: {  	v2 =	vmul.f32 v4, v2;
	_ =	sdelay $0x1  }
0xa0: {  	v3 =	vadd.f32 v2, v3  }
0xa1: {  	v2 =	vor.u32 s31, v0;
	s31 =	sadd.s32 $0x10, s31  }
0xa2: {  	v4 =	vshll.u32 v2, $0x7;
	v3 =	vmul.f32 $5.000000000e-01, v3;
	_ =	sdelay $0x1  }
0xa3: {  	v5 =	vor.u32 $0x1, v4;
	v3 =	vsub.f32 $0.0e+00, v3;
	_ =	sdelay $0x1  }
0xa4: {  	v6 =	vor.u32 $0x2, v4;
	[tilespmem:v1+s3+$0x0] =	vst.idx.msk $0xffff, v3  }
0xa5: {  	v1 =	vld.idx.msk [tilespmem:v4+s21+$0x0], $0xffff  }
0xa6: {  	v3 =	vor.u32 $0x3, v4  }
0xa7: {  	v5 =	vld.idx.msk [tilespmem:v5+s21+$0x0], $0xffff  }
0xa8: {  	v7 =	vor.u32 $0x4, v4  }
0xa9: {  	v6 =	vld.idx.msk [tilespmem:v6+s21+$0x0], $0xffff  }
0xaa: {  	v8 =	vor.u32 $0x5, v4;
	v1 =	vadd.f32 $0.0e+00, v1  }
0xab: {  	v3 =	vld.idx.msk [tilespmem:v3+s21+$0x0], $0xffff  }
0xac: {  	v9 =	vor.u32 $0x6, v4;
	v1 =	vadd.f32 v5, v1  }
0xad: {  	v5 =	vld.idx.msk [tilespmem:v7+s21+$0x0], $0xffff  }
0xae: {  	v37 =	vor.u32 $0x7, v4;
	v1 =	vadd.f32 v6, v1  }
0xaf: {  	v38 =	vld.idx.msk [tilespmem:v8+s21+$0x0], $0xffff  }
0xb0: {  	v39 =	vor.u32 $0x8, v4;
	v1 =	vadd.f32 v3, v1  }
0xb1: {  	v3 =	vld.idx.msk [tilespmem:v9+s21+$0x0], $0xffff  }
0xb2: {  	v40 =	vor.u32 $0x9, v4;
	v1 =	vadd.f32 v5, v1  }
0xb3: {  	v5 =	vld.idx.msk [tilespmem:v37+s21+$0x0], $0xffff  }
0xb4: {  	v41 =	vor.u32 $0xA, v4;
	v1 =	vadd.f32 v38, v1  }
0xb5: {  	v42 =	vld.idx.msk [tilespmem:v39+s21+$0x0], $0xffff  }
0xb6: {  	v43 =	vor.u32 $0xB, v4;
	v1 =	vadd.f32 v3, v1  }
0xb7: {  	v3 =	vld.idx.msk [tilespmem:v40+s21+$0x0], $0xffff  }
0xb8: {  	v44 =	vor.u32 $0xC, v4;
	v1 =	vadd.f32 v5, v1  }
0xb9: {  	v5 =	vld.idx.msk [tilespmem:v41+s21+$0x0], $0xffff  }
0xba: {  	v45 =	vor.u32 $0xD, v4;
	v1 =	vadd.f32 v42, v1  }
0xbb: {  	v46 =	vld.idx.msk [tilespmem:v43+s21+$0x0], $0xffff  }
0xbc: {  	v47 =	vor.u32 $0xE, v4;
	v1 =	vadd.f32 v3, v1  }
0xbd: {  	v3 =	vld.idx.msk [tilespmem:v44+s21+$0x0], $0xffff  }
0xbe: {  	v4 =	vor.u32 $0xF, v4;
	v1 =	vadd.f32 v5, v1  }
0xbf: {  	v5 =	vld.idx.msk [tilespmem:v45+s21+$0x0], $0xffff  }
0xc0: {  	v1 =	vadd.f32 v46, v1  }
0xc1: {  	v48 =	vld.idx.msk [tilespmem:v47+s21+$0x0], $0xffff  }
0xc2: {  	v1 =	vadd.f32 v3, v1  }
0xc3: {  	v3 =	vld.idx.msk [tilespmem:v4+s21+$0x0], $0xffff  }
0xc4: {  	v1 =	vadd.f32 v5, v1;
	_ =	sdelay $0x1  }
0xc5: {  	v1 =	vadd.f32 v48, v1;
	_ =	sdelay $0x1  }
0xc6: {  	v1 =	vadd.f32 v3, v1;
	_ =	sdelay $0x1  }
0xc7: {  	v3 =	vshrl.u32 v1, $0x1  }
0xc8: {  	v3 =	vadd.s32 $0x1FBD1DF5, v3  }
0xc9: {  	(erf) = vrcp.f32 v3;
	_ =	sdelay $0x8  }
0xca: {  	v4 =	vpop (erf)  }
0xcb: {  	v4 =	vmul.f32 v4, v1;
	_ =	sdelay $0x1  }
0xcc: {  	v3 =	vadd.f32 v3, v4;
	_ =	sdelay $0x1  }
0xcd: {  	v3 =	vmul.f32 $5.000000000e-01, v3;
	_ =	sdelay $0x1  }
0xce: {  	(erf) = vrcp.f32 v3;
	_ =	sdelay $0x8  }
0xcf: {  	v4 =	vpop (erf)  }
0xd0: {  	v4 =	vmul.f32 v4, v1;
	_ =	sdelay $0x1  }
0xd1: {  	v3 =	vadd.f32 v4, v3;
	_ =	sdelay $0x1  }
0xd2: {  	v3 =	vmul.f32 $5.000000000e-01, v3;
	_ =	sdelay $0x1  }
0xd3: {  	(erf) = vrcp.f32 v3;
	_ =	sdelay $0x8  }
0xd4: {  	v4 =	vpop (erf)  }
0xd5: {  	v1 =	vmul.f32 v4, v1;
	_ =	sdelay $0x1  }
0xd6: {  	v1 =	vadd.f32 v1, v3;
	_ =	sdelay $0x1  }
0xd7: {  	v1 =	vmul.f32 $5.000000000e-01, v1;
	_ =	sdelay $0x1  }
0xd8: {  	v1 =	vsub.f32 $0.0e+00, v1;
	_ =	sdelay $0x1  }
0xd9: {  	s31 =	simm.s32 $0x0;
	[tilespmem:v2+s3+$0x0] =	vst.idx.msk $0xffff, v1  }
0xda: {  	[hbm4b:s7+s31] =	stream.linear.scatter [tilespmem:s3], [sflag:$0x5], $0x40, $0x38;
	[tilespmem:$0x12680] =	vst v63  }
0xdb: {  	_ =	swait.ge [sflag:s28], $0x40  }
0xdc: {  	[sflag:s28] =	ssyncset.done $0x0  }
0xdd: {  	[sflag:s28] =	ssyncadd.s32 $0xFFFFFFC0  }
0xde: {  	_ =	swait.ge [sflag:s17], $0x2000  }
0xdf: {  	[sflag:s17] =	ssyncset.done $0x0  }
0xe0: {  	[sflag:s17] =	ssyncadd.s32 $0xFFFFE000  }
0xe1: {  	_ =	swait.ge [sflag:s17], $0x2000  }
0xe2: {  	[sflag:s17] =	ssyncset.done $0x0  }
0xe3: {  	[sflag:s17] =	ssyncadd.s32 $0xFFFFE000  }
0xe4: {  	_ =	swait.ge [sflag:s17], $0x2000  }
0xe5: {  	[sflag:s17] =	ssyncset.done $0x0  }
0xe6: {  	s8 =	simm.s32 $0xC0;
	v1 =	vor.u32 s31, v0;
	[sflag:s17] =	ssyncadd.s32 $0xFFFFE000  }
0xe7: {  	v2 =	vshll.u32 v1, $0x7;
	[tilespmem:s21], [sflag:$0x1] =	stream.indirect.gather [hbm4b:s1+s20], $0x80, s8, s20, $0xb8;
	[tilespmem:$0x12680] =	vst v63  }
0xe8: {  	s9 =	simm.s32 $0x2C0  }
0xe9: {  	v3 =	vor.u32 $0x1, v2;
	[tilespmem:s22], [sflag:$0x1] =	stream.indirect.gather [hbm4b:s2+s20], $0x80, s9, s20, $0xb8;
	[tilespmem:$0x12680] =	vst v63  }
0xea: {  	s9 =	simm.s32 $0x4C0  }
0xeb: {  	v4 =	vor.u32 $0x2, v2;
	[tilespmem:s23], [sflag:$0x1] =	stream.indirect.gather [hbm4b:s1+s20], $0x80, s9, s20, $0xb8;
	[tilespmem:$0x12680] =	vst v63  }
0xec: {  	v5 =	vld.idx.msk [tilespmem:v2+s24+$0x0], $0xffff  }
0xed: {  	v49 =	vor.u32 $0x3, v2  }
0xee: {  	v3 =	vld.idx.msk [tilespmem:v3+s24+$0x0], $0xffff  }
0xef: {  	v50 =	vor.u32 $0x4, v2  }
0xf0: {  	v4 =	vld.idx.msk [tilespmem:v4+s24+$0x0], $0xffff  }
0xf1: {  	v51 =	vor.u32 $0x5, v2;
	v5 =	vadd.f32 $0.0e+00, v5  }
0xf2: {  	v6 =	vld.idx.msk [tilespmem:v49+s24+$0x0], $0xffff  }
0xf3: {  	v52 =	vor.u32 $0x6, v2;
	v3 =	vadd.f32 v3, v5  }
0xf4: {  	v5 =	vld.idx.msk [tilespmem:v50+s24+$0x0], $0xffff  }
0xf5: {  	v53 =	vor.u32 $0x7, v2;
	v3 =	vadd.f32 v4, v3  }
0xf6: {  	v4 =	vld.idx.msk [tilespmem:v51+s24+$0x0], $0xffff  }
0xf7: {  	v54 =	vor.u32 $0x8, v2;
	v3 =	vadd.f32 v6, v3  }
0xf8: {  	v55 =	vld.idx.msk [tilespmem:v52+s24+$0x0], $0xffff  }
0xf9: {  	v56 =	vor.u32 $0x9, v2;
	v3 =	vadd.f32 v5, v3  }
0xfa: {  	v5 =	vld.idx.msk [tilespmem:v53+s24+$0x0], $0xffff  }
0xfb: {  	v57 =	vor.u32 $0xA, v2;
	v3 =	vadd.f32 v4, v3  }
0xfc: {  	v4 =	vld.idx.msk [tilespmem:v54+s24+$0x0], $0xffff  }
0xfd: {  	v58 =	vor.u32 $0xB, v2;
	v3 =	vadd.f32 v55, v3  }
0xfe: {  	v59 =	vld.idx.msk [tilespmem:v56+s24+$0x0], $0xffff  }
0xff: {  	v60 =	vor.u32 $0xC, v2;
	v3 =	vadd.f32 v5, v3  }
0x100: {  	v5 =	vld.idx.msk [tilespmem:v57+s24+$0x0], $0xffff  }
0x101: {  	v61 =	vor.u32 $0xD, v2;
	v3 =	vadd.f32 v4, v3  }
0x102: {  	v4 =	vld.idx.msk [tilespmem:v58+s24+$0x0], $0xffff  }
0x103: {  	v62 =	vor.u32 $0xE, v2;
	v3 =	vadd.f32 v59, v3  }
0x104: {  	v63 =	vld.idx.msk [tilespmem:v60+s24+$0x0], $0xffff  }
0x105: {  	v2 =	vor.u32 $0xF, v2;
	v3 =	vadd.f32 v5, v3  }
0x106: {  	v5 =	vld.idx.msk [tilespmem:v61+s24+$0x0], $0xffff  }
0x107: {  	v3 =	vadd.f32 v4, v3  }
0x108: {  	v4 =	vld.idx.msk [tilespmem:v62+s24+$0x0], $0xffff  }
0x109: {  	v3 =	vadd.f32 v63, v3  }
0x10a: {  	v2 =	vld.idx.msk [tilespmem:v2+s24+$0x0], $0xffff  }
0x10b: {  	v3 =	vadd.f32 v5, v3;
	_ =	sdelay $0x1  }
0x10c: {  	v3 =	vadd.f32 v4, v3;
	_ =	sdelay $0x1  }
0x10d: {  	v2 =	vadd.f32 v2, v3;
	_ =	sdelay $0x1  }
0x10e: {  	v3 =	vshrl.u32 v2, $0x1  }
0x10f: {  	v3 =	vadd.s32 $0x1FBD1DF5, v3  }
0x110: {  	(erf) = vrcp.f32 v3;
	_ =	sdelay $0x8  }
0x111: {  	v4 =	vpop (erf)  }
0x112: {  	v4 =	vmul.f32 v4, v2;
	_ =	sdelay $0x1  }
0x113: {  	v3 =	vadd.f32 v3, v4;
	_ =	sdelay $0x1  }
0x114: {  	v3 =	vmul.f32 $5.000000000e-01, v3;
	_ =	sdelay $0x1  }
0x115: {  	(erf) = vrcp.f32 v3;
	_ =	sdelay $0x8  }
0x116: {  	v4 =	vpop (erf)  }
0x117: {  	v4 =	vmul.f32 v4, v2;
	_ =	sdelay $0x1  }
0x118: {  	v3 =	vadd.f32 v4, v3;
	_ =	sdelay $0x1  }
0x119: {  	v3 =	vmul.f32 $5.000000000e-01, v3;
	_ =	sdelay $0x1  }
0x11a: {  	(erf) = vrcp.f32 v3;
	_ =	sdelay $0x8  }
0x11b: {  	v4 =	vpop (erf)  }
0x11c: {  	v2 =	vmul.f32 v4, v2;
	_ =	sdelay $0x1  }
0x11d: {  	s31 =	simm.s32 $0x10;
	v3 =	vadd.f32 v2, v3  }
0x11e: {  	v2 =	vor.u32 s31, v0;
	s31 =	simm.s32 $0x20  }
.LBB2_4:
0x11f: {  	p0 =	sne.s32 s31, $0x30;
	v4 =	vshll.u32 v2, $0x7;
	v3 =	vmul.f32 $5.000000000e-01, v3;
	_ =	sdelay $0x1  }
0x120: {  	v5 =	vor.u32 $0x1, v4;
	v3 =	vsub.f32 $0.0e+00, v3;
	_ =	sdelay $0x1  }
0x121: {  	v6 =	vor.u32 $0x2, v4;
	[tilespmem:v1+s3+$0x0] =	vst.idx.msk $0xffff, v3;
	v1 =	vmov v2  }
0x122: {  	v2 =	vld.idx.msk [tilespmem:v4+s24+$0x0], $0xffff  }
0x123: {  	v3 =	vor.u32 $0x3, v4  }
0x124: {  	v5 =	vld.idx.msk [tilespmem:v5+s24+$0x0], $0xffff  }
0x125: {  	v7 =	vor.u32 $0x4, v4  }
0x126: {  	v6 =	vld.idx.msk [tilespmem:v6+s24+$0x0], $0xffff  }
0x127: {  	v8 =	vor.u32 $0x5, v4  }
0x128: {  	v2 =	vadd.f32 $0.0e+00, v2;
	v3 =	vld.idx.msk [tilespmem:v3+s24+$0x0], $0xffff  }
0x129: {  	v9 =	vor.u32 $0x6, v4  }
0x12a: {  	v2 =	vadd.f32 v5, v2;
	v5 =	vld.idx.msk [tilespmem:v7+s24+$0x0], $0xffff  }
0x12b: {  	v7 =	vor.u32 $0x7, v4  }
0x12c: {  	v2 =	vadd.f32 v6, v2;
	v6 =	vld.idx.msk [tilespmem:v8+s24+$0x0], $0xffff  }
0x12d: {  	v8 =	vor.u32 $0x8, v4  }
0x12e: {  	v2 =	vadd.f32 v3, v2;
	v3 =	vld.idx.msk [tilespmem:v9+s24+$0x0], $0xffff  }
0x12f: {  	v9 =	vor.u32 $0x9, v4  }
0x130: {  	v2 =	vadd.f32 v5, v2;
	v5 =	vld.idx.msk [tilespmem:v7+s24+$0x0], $0xffff  }
0x131: {  	v7 =	vor.u32 $0xA, v4  }
0x132: {  	v2 =	vadd.f32 v6, v2;
	v6 =	vld.idx.msk [tilespmem:v8+s24+$0x0], $0xffff  }
0x133: {  	v8 =	vor.u32 $0xB, v4  }
0x134: {  	v2 =	vadd.f32 v3, v2;
	v3 =	vld.idx.msk [tilespmem:v9+s24+$0x0], $0xffff  }
0x135: {  	v9 =	vor.u32 $0xC, v4  }
0x136: {  	v2 =	vadd.f32 v5, v2;
	v5 =	vld.idx.msk [tilespmem:v7+s24+$0x0], $0xffff  }
0x137: {  	v7 =	vor.u32 $0xD, v4  }
0x138: {  	v2 =	vadd.f32 v6, v2;
	v6 =	vld.idx.msk [tilespmem:v8+s24+$0x0], $0xffff  }
0x139: {  	v8 =	vor.u32 $0xE, v4  }
0x13a: {  	v2 =	vadd.f32 v3, v2;
	v3 =	vld.idx.msk [tilespmem:v9+s24+$0x0], $0xffff  }
0x13b: {  	v4 =	vor.u32 $0xF, v4  }
0x13c: {  	v2 =	vadd.f32 v5, v2;
	v5 =	vld.idx.msk [tilespmem:v7+s24+$0x0], $0xffff;
	_ =	sdelay $0x1  }
0x13d: {  	v2 =	vadd.f32 v6, v2;
	v6 =	vld.idx.msk [tilespmem:v8+s24+$0x0], $0xffff;
	_ =	sdelay $0x1  }
0x13e: {  	v2 =	vadd.f32 v3, v2;
	v3 =	vld.idx.msk [tilespmem:v4+s24+$0x0], $0xffff;
	_ =	sdelay $0x1  }
0x13f: {  	v2 =	vadd.f32 v5, v2;
	_ =	sdelay $0x1  }
0x140: {  	v2 =	vadd.f32 v6, v2;
	_ =	sdelay $0x1  }
0x141: {  	v2 =	vadd.f32 v3, v2;
	_ =	sdelay $0x1  }
0x142: {  	v3 =	vshrl.u32 v2, $0x1  }
0x143: {  	v3 =	vadd.s32 $0x1FBD1DF5, v3  }
0x144: {  	(erf) = vrcp.f32 v3;
	_ =	sdelay $0x8  }
0x145: {  	v4 =	vpop (erf)  }
0x146: {  	v4 =	vmul.f32 v4, v2;
	_ =	sdelay $0x1  }
0x147: {  	v3 =	vadd.f32 v3, v4;
	_ =	sdelay $0x1  }
0x148: {  	v3 =	vmul.f32 $5.000000000e-01, v3;
	_ =	sdelay $0x1  }
0x149: {  	(erf) = vrcp.f32 v3;
	_ =	sdelay $0x8  }
0x14a: {  	v4 =	vpop (erf)  }
0x14b: {  	v4 =	vmul.f32 v4, v2;
	_ =	sdelay $0x1  }
0x14c: {  	v3 =	vadd.f32 v4, v3;
	_ =	sdelay $0x1  }
0x14d: {  	v3 =	vmul.f32 $5.000000000e-01, v3;
	_ =	sdelay $0x1  }
0x14e: {  	(erf) = vrcp.f32 v3;
	_ =	sdelay $0x8  }
.Ltmp1:
0x14f: {  	v4 =	vpop (erf);
	(pc) =	sbr.rel @p0 .LBB2_4-.Ltmp1, $3  }
0x150: {  	v2 =	vmul.f32 v4, v2;
	_ =	sdelay $0x1  }
0x151: {  	v3 =	vadd.f32 v2, v3  }
0x152: {  	v2 =	vor.u32 s31, v0;
	s31 =	sadd.s32 $0x10, s31  }
0x153: {  	v4 =	vshll.u32 v2, $0x7;
	v3 =	vmul.f32 $5.000000000e-01, v3;
	_ =	sdelay $0x1  }
0x154: {  	v5 =	vor.u32 $0x1, v4;
	v3 =	vsub.f32 $0.0e+00, v3;
	_ =	sdelay $0x1  }
0x155: {  	v6 =	vor.u32 $0x2, v4;
	[tilespmem:v1+s3+$0x0] =	vst.idx.msk $0xffff, v3  }
0x156: {  	v1 =	vld.idx.msk [tilespmem:v4+s24+$0x0], $0xffff  }
0x157: {  	v3 =	vor.u32 $0x3, v4  }
0x158: {  	v5 =	vld.idx.msk [tilespmem:v5+s24+$0x0], $0xffff  }
0x159: {  	v7 =	vor.u32 $0x4, v4  }
0x15a: {  	v6 =	vld.idx.msk [tilespmem:v6+s24+$0x0], $0xffff  }
0x15b: {  	v8 =	vor.u32 $0x5, v4;
	v1 =	vadd.f32 $0.0e+00, v1  }
0x15c: {  	v3 =	vld.idx.msk [tilespmem:v3+s24+$0x0], $0xffff  }
0x15d: {  	v9 =	vor.u32 $0x6, v4;
	v1 =	vadd.f32 v5, v1  }
0x15e: {  	v5 =	vld.idx.msk [tilespmem:v7+s24+$0x0], $0xffff  }
0x15f: {  	v37 =	vor.u32 $0x7, v4;
	v1 =	vadd.f32 v6, v1  }
0x160: {  	v38 =	vld.idx.msk [tilespmem:v8+s24+$0x0], $0xffff  }
0x161: {  	v39 =	vor.u32 $0x8, v4;
	v1 =	vadd.f32 v3, v1  }
0x162: {  	v3 =	vld.idx.msk [tilespmem:v9+s24+$0x0], $0xffff  }
0x163: {  	v40 =	vor.u32 $0x9, v4;
	v1 =	vadd.f32 v5, v1  }
0x164: {  	v5 =	vld.idx.msk [tilespmem:v37+s24+$0x0], $0xffff  }
0x165: {  	v41 =	vor.u32 $0xA, v4;
	v1 =	vadd.f32 v38, v1  }
0x166: {  	v42 =	vld.idx.msk [tilespmem:v39+s24+$0x0], $0xffff  }
0x167: {  	v43 =	vor.u32 $0xB, v4;
	v1 =	vadd.f32 v3, v1  }
0x168: {  	v3 =	vld.idx.msk [tilespmem:v40+s24+$0x0], $0xffff  }
0x169: {  	v44 =	vor.u32 $0xC, v4;
	v1 =	vadd.f32 v5, v1  }
0x16a: {  	v5 =	vld.idx.msk [tilespmem:v41+s24+$0x0], $0xffff  }
0x16b: {  	v45 =	vor.u32 $0xD, v4;
	v1 =	vadd.f32 v42, v1  }
0x16c: {  	v46 =	vld.idx.msk [tilespmem:v43+s24+$0x0], $0xffff  }
0x16d: {  	v47 =	vor.u32 $0xE, v4;
	v1 =	vadd.f32 v3, v1  }
0x16e: {  	v3 =	vld.idx.msk [tilespmem:v44+s24+$0x0], $0xffff  }
0x16f: {  	v4 =	vor.u32 $0xF, v4;
	v1 =	vadd.f32 v5, v1  }
0x170: {  	v5 =	vld.idx.msk [tilespmem:v45+s24+$0x0], $0xffff  }
0x171: {  	v1 =	vadd.f32 v46, v1  }
0x172: {  	v48 =	vld.idx.msk [tilespmem:v47+s24+$0x0], $0xffff  }
0x173: {  	v1 =	vadd.f32 v3, v1  }
0x174: {  	v3 =	vld.idx.msk [tilespmem:v4+s24+$0x0], $0xffff  }
0x175: {  	v1 =	vadd.f32 v5, v1;
	_ =	sdelay $0x1  }
0x176: {  	v1 =	vadd.f32 v48, v1;
	_ =	sdelay $0x1  }
0x177: {  	v1 =	vadd.f32 v3, v1;
	_ =	sdelay $0x1  }
0x178: {  	v3 =	vshrl.u32 v1, $0x1  }
0x179: {  	v3 =	vadd.s32 $0x1FBD1DF5, v3  }
0x17a: {  	(erf) = vrcp.f32 v3;
	_ =	sdelay $0x8  }
0x17b: {  	v4 =	vpop (erf)  }
0x17c: {  	v4 =	vmul.f32 v4, v1;
	_ =	sdelay $0x1  }
0x17d: {  	v3 =	vadd.f32 v3, v4;
	_ =	sdelay $0x1  }
0x17e: {  	v3 =	vmul.f32 $5.000000000e-01, v3;
	_ =	sdelay $0x1  }
0x17f: {  	(erf) = vrcp.f32 v3;
	_ =	sdelay $0x8  }
0x180: {  	v4 =	vpop (erf)  }
0x181: {  	v4 =	vmul.f32 v4, v1;
	_ =	sdelay $0x1  }
0x182: {  	v3 =	vadd.f32 v4, v3;
	_ =	sdelay $0x1  }
0x183: {  	v3 =	vmul.f32 $5.000000000e-01, v3;
	_ =	sdelay $0x1  }
0x184: {  	(erf) = vrcp.f32 v3;
	_ =	sdelay $0x8  }
0x185: {  	v4 =	vpop (erf)  }
0x186: {  	v1 =	vmul.f32 v4, v1;
	_ =	sdelay $0x1  }
0x187: {  	v1 =	vadd.f32 v1, v3;
	_ =	sdelay $0x1  }
0x188: {  	v1 =	vmul.f32 $5.000000000e-01, v1;
	_ =	sdelay $0x1  }
0x189: {  	v1 =	vsub.f32 $0.0e+00, v1;
	_ =	sdelay $0x1  }
0x18a: {  	s31 =	simm.s32 $0x0;
	s8 =	rddreg [dreg:$0x8];
	[tilespmem:v2+s3+$0x0] =	vst.idx.msk $0xffff, v1  }
0x18b: {  	[hbm4b:s8+s31] =	stream.linear.scatter [tilespmem:s3], [sflag:$0x5], $0x40, $0x38;
	[tilespmem:$0x12680] =	vst v63  }
0x18c: {  	_ =	swait.ge [sflag:s28], $0x40  }
0x18d: {  	[sflag:s28] =	ssyncset.done $0x0  }
0x18e: {  	[sflag:s28] =	ssyncadd.s32 $0xFFFFFFC0  }
0x18f: {  	_ =	swait.ge [sflag:s18], $0x2000  }
0x190: {  	[sflag:s18] =	ssyncset.done $0x0  }
0x191: {  	[sflag:s18] =	ssyncadd.s32 $0xFFFFE000  }
0x192: {  	_ =	swait.ge [sflag:s18], $0x2000  }
0x193: {  	[sflag:s18] =	ssyncset.done $0x0  }
0x194: {  	[sflag:s18] =	ssyncadd.s32 $0xFFFFE000  }
0x195: {  	_ =	swait.ge [sflag:s18], $0x2000  }
0x196: {  	[sflag:s18] =	ssyncset.done $0x0  }
0x197: {  	s9 =	simm.s32 $0x100;
	v1 =	vor.u32 s31, v0;
	[sflag:s18] =	ssyncadd.s32 $0xFFFFE000  }
0x198: {  	v2 =	vshll.u32 v1, $0x7;
	[tilespmem:s24], [sflag:$0x2] =	stream.indirect.gather [hbm4b:s1+s20], $0x80, s9, s20, $0xb8;
	[tilespmem:$0x12680] =	vst v63  }
0x199: {  	s9 =	simm.s32 $0x300  }
0x19a: {  	v3 =	vor.u32 $0x1, v2;
	[tilespmem:s26], [sflag:$0x2] =	stream.indirect.gather [hbm4b:s2+s20], $0x80, s9, s20, $0xb8;
	[tilespmem:$0x12680] =	vst v63  }
0x19b: {  	s9 =	simm.s32 $0x500  }
0x19c: {  	v4 =	vor.u32 $0x2, v2;
	[tilespmem:s29], [sflag:$0x2] =	stream.indirect.gather [hbm4b:s1+s20], $0x80, s9, s20, $0xb8;
	[tilespmem:$0x12680] =	vst v63  }
0x19d: {  	v5 =	vld.idx.msk [tilespmem:v2+s0+$0x0], $0xffff  }
0x19e: {  	v49 =	vor.u32 $0x3, v2  }
0x19f: {  	v3 =	vld.idx.msk [tilespmem:v3+s0+$0x0], $0xffff  }
0x1a0: {  	v50 =	vor.u32 $0x4, v2  }
0x1a1: {  	v4 =	vld.idx.msk [tilespmem:v4+s0+$0x0], $0xffff  }
0x1a2: {  	v51 =	vor.u32 $0x5, v2;
	v5 =	vadd.f32 $0.0e+00, v5  }
0x1a3: {  	v6 =	vld.idx.msk [tilespmem:v49+s0+$0x0], $0xffff  }
0x1a4: {  	v52 =	vor.u32 $0x6, v2;
	v3 =	vadd.f32 v3, v5  }
0x1a5: {  	v5 =	vld.idx.msk [tilespmem:v50+s0+$0x0], $0xffff  }
0x1a6: {  	v53 =	vor.u32 $0x7, v2;
	v3 =	vadd.f32 v4, v3  }
0x1a7: {  	v4 =	vld.idx.msk [tilespmem:v51+s0+$0x0], $0xffff  }
0x1a8: {  	v54 =	vor.u32 $0x8, v2;
	v3 =	vadd.f32 v6, v3  }
0x1a9: {  	v55 =	vld.idx.msk [tilespmem:v52+s0+$0x0], $0xffff  }
0x1aa: {  	v56 =	vor.u32 $0x9, v2;
	v3 =	vadd.f32 v5, v3  }
0x1ab: {  	v5 =	vld.idx.msk [tilespmem:v53+s0+$0x0], $0xffff  }
0x1ac: {  	v57 =	vor.u32 $0xA, v2;
	v3 =	vadd.f32 v4, v3  }
0x1ad: {  	v4 =	vld.idx.msk [tilespmem:v54+s0+$0x0], $0xffff  }
0x1ae: {  	v58 =	vor.u32 $0xB, v2;
	v3 =	vadd.f32 v55, v3  }
0x1af: {  	v59 =	vld.idx.msk [tilespmem:v56+s0+$0x0], $0xffff  }
0x1b0: {  	v60 =	vor.u32 $0xC, v2;
	v3 =	vadd.f32 v5, v3  }
0x1b1: {  	v5 =	vld.idx.msk [tilespmem:v57+s0+$0x0], $0xffff  }
0x1b2: {  	v61 =	vor.u32 $0xD, v2;
	v3 =	vadd.f32 v4, v3  }
0x1b3: {  	v4 =	vld.idx.msk [tilespmem:v58+s0+$0x0], $0xffff  }
0x1b4: {  	v62 =	vor.u32 $0xE, v2;
	v3 =	vadd.f32 v59, v3  }
0x1b5: {  	v63 =	vld.idx.msk [tilespmem:v60+s0+$0x0], $0xffff  }
0x1b6: {  	v2 =	vor.u32 $0xF, v2;
	v3 =	vadd.f32 v5, v3  }
0x1b7: {  	v5 =	vld.idx.msk [tilespmem:v61+s0+$0x0], $0xffff  }
0x1b8: {  	v3 =	vadd.f32 v4, v3  }
0x1b9: {  	v4 =	vld.idx.msk [tilespmem:v62+s0+$0x0], $0xffff  }
0x1ba: {  	v3 =	vadd.f32 v63, v3  }
0x1bb: {  	v2 =	vld.idx.msk [tilespmem:v2+s0+$0x0], $0xffff  }
0x1bc: {  	v3 =	vadd.f32 v5, v3;
	_ =	sdelay $0x1  }
0x1bd: {  	v3 =	vadd.f32 v4, v3;
	_ =	sdelay $0x1  }
0x1be: {  	v2 =	vadd.f32 v2, v3;
	_ =	sdelay $0x1  }
0x1bf: {  	v3 =	vshrl.u32 v2, $0x1  }
0x1c0: {  	v3 =	vadd.s32 $0x1FBD1DF5, v3  }
0x1c1: {  	(erf) = vrcp.f32 v3;
	_ =	sdelay $0x8  }
0x1c2: {  	v4 =	vpop (erf)  }
0x1c3: {  	v4 =	vmul.f32 v4, v2;
	_ =	sdelay $0x1  }
0x1c4: {  	v3 =	vadd.f32 v3, v4;
	_ =	sdelay $0x1  }
0x1c5: {  	v3 =	vmul.f32 $5.000000000e-01, v3;
	_ =	sdelay $0x1  }
0x1c6: {  	(erf) = vrcp.f32 v3;
	_ =	sdelay $0x8  }
0x1c7: {  	v4 =	vpop (erf)  }
0x1c8: {  	v4 =	vmul.f32 v4, v2;
	_ =	sdelay $0x1  }
0x1c9: {  	v3 =	vadd.f32 v4, v3;
	_ =	sdelay $0x1  }
0x1ca: {  	v3 =	vmul.f32 $5.000000000e-01, v3;
	_ =	sdelay $0x1  }
0x1cb: {  	(erf) = vrcp.f32 v3;
	_ =	sdelay $0x8  }
0x1cc: {  	v4 =	vpop (erf)  }
0x1cd: {  	v2 =	vmul.f32 v4, v2;
	_ =	sdelay $0x1  }
0x1ce: {  	s31 =	simm.s32 $0x10;
	v3 =	vadd.f32 v2, v3  }
0x1cf: {  	v2 =	vor.u32 s31, v0;
	s31 =	simm.s32 $0x20  }
.LBB2_6:
0x1d0: {  	p0 =	sne.s32 s31, $0x30;
	v4 =	vshll.u32 v2, $0x7;
	v3 =	vmul.f32 $5.000000000e-01, v3;
	_ =	sdelay $0x1  }
0x1d1: {  	v5 =	vor.u32 $0x1, v4;
	v3 =	vsub.f32 $0.0e+00, v3;
	_ =	sdelay $0x1  }
0x1d2: {  	v6 =	vor.u32 $0x2, v4;
	[tilespmem:v1+s3+$0x0] =	vst.idx.msk $0xffff, v3;
	v1 =	vmov v2  }
0x1d3: {  	v2 =	vld.idx.msk [tilespmem:v4+s0+$0x0], $0xffff  }
0x1d4: {  	v3 =	vor.u32 $0x3, v4  }
0x1d5: {  	v5 =	vld.idx.msk [tilespmem:v5+s0+$0x0], $0xffff  }
0x1d6: {  	v7 =	vor.u32 $0x4, v4  }
0x1d7: {  	v6 =	vld.idx.msk [tilespmem:v6+s0+$0x0], $0xffff  }
0x1d8: {  	v8 =	vor.u32 $0x5, v4  }
0x1d9: {  	v2 =	vadd.f32 $0.0e+00, v2;
	v3 =	vld.idx.msk [tilespmem:v3+s0+$0x0], $0xffff  }
0x1da: {  	v9 =	vor.u32 $0x6, v4  }
0x1db: {  	v2 =	vadd.f32 v5, v2;
	v5 =	vld.idx.msk [tilespmem:v7+s0+$0x0], $0xffff  }
0x1dc: {  	v7 =	vor.u32 $0x7, v4  }
0x1dd: {  	v2 =	vadd.f32 v6, v2;
	v6 =	vld.idx.msk [tilespmem:v8+s0+$0x0], $0xffff  }
0x1de: {  	v8 =	vor.u32 $0x8, v4  }
0x1df: {  	v2 =	vadd.f32 v3, v2;
	v3 =	vld.idx.msk [tilespmem:v9+s0+$0x0], $0xffff  }
0x1e0: {  	v9 =	vor.u32 $0x9, v4  }
0x1e1: {  	v2 =	vadd.f32 v5, v2;
	v5 =	vld.idx.msk [tilespmem:v7+s0+$0x0], $0xffff  }
0x1e2: {  	v7 =	vor.u32 $0xA, v4  }
0x1e3: {  	v2 =	vadd.f32 v6, v2;
	v6 =	vld.idx.msk [tilespmem:v8+s0+$0x0], $0xffff  }
0x1e4: {  	v8 =	vor.u32 $0xB, v4  }
0x1e5: {  	v2 =	vadd.f32 v3, v2;
	v3 =	vld.idx.msk [tilespmem:v9+s0+$0x0], $0xffff  }
0x1e6: {  	v9 =	vor.u32 $0xC, v4  }
0x1e7: {  	v2 =	vadd.f32 v5, v2;
	v5 =	vld.idx.msk [tilespmem:v7+s0+$0x0], $0xffff  }
0x1e8: {  	v7 =	vor.u32 $0xD, v4  }
0x1e9: {  	v2 =	vadd.f32 v6, v2;
	v6 =	vld.idx.msk [tilespmem:v8+s0+$0x0], $0xffff  }
0x1ea: {  	v8 =	vor.u32 $0xE, v4  }
0x1eb: {  	v2 =	vadd.f32 v3, v2;
	v3 =	vld.idx.msk [tilespmem:v9+s0+$0x0], $0xffff  }
0x1ec: {  	v4 =	vor.u32 $0xF, v4  }
0x1ed: {  	v2 =	vadd.f32 v5, v2;
	v5 =	vld.idx.msk [tilespmem:v7+s0+$0x0], $0xffff;
	_ =	sdelay $0x1  }
0x1ee: {  	v2 =	vadd.f32 v6, v2;
	v6 =	vld.idx.msk [tilespmem:v8+s0+$0x0], $0xffff;
	_ =	sdelay $0x1  }
0x1ef: {  	v2 =	vadd.f32 v3, v2;
	v3 =	vld.idx.msk [tilespmem:v4+s0+$0x0], $0xffff;
	_ =	sdelay $0x1  }
0x1f0: {  	v2 =	vadd.f32 v5, v2;
	_ =	sdelay $0x1  }
0x1f1: {  	v2 =	vadd.f32 v6, v2;
	_ =	sdelay $0x1  }
0x1f2: {  	v2 =	vadd.f32 v3, v2;
	_ =	sdelay $0x1  }
0x1f3: {  	v3 =	vshrl.u32 v2, $0x1  }
0x1f4: {  	v3 =	vadd.s32 $0x1FBD1DF5, v3  }
0x1f5: {  	(erf) = vrcp.f32 v3;
	_ =	sdelay $0x8  }
0x1f6: {  	v4 =	vpop (erf)  }
0x1f7: {  	v4 =	vmul.f32 v4, v2;
	_ =	sdelay $0x1  }
0x1f8: {  	v3 =	vadd.f32 v3, v4;
	_ =	sdelay $0x1  }
0x1f9: {  	v3 =	vmul.f32 $5.000000000e-01, v3;
	_ =	sdelay $0x1  }
0x1fa: {  	(erf) = vrcp.f32 v3;
	_ =	sdelay $0x8  }
0x1fb: {  	v4 =	vpop (erf)  }
0x1fc: {  	v4 =	vmul.f32 v4, v2;
	_ =	sdelay $0x1  }
0x1fd: {  	v3 =	vadd.f32 v4, v3;
	_ =	sdelay $0x1  }
0x1fe: {  	v3 =	vmul.f32 $5.000000000e-01, v3;
	_ =	sdelay $0x1  }
0x1ff: {  	(erf) = vrcp.f32 v3;
	_ =	sdelay $0x8  }
.Ltmp2:
0x200: {  	v4 =	vpop (erf);
	(pc) =	sbr.rel @p0 .LBB2_6-.Ltmp2, $3  }
0x201: {  	v2 =	vmul.f32 v4, v2;
	_ =	sdelay $0x1  }
0x202: {  	v3 =	vadd.f32 v2, v3  }
0x203: {  	v2 =	vor.u32 s31, v0;
	s31 =	sadd.s32 $0x10, s31  }
0x204: {  	v4 =	vshll.u32 v2, $0x7;
	v3 =	vmul.f32 $5.000000000e-01, v3;
	_ =	sdelay $0x1  }
0x205: {  	v5 =	vor.u32 $0x1, v4;
	v3 =	vsub.f32 $0.0e+00, v3;
	_ =	sdelay $0x1  }
0x206: {  	v6 =	vor.u32 $0x2, v4;
	[tilespmem:v1+s3+$0x0] =	vst.idx.msk $0xffff, v3  }
0x207: {  	v1 =	vld.idx.msk [tilespmem:v4+s0+$0x0], $0xffff  }
0x208: {  	v3 =	vor.u32 $0x3, v4  }
0x209: {  	v5 =	vld.idx.msk [tilespmem:v5+s0+$0x0], $0xffff  }
0x20a: {  	v7 =	vor.u32 $0x4, v4  }
0x20b: {  	v6 =	vld.idx.msk [tilespmem:v6+s0+$0x0], $0xffff  }
0x20c: {  	v8 =	vor.u32 $0x5, v4;
	v1 =	vadd.f32 $0.0e+00, v1  }
0x20d: {  	v3 =	vld.idx.msk [tilespmem:v3+s0+$0x0], $0xffff  }
0x20e: {  	v9 =	vor.u32 $0x6, v4;
	v1 =	vadd.f32 v5, v1  }
0x20f: {  	v5 =	vld.idx.msk [tilespmem:v7+s0+$0x0], $0xffff  }
0x210: {  	v37 =	vor.u32 $0x7, v4;
	v1 =	vadd.f32 v6, v1  }
0x211: {  	v38 =	vld.idx.msk [tilespmem:v8+s0+$0x0], $0xffff  }
0x212: {  	v39 =	vor.u32 $0x8, v4;
	v1 =	vadd.f32 v3, v1  }
0x213: {  	v3 =	vld.idx.msk [tilespmem:v9+s0+$0x0], $0xffff  }
0x214: {  	v40 =	vor.u32 $0x9, v4;
	v1 =	vadd.f32 v5, v1  }
0x215: {  	v5 =	vld.idx.msk [tilespmem:v37+s0+$0x0], $0xffff  }
0x216: {  	v41 =	vor.u32 $0xA, v4;
	v1 =	vadd.f32 v38, v1  }
0x217: {  	v42 =	vld.idx.msk [tilespmem:v39+s0+$0x0], $0xffff  }
0x218: {  	v43 =	vor.u32 $0xB, v4;
	v1 =	vadd.f32 v3, v1  }
0x219: {  	v3 =	vld.idx.msk [tilespmem:v40+s0+$0x0], $0xffff  }
0x21a: {  	v44 =	vor.u32 $0xC, v4;
	v1 =	vadd.f32 v5, v1  }
0x21b: {  	v5 =	vld.idx.msk [tilespmem:v41+s0+$0x0], $0xffff  }
0x21c: {  	v45 =	vor.u32 $0xD, v4;
	v1 =	vadd.f32 v42, v1  }
0x21d: {  	v46 =	vld.idx.msk [tilespmem:v43+s0+$0x0], $0xffff  }
0x21e: {  	v47 =	vor.u32 $0xE, v4;
	v1 =	vadd.f32 v3, v1  }
0x21f: {  	v3 =	vld.idx.msk [tilespmem:v44+s0+$0x0], $0xffff  }
0x220: {  	v4 =	vor.u32 $0xF, v4;
	v1 =	vadd.f32 v5, v1  }
0x221: {  	v5 =	vld.idx.msk [tilespmem:v45+s0+$0x0], $0xffff  }
0x222: {  	v1 =	vadd.f32 v46, v1  }
0x223: {  	v48 =	vld.idx.msk [tilespmem:v47+s0+$0x0], $0xffff  }
0x224: {  	v1 =	vadd.f32 v3, v1  }
0x225: {  	v3 =	vld.idx.msk [tilespmem:v4+s0+$0x0], $0xffff  }
0x226: {  	v1 =	vadd.f32 v5, v1;
	_ =	sdelay $0x1  }
0x227: {  	v1 =	vadd.f32 v48, v1;
	_ =	sdelay $0x1  }
0x228: {  	v1 =	vadd.f32 v3, v1;
	_ =	sdelay $0x1  }
0x229: {  	v3 =	vshrl.u32 v1, $0x1  }
0x22a: {  	v3 =	vadd.s32 $0x1FBD1DF5, v3  }
0x22b: {  	(erf) = vrcp.f32 v3;
	_ =	sdelay $0x8  }
0x22c: {  	v4 =	vpop (erf)  }
0x22d: {  	v4 =	vmul.f32 v4, v1;
	_ =	sdelay $0x1  }
0x22e: {  	v3 =	vadd.f32 v3, v4;
	_ =	sdelay $0x1  }
0x22f: {  	v3 =	vmul.f32 $5.000000000e-01, v3;
	_ =	sdelay $0x1  }
0x230: {  	(erf) = vrcp.f32 v3;
	_ =	sdelay $0x8  }
0x231: {  	v4 =	vpop (erf)  }
0x232: {  	v4 =	vmul.f32 v4, v1;
	_ =	sdelay $0x1  }
0x233: {  	v3 =	vadd.f32 v4, v3;
	_ =	sdelay $0x1  }
0x234: {  	v3 =	vmul.f32 $5.000000000e-01, v3;
	_ =	sdelay $0x1  }
0x235: {  	(erf) = vrcp.f32 v3;
	_ =	sdelay $0x8  }
0x236: {  	v4 =	vpop (erf)  }
0x237: {  	v1 =	vmul.f32 v4, v1;
	_ =	sdelay $0x1  }
0x238: {  	v1 =	vadd.f32 v1, v3;
	_ =	sdelay $0x1  }
0x239: {  	v1 =	vmul.f32 $5.000000000e-01, v1;
	_ =	sdelay $0x1  }
0x23a: {  	v1 =	vsub.f32 $0.0e+00, v1;
	_ =	sdelay $0x1  }
0x23b: {  	s31 =	simm.s32 $0x0;
	[tilespmem:v2+s3+$0x0] =	vst.idx.msk $0xffff, v1  }
0x23c: {  	[hbm4b:s10+s31] =	stream.linear.scatter [tilespmem:s3], [sflag:$0x5], $0x40, $0x38;
	[tilespmem:$0x12680] =	vst v63  }
0x23d: {  	_ =	swait.ge [sflag:s28], $0x40  }
0x23e: {  	[sflag:s28] =	ssyncset.done $0x0  }
0x23f: {  	[sflag:s28] =	ssyncadd.s32 $0xFFFFFFC0  }
0x240: {  	_ =	swait.ge [sflag:s30], $0x2000  }
0x241: {  	[sflag:s30] =	ssyncset.done $0x0  }
0x242: {  	[sflag:s30] =	ssyncadd.s32 $0xFFFFE000  }
0x243: {  	_ =	swait.ge [sflag:s30], $0x2000  }
0x244: {  	[sflag:s30] =	ssyncset.done $0x0  }
0x245: {  	[sflag:s30] =	ssyncadd.s32 $0xFFFFE000  }
0x246: {  	_ =	swait.ge [sflag:s30], $0x2000  }
0x247: {  	[sflag:s30] =	ssyncset.done $0x0  }
0x248: {  	s8 =	simm.s32 $0x140;
	v1 =	vor.u32 s31, v0;
	[sflag:s30] =	ssyncadd.s32 $0xFFFFE000  }
0x249: {  	v2 =	vshll.u32 v1, $0x7;
	[tilespmem:s0], [sflag:$0x3] =	stream.indirect.gather [hbm4b:s1+s20], $0x80, s8, s20, $0xb8;
	[tilespmem:$0x12680] =	vst v63  }
0x24a: {  	s9 =	simm.s32 $0x340  }
0x24b: {  	v3 =	vor.u32 $0x1, v2;
	[tilespmem:s5], [sflag:$0x3] =	stream.indirect.gather [hbm4b:s2+s20], $0x80, s9, s20, $0xb8;
	[tilespmem:$0x12680] =	vst v63  }
0x24c: {  	s9 =	simm.s32 $0x540  }
0x24d: {  	v4 =	vor.u32 $0x2, v2;
	[tilespmem:s6], [sflag:$0x3] =	stream.indirect.gather [hbm4b:s1+s20], $0x80, s9, s20, $0xb8;
	[tilespmem:$0x12680] =	vst v63  }
0x24e: {  	v5 =	vld.idx.msk [tilespmem:v2+s21+$0x0], $0xffff  }
0x24f: {  	v49 =	vor.u32 $0x3, v2  }
0x250: {  	v3 =	vld.idx.msk [tilespmem:v3+s21+$0x0], $0xffff  }
0x251: {  	v50 =	vor.u32 $0x4, v2  }
0x252: {  	v4 =	vld.idx.msk [tilespmem:v4+s21+$0x0], $0xffff  }
0x253: {  	v51 =	vor.u32 $0x5, v2;
	v5 =	vadd.f32 $0.0e+00, v5  }
0x254: {  	v6 =	vld.idx.msk [tilespmem:v49+s21+$0x0], $0xffff  }
0x255: {  	v52 =	vor.u32 $0x6, v2;
	v3 =	vadd.f32 v3, v5  }
0x256: {  	v5 =	vld.idx.msk [tilespmem:v50+s21+$0x0], $0xffff  }
0x257: {  	v53 =	vor.u32 $0x7, v2;
	v3 =	vadd.f32 v4, v3  }
0x258: {  	v4 =	vld.idx.msk [tilespmem:v51+s21+$0x0], $0xffff  }
0x259: {  	v54 =	vor.u32 $0x8, v2;
	v3 =	vadd.f32 v6, v3  }
0x25a: {  	v55 =	vld.idx.msk [tilespmem:v52+s21+$0x0], $0xffff  }
0x25b: {  	v56 =	vor.u32 $0x9, v2;
	v3 =	vadd.f32 v5, v3  }
0x25c: {  	v5 =	vld.idx.msk [tilespmem:v53+s21+$0x0], $0xffff  }
0x25d: {  	v57 =	vor.u32 $0xA, v2;
	v3 =	vadd.f32 v4, v3  }
0x25e: {  	v4 =	vld.idx.msk [tilespmem:v54+s21+$0x0], $0xffff  }
0x25f: {  	v58 =	vor.u32 $0xB, v2;
	v3 =	vadd.f32 v55, v3  }
0x260: {  	v59 =	vld.idx.msk [tilespmem:v56+s21+$0x0], $0xffff  }
0x261: {  	v60 =	vor.u32 $0xC, v2;
	v3 =	vadd.f32 v5, v3  }
0x262: {  	v5 =	vld.idx.msk [tilespmem:v57+s21+$0x0], $0xffff  }
0x263: {  	v61 =	vor.u32 $0xD, v2;
	v3 =	vadd.f32 v4, v3  }
0x264: {  	v4 =	vld.idx.msk [tilespmem:v58+s21+$0x0], $0xffff  }
0x265: {  	v62 =	vor.u32 $0xE, v2;
	v3 =	vadd.f32 v59, v3  }
0x266: {  	v63 =	vld.idx.msk [tilespmem:v60+s21+$0x0], $0xffff  }
0x267: {  	v2 =	vor.u32 $0xF, v2;
	v3 =	vadd.f32 v5, v3  }
0x268: {  	v5 =	vld.idx.msk [tilespmem:v61+s21+$0x0], $0xffff  }
0x269: {  	v3 =	vadd.f32 v4, v3  }
0x26a: {  	v4 =	vld.idx.msk [tilespmem:v62+s21+$0x0], $0xffff  }
0x26b: {  	v3 =	vadd.f32 v63, v3  }
0x26c: {  	v2 =	vld.idx.msk [tilespmem:v2+s21+$0x0], $0xffff  }
0x26d: {  	v3 =	vadd.f32 v5, v3;
	_ =	sdelay $0x1  }
0x26e: {  	v3 =	vadd.f32 v4, v3;
	_ =	sdelay $0x1  }
0x26f: {  	v2 =	vadd.f32 v2, v3;
	_ =	sdelay $0x1  }
0x270: {  	v3 =	vshrl.u32 v2, $0x1  }
0x271: {  	v3 =	vadd.s32 $0x1FBD1DF5, v3  }
0x272: {  	(erf) = vrcp.f32 v3;
	_ =	sdelay $0x8  }
0x273: {  	v4 =	vpop (erf)  }
0x274: {  	v4 =	vmul.f32 v4, v2;
	_ =	sdelay $0x1  }
0x275: {  	v3 =	vadd.f32 v3, v4;
	_ =	sdelay $0x1  }
0x276: {  	v3 =	vmul.f32 $5.000000000e-01, v3;
	_ =	sdelay $0x1  }
0x277: {  	(erf) = vrcp.f32 v3;
	_ =	sdelay $0x8  }
0x278: {  	v4 =	vpop (erf)  }
0x279: {  	v4 =	vmul.f32 v4, v2;
	_ =	sdelay $0x1  }
0x27a: {  	v3 =	vadd.f32 v4, v3;
	_ =	sdelay $0x1  }
0x27b: {  	v3 =	vmul.f32 $5.000000000e-01, v3;
	_ =	sdelay $0x1  }
0x27c: {  	(erf) = vrcp.f32 v3;
	_ =	sdelay $0x8  }
0x27d: {  	v4 =	vpop (erf)  }
0x27e: {  	v2 =	vmul.f32 v4, v2;
	_ =	sdelay $0x1  }
0x27f: {  	s31 =	simm.s32 $0x10;
	v3 =	vadd.f32 v2, v3  }
0x280: {  	v2 =	vor.u32 s31, v0;
	s31 =	simm.s32 $0x20  }
.LBB2_8:
0x281: {  	p0 =	sne.s32 s31, $0x30;
	v4 =	vshll.u32 v2, $0x7;
	v3 =	vmul.f32 $5.000000000e-01, v3;
	_ =	sdelay $0x1  }
0x282: {  	v5 =	vor.u32 $0x1, v4;
	v3 =	vsub.f32 $0.0e+00, v3;
	_ =	sdelay $0x1  }
0x283: {  	v6 =	vor.u32 $0x2, v4;
	[tilespmem:v1+s3+$0x0] =	vst.idx.msk $0xffff, v3;
	v1 =	vmov v2  }
0x284: {  	v2 =	vld.idx.msk [tilespmem:v4+s21+$0x0], $0xffff  }
0x285: {  	v3 =	vor.u32 $0x3, v4  }
0x286: {  	v5 =	vld.idx.msk [tilespmem:v5+s21+$0x0], $0xffff  }
0x287: {  	v7 =	vor.u32 $0x4, v4  }
0x288: {  	v6 =	vld.idx.msk [tilespmem:v6+s21+$0x0], $0xffff  }
0x289: {  	v8 =	vor.u32 $0x5, v4  }
0x28a: {  	v2 =	vadd.f32 $0.0e+00, v2;
	v3 =	vld.idx.msk [tilespmem:v3+s21+$0x0], $0xffff  }
0x28b: {  	v9 =	vor.u32 $0x6, v4  }
0x28c: {  	v2 =	vadd.f32 v5, v2;
	v5 =	vld.idx.msk [tilespmem:v7+s21+$0x0], $0xffff  }
0x28d: {  	v7 =	vor.u32 $0x7, v4  }
0x28e: {  	v2 =	vadd.f32 v6, v2;
	v6 =	vld.idx.msk [tilespmem:v8+s21+$0x0], $0xffff  }
0x28f: {  	v8 =	vor.u32 $0x8, v4  }
0x290: {  	v2 =	vadd.f32 v3, v2;
	v3 =	vld.idx.msk [tilespmem:v9+s21+$0x0], $0xffff  }
0x291: {  	v9 =	vor.u32 $0x9, v4  }
0x292: {  	v2 =	vadd.f32 v5, v2;
	v5 =	vld.idx.msk [tilespmem:v7+s21+$0x0], $0xffff  }
0x293: {  	v7 =	vor.u32 $0xA, v4  }
0x294: {  	v2 =	vadd.f32 v6, v2;
	v6 =	vld.idx.msk [tilespmem:v8+s21+$0x0], $0xffff  }
0x295: {  	v8 =	vor.u32 $0xB, v4  }
0x296: {  	v2 =	vadd.f32 v3, v2;
	v3 =	vld.idx.msk [tilespmem:v9+s21+$0x0], $0xffff  }
0x297: {  	v9 =	vor.u32 $0xC, v4  }
0x298: {  	v2 =	vadd.f32 v5, v2;
	v5 =	vld.idx.msk [tilespmem:v7+s21+$0x0], $0xffff  }
0x299: {  	v7 =	vor.u32 $0xD, v4  }
0x29a: {  	v2 =	vadd.f32 v6, v2;
	v6 =	vld.idx.msk [tilespmem:v8+s21+$0x0], $0xffff  }
0x29b: {  	v8 =	vor.u32 $0xE, v4  }
0x29c: {  	v2 =	vadd.f32 v3, v2;
	v3 =	vld.idx.msk [tilespmem:v9+s21+$0x0], $0xffff  }
0x29d: {  	v4 =	vor.u32 $0xF, v4  }
0x29e: {  	v2 =	vadd.f32 v5, v2;
	v5 =	vld.idx.msk [tilespmem:v7+s21+$0x0], $0xffff;
	_ =	sdelay $0x1  }
0x29f: {  	v2 =	vadd.f32 v6, v2;
	v6 =	vld.idx.msk [tilespmem:v8+s21+$0x0], $0xffff;
	_ =	sdelay $0x1  }
0x2a0: {  	v2 =	vadd.f32 v3, v2;
	v3 =	vld.idx.msk [tilespmem:v4+s21+$0x0], $0xffff;
	_ =	sdelay $0x1  }
0x2a1: {  	v2 =	vadd.f32 v5, v2;
	_ =	sdelay $0x1  }
0x2a2: {  	v2 =	vadd.f32 v6, v2;
	_ =	sdelay $0x1  }
0x2a3: {  	v2 =	vadd.f32 v3, v2;
	_ =	sdelay $0x1  }
0x2a4: {  	v3 =	vshrl.u32 v2, $0x1  }
0x2a5: {  	v3 =	vadd.s32 $0x1FBD1DF5, v3  }
0x2a6: {  	(erf) = vrcp.f32 v3;
	_ =	sdelay $0x8  }
0x2a7: {  	v4 =	vpop (erf)  }
0x2a8: {  	v4 =	vmul.f32 v4, v2;
	_ =	sdelay $0x1  }
0x2a9: {  	v3 =	vadd.f32 v3, v4;
	_ =	sdelay $0x1  }
0x2aa: {  	v3 =	vmul.f32 $5.000000000e-01, v3;
	_ =	sdelay $0x1  }
0x2ab: {  	(erf) = vrcp.f32 v3;
	_ =	sdelay $0x8  }
0x2ac: {  	v4 =	vpop (erf)  }
0x2ad: {  	v4 =	vmul.f32 v4, v2;
	_ =	sdelay $0x1  }
0x2ae: {  	v3 =	vadd.f32 v4, v3;
	_ =	sdelay $0x1  }
0x2af: {  	v3 =	vmul.f32 $5.000000000e-01, v3;
	_ =	sdelay $0x1  }
0x2b0: {  	(erf) = vrcp.f32 v3;
	_ =	sdelay $0x8  }
.Ltmp3:
0x2b1: {  	v4 =	vpop (erf);
	(pc) =	sbr.rel @p0 .LBB2_8-.Ltmp3, $3  }
0x2b2: {  	v2 =	vmul.f32 v4, v2;
	_ =	sdelay $0x1  }
0x2b3: {  	v3 =	vadd.f32 v2, v3  }
0x2b4: {  	v2 =	vor.u32 s31, v0;
	s31 =	sadd.s32 $0x10, s31  }
0x2b5: {  	v4 =	vshll.u32 v2, $0x7;
	v3 =	vmul.f32 $5.000000000e-01, v3;
	_ =	sdelay $0x1  }
0x2b6: {  	v5 =	vor.u32 $0x1, v4;
	v3 =	vsub.f32 $0.0e+00, v3;
	_ =	sdelay $0x1  }
0x2b7: {  	v6 =	vor.u32 $0x2, v4;
	[tilespmem:v1+s3+$0x0] =	vst.idx.msk $0xffff, v3  }
0x2b8: {  	v1 =	vld.idx.msk [tilespmem:v4+s21+$0x0], $0xffff  }
0x2b9: {  	v3 =	vor.u32 $0x3, v4  }
0x2ba: {  	v5 =	vld.idx.msk [tilespmem:v5+s21+$0x0], $0xffff  }
0x2bb: {  	v7 =	vor.u32 $0x4, v4  }
0x2bc: {  	v6 =	vld.idx.msk [tilespmem:v6+s21+$0x0], $0xffff  }
0x2bd: {  	v8 =	vor.u32 $0x5, v4;
	v1 =	vadd.f32 $0.0e+00, v1  }
0x2be: {  	v3 =	vld.idx.msk [tilespmem:v3+s21+$0x0], $0xffff  }
0x2bf: {  	v9 =	vor.u32 $0x6, v4;
	v1 =	vadd.f32 v5, v1  }
0x2c0: {  	v5 =	vld.idx.msk [tilespmem:v7+s21+$0x0], $0xffff  }
0x2c1: {  	v37 =	vor.u32 $0x7, v4;
	v1 =	vadd.f32 v6, v1  }
0x2c2: {  	v38 =	vld.idx.msk [tilespmem:v8+s21+$0x0], $0xffff  }
0x2c3: {  	v39 =	vor.u32 $0x8, v4;
	v1 =	vadd.f32 v3, v1  }
0x2c4: {  	v3 =	vld.idx.msk [tilespmem:v9+s21+$0x0], $0xffff  }
0x2c5: {  	v40 =	vor.u32 $0x9, v4;
	v1 =	vadd.f32 v5, v1  }
0x2c6: {  	v5 =	vld.idx.msk [tilespmem:v37+s21+$0x0], $0xffff  }
0x2c7: {  	v41 =	vor.u32 $0xA, v4;
	v1 =	vadd.f32 v38, v1  }
0x2c8: {  	v42 =	vld.idx.msk [tilespmem:v39+s21+$0x0], $0xffff  }
0x2c9: {  	v43 =	vor.u32 $0xB, v4;
	v1 =	vadd.f32 v3, v1  }
0x2ca: {  	v3 =	vld.idx.msk [tilespmem:v40+s21+$0x0], $0xffff  }
0x2cb: {  	v44 =	vor.u32 $0xC, v4;
	v1 =	vadd.f32 v5, v1  }
0x2cc: {  	v5 =	vld.idx.msk [tilespmem:v41+s21+$0x0], $0xffff  }
0x2cd: {  	v45 =	vor.u32 $0xD, v4;
	v1 =	vadd.f32 v42, v1  }
0x2ce: {  	v46 =	vld.idx.msk [tilespmem:v43+s21+$0x0], $0xffff  }
0x2cf: {  	v47 =	vor.u32 $0xE, v4;
	v1 =	vadd.f32 v3, v1  }
0x2d0: {  	v3 =	vld.idx.msk [tilespmem:v44+s21+$0x0], $0xffff  }
0x2d1: {  	v4 =	vor.u32 $0xF, v4;
	v1 =	vadd.f32 v5, v1  }
0x2d2: {  	v5 =	vld.idx.msk [tilespmem:v45+s21+$0x0], $0xffff  }
0x2d3: {  	v1 =	vadd.f32 v46, v1  }
0x2d4: {  	v48 =	vld.idx.msk [tilespmem:v47+s21+$0x0], $0xffff  }
0x2d5: {  	v1 =	vadd.f32 v3, v1  }
0x2d6: {  	v3 =	vld.idx.msk [tilespmem:v4+s21+$0x0], $0xffff  }
0x2d7: {  	v1 =	vadd.f32 v5, v1;
	_ =	sdelay $0x1  }
0x2d8: {  	v1 =	vadd.f32 v48, v1;
	_ =	sdelay $0x1  }
0x2d9: {  	v1 =	vadd.f32 v3, v1;
	_ =	sdelay $0x1  }
0x2da: {  	v3 =	vshrl.u32 v1, $0x1  }
0x2db: {  	v3 =	vadd.s32 $0x1FBD1DF5, v3  }
0x2dc: {  	(erf) = vrcp.f32 v3;
	_ =	sdelay $0x8  }
0x2dd: {  	v4 =	vpop (erf)  }
0x2de: {  	v4 =	vmul.f32 v4, v1;
	_ =	sdelay $0x1  }
0x2df: {  	v3 =	vadd.f32 v3, v4;
	_ =	sdelay $0x1  }
0x2e0: {  	v3 =	vmul.f32 $5.000000000e-01, v3;
	_ =	sdelay $0x1  }
0x2e1: {  	(erf) = vrcp.f32 v3;
	_ =	sdelay $0x8  }
0x2e2: {  	v4 =	vpop (erf)  }
0x2e3: {  	v4 =	vmul.f32 v4, v1;
	_ =	sdelay $0x1  }
0x2e4: {  	v3 =	vadd.f32 v4, v3;
	_ =	sdelay $0x1  }
0x2e5: {  	v3 =	vmul.f32 $5.000000000e-01, v3;
	_ =	sdelay $0x1  }
0x2e6: {  	(erf) = vrcp.f32 v3;
	_ =	sdelay $0x8  }
0x2e7: {  	v4 =	vpop (erf)  }
0x2e8: {  	v1 =	vmul.f32 v4, v1;
	_ =	sdelay $0x1  }
0x2e9: {  	v1 =	vadd.f32 v1, v3;
	_ =	sdelay $0x1  }
0x2ea: {  	v1 =	vmul.f32 $5.000000000e-01, v1;
	_ =	sdelay $0x1  }
0x2eb: {  	v1 =	vsub.f32 $0.0e+00, v1;
	_ =	sdelay $0x1  }
0x2ec: {  	s31 =	simm.s32 $0x0;
	[tilespmem:v2+s3+$0x0] =	vst.idx.msk $0xffff, v1  }
0x2ed: {  	[hbm4b:s11+s31] =	stream.linear.scatter [tilespmem:s3], [sflag:$0x5], $0x40, $0x38;
	[tilespmem:$0x12680] =	vst v63  }
0x2ee: {  	_ =	swait.ge [sflag:s28], $0x40  }
0x2ef: {  	[sflag:s28] =	ssyncset.done $0x0  }
0x2f0: {  	[sflag:s28] =	ssyncadd.s32 $0xFFFFFFC0  }
0x2f1: {  	_ =	swait.ge [sflag:s17], $0x2000  }
0x2f2: {  	[sflag:s17] =	ssyncset.done $0x0  }
0x2f3: {  	[sflag:s17] =	ssyncadd.s32 $0xFFFFE000  }
0x2f4: {  	_ =	swait.ge [sflag:s17], $0x2000  }
0x2f5: {  	[sflag:s17] =	ssyncset.done $0x0  }
0x2f6: {  	[sflag:s17] =	ssyncadd.s32 $0xFFFFE000  }
0x2f7: {  	_ =	swait.ge [sflag:s17], $0x2000  }
0x2f8: {  	[sflag:s17] =	ssyncset.done $0x0  }
0x2f9: {  	s5 =	simm.s32 $0x180;
	v1 =	vor.u32 s31, v0;
	[sflag:s17] =	ssyncadd.s32 $0xFFFFE000  }
0x2fa: {  	v2 =	vshll.u32 v1, $0x7;
	[tilespmem:s21], [sflag:$0x1] =	stream.indirect.gather [hbm4b:s1+s20], $0x80, s5, s20, $0xb8;
	[tilespmem:$0x12680] =	vst v63  }
0x2fb: {  	s8 =	simm.s32 $0x380  }
0x2fc: {  	v3 =	vor.u32 $0x1, v2;
	[tilespmem:s22], [sflag:$0x1] =	stream.indirect.gather [hbm4b:s2+s20], $0x80, s8, s20, $0xb8;
	[tilespmem:$0x12680] =	vst v63  }
0x2fd: {  	s9 =	simm.s32 $0x580  }
0x2fe: {  	v4 =	vor.u32 $0x2, v2;
	[tilespmem:s23], [sflag:$0x1] =	stream.indirect.gather [hbm4b:s1+s20], $0x80, s9, s20, $0xb8;
	[tilespmem:$0x12680] =	vst v63  }
0x2ff: {  	v5 =	vld.idx.msk [tilespmem:v2+s24+$0x0], $0xffff  }
0x300: {  	v49 =	vor.u32 $0x3, v2  }
0x301: {  	v3 =	vld.idx.msk [tilespmem:v3+s24+$0x0], $0xffff  }
0x302: {  	v50 =	vor.u32 $0x4, v2  }
0x303: {  	v4 =	vld.idx.msk [tilespmem:v4+s24+$0x0], $0xffff  }
0x304: {  	v51 =	vor.u32 $0x5, v2;
	v5 =	vadd.f32 $0.0e+00, v5  }
0x305: {  	v6 =	vld.idx.msk [tilespmem:v49+s24+$0x0], $0xffff  }
0x306: {  	v52 =	vor.u32 $0x6, v2;
	v3 =	vadd.f32 v3, v5  }
0x307: {  	v5 =	vld.idx.msk [tilespmem:v50+s24+$0x0], $0xffff  }
0x308: {  	v53 =	vor.u32 $0x7, v2;
	v3 =	vadd.f32 v4, v3  }
0x309: {  	v4 =	vld.idx.msk [tilespmem:v51+s24+$0x0], $0xffff  }
0x30a: {  	v54 =	vor.u32 $0x8, v2;
	v3 =	vadd.f32 v6, v3  }
0x30b: {  	v55 =	vld.idx.msk [tilespmem:v52+s24+$0x0], $0xffff  }
0x30c: {  	v56 =	vor.u32 $0x9, v2;
	v3 =	vadd.f32 v5, v3  }
0x30d: {  	v5 =	vld.idx.msk [tilespmem:v53+s24+$0x0], $0xffff  }
0x30e: {  	v57 =	vor.u32 $0xA, v2;
	v3 =	vadd.f32 v4, v3  }
0x30f: {  	v4 =	vld.idx.msk [tilespmem:v54+s24+$0x0], $0xffff  }
0x310: {  	v58 =	vor.u32 $0xB, v2;
	v3 =	vadd.f32 v55, v3  }
0x311: {  	v59 =	vld.idx.msk [tilespmem:v56+s24+$0x0], $0xffff  }
0x312: {  	v60 =	vor.u32 $0xC, v2;
	v3 =	vadd.f32 v5, v3  }
0x313: {  	v5 =	vld.idx.msk [tilespmem:v57+s24+$0x0], $0xffff  }
0x314: {  	v61 =	vor.u32 $0xD, v2;
	v3 =	vadd.f32 v4, v3  }
0x315: {  	v4 =	vld.idx.msk [tilespmem:v58+s24+$0x0], $0xffff  }
0x316: {  	v62 =	vor.u32 $0xE, v2;
	v3 =	vadd.f32 v59, v3  }
0x317: {  	v63 =	vld.idx.msk [tilespmem:v60+s24+$0x0], $0xffff  }
0x318: {  	v2 =	vor.u32 $0xF, v2;
	v3 =	vadd.f32 v5, v3  }
0x319: {  	v5 =	vld.idx.msk [tilespmem:v61+s24+$0x0], $0xffff  }
0x31a: {  	v3 =	vadd.f32 v4, v3  }
0x31b: {  	v4 =	vld.idx.msk [tilespmem:v62+s24+$0x0], $0xffff  }
0x31c: {  	v3 =	vadd.f32 v63, v3  }
0x31d: {  	v2 =	vld.idx.msk [tilespmem:v2+s24+$0x0], $0xffff  }
0x31e: {  	v3 =	vadd.f32 v5, v3;
	_ =	sdelay $0x1  }
0x31f: {  	v3 =	vadd.f32 v4, v3;
	_ =	sdelay $0x1  }
0x320: {  	v2 =	vadd.f32 v2, v3;
	_ =	sdelay $0x1  }
0x321: {  	v3 =	vshrl.u32 v2, $0x1  }
0x322: {  	v3 =	vadd.s32 $0x1FBD1DF5, v3  }
0x323: {  	(erf) = vrcp.f32 v3;
	_ =	sdelay $0x8  }
0x324: {  	v4 =	vpop (erf)  }
0x325: {  	v4 =	vmul.f32 v4, v2;
	_ =	sdelay $0x1  }
0x326: {  	v3 =	vadd.f32 v3, v4;
	_ =	sdelay $0x1  }
0x327: {  	v3 =	vmul.f32 $5.000000000e-01, v3;
	_ =	sdelay $0x1  }
0x328: {  	(erf) = vrcp.f32 v3;
	_ =	sdelay $0x8  }
0x329: {  	v4 =	vpop (erf)  }
0x32a: {  	v4 =	vmul.f32 v4, v2;
	_ =	sdelay $0x1  }
0x32b: {  	v3 =	vadd.f32 v4, v3;
	_ =	sdelay $0x1  }
0x32c: {  	v3 =	vmul.f32 $5.000000000e-01, v3;
	_ =	sdelay $0x1  }
0x32d: {  	(erf) = vrcp.f32 v3;
	_ =	sdelay $0x8  }
0x32e: {  	v4 =	vpop (erf)  }
0x32f: {  	v2 =	vmul.f32 v4, v2;
	_ =	sdelay $0x1  }
0x330: {  	s31 =	simm.s32 $0x10;
	v3 =	vadd.f32 v2, v3  }
0x331: {  	v2 =	vor.u32 s31, v0;
	s31 =	simm.s32 $0x20  }
.LBB2_10:
0x332: {  	p0 =	sne.s32 s31, $0x30;
	v4 =	vshll.u32 v2, $0x7;
	v3 =	vmul.f32 $5.000000000e-01, v3;
	_ =	sdelay $0x1  }
0x333: {  	v5 =	vor.u32 $0x1, v4;
	v3 =	vsub.f32 $0.0e+00, v3;
	_ =	sdelay $0x1  }
0x334: {  	v6 =	vor.u32 $0x2, v4;
	[tilespmem:v1+s3+$0x0] =	vst.idx.msk $0xffff, v3;
	v1 =	vmov v2  }
0x335: {  	v2 =	vld.idx.msk [tilespmem:v4+s24+$0x0], $0xffff  }
0x336: {  	v3 =	vor.u32 $0x3, v4  }
0x337: {  	v5 =	vld.idx.msk [tilespmem:v5+s24+$0x0], $0xffff  }
0x338: {  	v7 =	vor.u32 $0x4, v4  }
0x339: {  	v6 =	vld.idx.msk [tilespmem:v6+s24+$0x0], $0xffff  }
0x33a: {  	v8 =	vor.u32 $0x5, v4  }
0x33b: {  	v2 =	vadd.f32 $0.0e+00, v2;
	v3 =	vld.idx.msk [tilespmem:v3+s24+$0x0], $0xffff  }
0x33c: {  	v9 =	vor.u32 $0x6, v4  }
0x33d: {  	v2 =	vadd.f32 v5, v2;
	v5 =	vld.idx.msk [tilespmem:v7+s24+$0x0], $0xffff  }
0x33e: {  	v7 =	vor.u32 $0x7, v4  }
0x33f: {  	v2 =	vadd.f32 v6, v2;
	v6 =	vld.idx.msk [tilespmem:v8+s24+$0x0], $0xffff  }
0x340: {  	v8 =	vor.u32 $0x8, v4  }
0x341: {  	v2 =	vadd.f32 v3, v2;
	v3 =	vld.idx.msk [tilespmem:v9+s24+$0x0], $0xffff  }
0x342: {  	v9 =	vor.u32 $0x9, v4  }
0x343: {  	v2 =	vadd.f32 v5, v2;
	v5 =	vld.idx.msk [tilespmem:v7+s24+$0x0], $0xffff  }
0x344: {  	v7 =	vor.u32 $0xA, v4  }
0x345: {  	v2 =	vadd.f32 v6, v2;
	v6 =	vld.idx.msk [tilespmem:v8+s24+$0x0], $0xffff  }
0x346: {  	v8 =	vor.u32 $0xB, v4  }
0x347: {  	v2 =	vadd.f32 v3, v2;
	v3 =	vld.idx.msk [tilespmem:v9+s24+$0x0], $0xffff  }
0x348: {  	v9 =	vor.u32 $0xC, v4  }
0x349: {  	v2 =	vadd.f32 v5, v2;
	v5 =	vld.idx.msk [tilespmem:v7+s24+$0x0], $0xffff  }
0x34a: {  	v7 =	vor.u32 $0xD, v4  }
0x34b: {  	v2 =	vadd.f32 v6, v2;
	v6 =	vld.idx.msk [tilespmem:v8+s24+$0x0], $0xffff  }
0x34c: {  	v8 =	vor.u32 $0xE, v4  }
0x34d: {  	v2 =	vadd.f32 v3, v2;
	v3 =	vld.idx.msk [tilespmem:v9+s24+$0x0], $0xffff  }
0x34e: {  	v4 =	vor.u32 $0xF, v4  }
0x34f: {  	v2 =	vadd.f32 v5, v2;
	v5 =	vld.idx.msk [tilespmem:v7+s24+$0x0], $0xffff;
	_ =	sdelay $0x1  }
0x350: {  	v2 =	vadd.f32 v6, v2;
	v6 =	vld.idx.msk [tilespmem:v8+s24+$0x0], $0xffff;
	_ =	sdelay $0x1  }
0x351: {  	v2 =	vadd.f32 v3, v2;
	v3 =	vld.idx.msk [tilespmem:v4+s24+$0x0], $0xffff;
	_ =	sdelay $0x1  }
0x352: {  	v2 =	vadd.f32 v5, v2;
	_ =	sdelay $0x1  }
0x353: {  	v2 =	vadd.f32 v6, v2;
	_ =	sdelay $0x1  }
0x354: {  	v2 =	vadd.f32 v3, v2;
	_ =	sdelay $0x1  }
0x355: {  	v3 =	vshrl.u32 v2, $0x1  }
0x356: {  	v3 =	vadd.s32 $0x1FBD1DF5, v3  }
0x357: {  	(erf) = vrcp.f32 v3;
	_ =	sdelay $0x8  }
0x358: {  	v4 =	vpop (erf)  }
0x359: {  	v4 =	vmul.f32 v4, v2;
	_ =	sdelay $0x1  }
0x35a: {  	v3 =	vadd.f32 v3, v4;
	_ =	sdelay $0x1  }
0x35b: {  	v3 =	vmul.f32 $5.000000000e-01, v3;
	_ =	sdelay $0x1  }
0x35c: {  	(erf) = vrcp.f32 v3;
	_ =	sdelay $0x8  }
0x35d: {  	v4 =	vpop (erf)  }
0x35e: {  	v4 =	vmul.f32 v4, v2;
	_ =	sdelay $0x1  }
0x35f: {  	v3 =	vadd.f32 v4, v3;
	_ =	sdelay $0x1  }
0x360: {  	v3 =	vmul.f32 $5.000000000e-01, v3;
	_ =	sdelay $0x1  }
0x361: {  	(erf) = vrcp.f32 v3;
	_ =	sdelay $0x8  }
.Ltmp4:
0x362: {  	v4 =	vpop (erf);
	(pc) =	sbr.rel @p0 .LBB2_10-.Ltmp4, $3  }
0x363: {  	v2 =	vmul.f32 v4, v2;
	_ =	sdelay $0x1  }
0x364: {  	v3 =	vadd.f32 v2, v3  }
0x365: {  	v2 =	vor.u32 s31, v0;
	s31 =	sadd.s32 $0x10, s31  }
0x366: {  	v4 =	vshll.u32 v2, $0x7;
	v3 =	vmul.f32 $5.000000000e-01, v3;
	_ =	sdelay $0x1  }
0x367: {  	v5 =	vor.u32 $0x1, v4;
	v3 =	vsub.f32 $0.0e+00, v3;
	_ =	sdelay $0x1  }
0x368: {  	v6 =	vor.u32 $0x2, v4;
	[tilespmem:v1+s3+$0x0] =	vst.idx.msk $0xffff, v3  }
0x369: {  	v1 =	vld.idx.msk [tilespmem:v4+s24+$0x0], $0xffff  }
0x36a: {  	v3 =	vor.u32 $0x3, v4  }
0x36b: {  	v5 =	vld.idx.msk [tilespmem:v5+s24+$0x0], $0xffff  }
0x36c: {  	v7 =	vor.u32 $0x4, v4  }
0x36d: {  	v6 =	vld.idx.msk [tilespmem:v6+s24+$0x0], $0xffff  }
0x36e: {  	v8 =	vor.u32 $0x5, v4;
	v1 =	vadd.f32 $0.0e+00, v1  }
0x36f: {  	v3 =	vld.idx.msk [tilespmem:v3+s24+$0x0], $0xffff  }
0x370: {  	v9 =	vor.u32 $0x6, v4;
	v1 =	vadd.f32 v5, v1  }
0x371: {  	v5 =	vld.idx.msk [tilespmem:v7+s24+$0x0], $0xffff  }
0x372: {  	v37 =	vor.u32 $0x7, v4;
	v1 =	vadd.f32 v6, v1  }
0x373: {  	v38 =	vld.idx.msk [tilespmem:v8+s24+$0x0], $0xffff  }
0x374: {  	v39 =	vor.u32 $0x8, v4;
	v1 =	vadd.f32 v3, v1  }
0x375: {  	v3 =	vld.idx.msk [tilespmem:v9+s24+$0x0], $0xffff  }
0x376: {  	v40 =	vor.u32 $0x9, v4;
	v1 =	vadd.f32 v5, v1  }
0x377: {  	v5 =	vld.idx.msk [tilespmem:v37+s24+$0x0], $0xffff  }
0x378: {  	v41 =	vor.u32 $0xA, v4;
	v1 =	vadd.f32 v38, v1  }
0x379: {  	v42 =	vld.idx.msk [tilespmem:v39+s24+$0x0], $0xffff  }
0x37a: {  	v43 =	vor.u32 $0xB, v4;
	v1 =	vadd.f32 v3, v1  }
0x37b: {  	v3 =	vld.idx.msk [tilespmem:v40+s24+$0x0], $0xffff  }
0x37c: {  	v44 =	vor.u32 $0xC, v4;
	v1 =	vadd.f32 v5, v1  }
0x37d: {  	v5 =	vld.idx.msk [tilespmem:v41+s24+$0x0], $0xffff  }
0x37e: {  	v45 =	vor.u32 $0xD, v4;
	v1 =	vadd.f32 v42, v1  }
0x37f: {  	v46 =	vld.idx.msk [tilespmem:v43+s24+$0x0], $0xffff  }
0x380: {  	v47 =	vor.u32 $0xE, v4;
	v1 =	vadd.f32 v3, v1  }
0x381: {  	v3 =	vld.idx.msk [tilespmem:v44+s24+$0x0], $0xffff  }
0x382: {  	v4 =	vor.u32 $0xF, v4;
	v1 =	vadd.f32 v5, v1  }
0x383: {  	v5 =	vld.idx.msk [tilespmem:v45+s24+$0x0], $0xffff  }
0x384: {  	v1 =	vadd.f32 v46, v1  }
0x385: {  	v48 =	vld.idx.msk [tilespmem:v47+s24+$0x0], $0xffff  }
0x386: {  	v1 =	vadd.f32 v3, v1  }
0x387: {  	v3 =	vld.idx.msk [tilespmem:v4+s24+$0x0], $0xffff  }
0x388: {  	v1 =	vadd.f32 v5, v1;
	_ =	sdelay $0x1  }
0x389: {  	v1 =	vadd.f32 v48, v1;
	_ =	sdelay $0x1  }
0x38a: {  	v1 =	vadd.f32 v3, v1;
	_ =	sdelay $0x1  }
0x38b: {  	v3 =	vshrl.u32 v1, $0x1  }
0x38c: {  	v3 =	vadd.s32 $0x1FBD1DF5, v3  }
0x38d: {  	(erf) = vrcp.f32 v3;
	_ =	sdelay $0x8  }
0x38e: {  	v4 =	vpop (erf)  }
0x38f: {  	v4 =	vmul.f32 v4, v1;
	_ =	sdelay $0x1  }
0x390: {  	v3 =	vadd.f32 v3, v4;
	_ =	sdelay $0x1  }
0x391: {  	v3 =	vmul.f32 $5.000000000e-01, v3;
	_ =	sdelay $0x1  }
0x392: {  	(erf) = vrcp.f32 v3;
	_ =	sdelay $0x8  }
0x393: {  	v4 =	vpop (erf)  }
0x394: {  	v4 =	vmul.f32 v4, v1;
	_ =	sdelay $0x1  }
0x395: {  	v3 =	vadd.f32 v4, v3;
	_ =	sdelay $0x1  }
0x396: {  	v3 =	vmul.f32 $5.000000000e-01, v3;
	_ =	sdelay $0x1  }
0x397: {  	(erf) = vrcp.f32 v3;
	_ =	sdelay $0x8  }
0x398: {  	v4 =	vpop (erf)  }
0x399: {  	v1 =	vmul.f32 v4, v1;
	_ =	sdelay $0x1  }
0x39a: {  	v1 =	vadd.f32 v1, v3;
	_ =	sdelay $0x1  }
0x39b: {  	v1 =	vmul.f32 $5.000000000e-01, v1;
	_ =	sdelay $0x1  }
0x39c: {  	v1 =	vsub.f32 $0.0e+00, v1;
	_ =	sdelay $0x1  }
0x39d: {  	s31 =	simm.s32 $0x0;
	[tilespmem:v2+s3+$0x0] =	vst.idx.msk $0xffff, v1  }
0x39e: {  	[hbm4b:s12+s31] =	stream.linear.scatter [tilespmem:s3], [sflag:$0x5], $0x40, $0x38;
	[tilespmem:$0x12680] =	vst v63  }
0x39f: {  	_ =	swait.ge [sflag:s28], $0x40  }
0x3a0: {  	[sflag:s28] =	ssyncset.done $0x0  }
0x3a1: {  	[sflag:s28] =	ssyncadd.s32 $0xFFFFFFC0  }
0x3a2: {  	_ =	swait.ge [sflag:s18], $0x2000  }
0x3a3: {  	[sflag:s18] =	ssyncset.done $0x0  }
0x3a4: {  	[sflag:s18] =	ssyncadd.s32 $0xFFFFE000  }
0x3a5: {  	_ =	swait.ge [sflag:s18], $0x2000  }
0x3a6: {  	[sflag:s18] =	ssyncset.done $0x0  }
0x3a7: {  	[sflag:s18] =	ssyncadd.s32 $0xFFFFE000  }
0x3a8: {  	_ =	swait.ge [sflag:s18], $0x2000  }
0x3a9: {  	[sflag:s18] =	ssyncset.done $0x0  }
0x3aa: {  	s5 =	simm.s32 $0x1C0;
	v1 =	vor.u32 s31, v0;
	[sflag:s18] =	ssyncadd.s32 $0xFFFFE000  }
0x3ab: {  	v2 =	vshll.u32 v1, $0x7;
	[tilespmem:s24], [sflag:$0x2] =	stream.indirect.gather [hbm4b:s1+s20], $0x80, s5, s20, $0xb8;
	[tilespmem:$0x12680] =	vst v63  }
0x3ac: {  	s8 =	simm.s32 $0x3C0  }
0x3ad: {  	v3 =	vor.u32 $0x1, v2;
	[tilespmem:s26], [sflag:$0x2] =	stream.indirect.gather [hbm4b:s2+s20], $0x80, s8, s20, $0xb8;
	[tilespmem:$0x12680] =	vst v63  }
0x3ae: {  	s9 =	simm.s32 $0x5C0  }
0x3af: {  	v4 =	vor.u32 $0x2, v2;
	[tilespmem:s29], [sflag:$0x2] =	stream.indirect.gather [hbm4b:s1+s20], $0x80, s9, s20, $0xb8;
	[tilespmem:$0x12680] =	vst v63  }
0x3b0: {  	v5 =	vld.idx.msk [tilespmem:v2+s0+$0x0], $0xffff  }
0x3b1: {  	v49 =	vor.u32 $0x3, v2  }
0x3b2: {  	v3 =	vld.idx.msk [tilespmem:v3+s0+$0x0], $0xffff  }
0x3b3: {  	v50 =	vor.u32 $0x4, v2  }
0x3b4: {  	v4 =	vld.idx.msk [tilespmem:v4+s0+$0x0], $0xffff  }
0x3b5: {  	v51 =	vor.u32 $0x5, v2;
	v5 =	vadd.f32 $0.0e+00, v5  }
0x3b6: {  	v6 =	vld.idx.msk [tilespmem:v49+s0+$0x0], $0xffff  }
0x3b7: {  	v52 =	vor.u32 $0x6, v2;
	v3 =	vadd.f32 v3, v5  }
0x3b8: {  	v5 =	vld.idx.msk [tilespmem:v50+s0+$0x0], $0xffff  }
0x3b9: {  	v53 =	vor.u32 $0x7, v2;
	v3 =	vadd.f32 v4, v3  }
0x3ba: {  	v4 =	vld.idx.msk [tilespmem:v51+s0+$0x0], $0xffff  }
0x3bb: {  	v54 =	vor.u32 $0x8, v2;
	v3 =	vadd.f32 v6, v3  }
0x3bc: {  	v55 =	vld.idx.msk [tilespmem:v52+s0+$0x0], $0xffff  }
0x3bd: {  	v56 =	vor.u32 $0x9, v2;
	v3 =	vadd.f32 v5, v3  }
0x3be: {  	v5 =	vld.idx.msk [tilespmem:v53+s0+$0x0], $0xffff  }
0x3bf: {  	v57 =	vor.u32 $0xA, v2;
	v3 =	vadd.f32 v4, v3  }
0x3c0: {  	v4 =	vld.idx.msk [tilespmem:v54+s0+$0x0], $0xffff  }
0x3c1: {  	v58 =	vor.u32 $0xB, v2;
	v3 =	vadd.f32 v55, v3  }
0x3c2: {  	v59 =	vld.idx.msk [tilespmem:v56+s0+$0x0], $0xffff  }
0x3c3: {  	v60 =	vor.u32 $0xC, v2;
	v3 =	vadd.f32 v5, v3  }
0x3c4: {  	v5 =	vld.idx.msk [tilespmem:v57+s0+$0x0], $0xffff  }
0x3c5: {  	v61 =	vor.u32 $0xD, v2;
	v3 =	vadd.f32 v4, v3  }
0x3c6: {  	v4 =	vld.idx.msk [tilespmem:v58+s0+$0x0], $0xffff  }
0x3c7: {  	v62 =	vor.u32 $0xE, v2;
	v3 =	vadd.f32 v59, v3  }
0x3c8: {  	v63 =	vld.idx.msk [tilespmem:v60+s0+$0x0], $0xffff  }
0x3c9: {  	v2 =	vor.u32 $0xF, v2;
	v3 =	vadd.f32 v5, v3  }
0x3ca: {  	v5 =	vld.idx.msk [tilespmem:v61+s0+$0x0], $0xffff  }
0x3cb: {  	v3 =	vadd.f32 v4, v3  }
0x3cc: {  	v4 =	vld.idx.msk [tilespmem:v62+s0+$0x0], $0xffff  }
0x3cd: {  	v3 =	vadd.f32 v63, v3  }
0x3ce: {  	v2 =	vld.idx.msk [tilespmem:v2+s0+$0x0], $0xffff  }
0x3cf: {  	v3 =	vadd.f32 v5, v3;
	_ =	sdelay $0x1  }
0x3d0: {  	v3 =	vadd.f32 v4, v3;
	_ =	sdelay $0x1  }
0x3d1: {  	v2 =	vadd.f32 v2, v3;
	_ =	sdelay $0x1  }
0x3d2: {  	v3 =	vshrl.u32 v2, $0x1  }
0x3d3: {  	v3 =	vadd.s32 $0x1FBD1DF5, v3  }
0x3d4: {  	(erf) = vrcp.f32 v3;
	_ =	sdelay $0x8  }
0x3d5: {  	v4 =	vpop (erf)  }
0x3d6: {  	v4 =	vmul.f32 v4, v2;
	_ =	sdelay $0x1  }
0x3d7: {  	v3 =	vadd.f32 v3, v4;
	_ =	sdelay $0x1  }
0x3d8: {  	v3 =	vmul.f32 $5.000000000e-01, v3;
	_ =	sdelay $0x1  }
0x3d9: {  	(erf) = vrcp.f32 v3;
	_ =	sdelay $0x8  }
0x3da: {  	v4 =	vpop (erf)  }
0x3db: {  	v4 =	vmul.f32 v4, v2;
	_ =	sdelay $0x1  }
0x3dc: {  	v3 =	vadd.f32 v4, v3;
	_ =	sdelay $0x1  }
0x3dd: {  	v3 =	vmul.f32 $5.000000000e-01, v3;
	_ =	sdelay $0x1  }
0x3de: {  	(erf) = vrcp.f32 v3;
	_ =	sdelay $0x8  }
0x3df: {  	v4 =	vpop (erf)  }
0x3e0: {  	v2 =	vmul.f32 v4, v2;
	_ =	sdelay $0x1  }
0x3e1: {  	s31 =	simm.s32 $0x10;
	v3 =	vadd.f32 v2, v3  }
0x3e2: {  	v2 =	vor.u32 s31, v0;
	s31 =	simm.s32 $0x20  }
.LBB2_12:
0x3e3: {  	p0 =	sne.s32 s31, $0x30;
	v4 =	vshll.u32 v2, $0x7;
	v3 =	vmul.f32 $5.000000000e-01, v3;
	_ =	sdelay $0x1  }
0x3e4: {  	v5 =	vor.u32 $0x1, v4;
	v3 =	vsub.f32 $0.0e+00, v3;
	_ =	sdelay $0x1  }
0x3e5: {  	v6 =	vor.u32 $0x2, v4;
	[tilespmem:v1+s3+$0x0] =	vst.idx.msk $0xffff, v3;
	v1 =	vmov v2  }
0x3e6: {  	v2 =	vld.idx.msk [tilespmem:v4+s0+$0x0], $0xffff  }
0x3e7: {  	v3 =	vor.u32 $0x3, v4  }
0x3e8: {  	v5 =	vld.idx.msk [tilespmem:v5+s0+$0x0], $0xffff  }
0x3e9: {  	v7 =	vor.u32 $0x4, v4  }
0x3ea: {  	v6 =	vld.idx.msk [tilespmem:v6+s0+$0x0], $0xffff  }
0x3eb: {  	v8 =	vor.u32 $0x5, v4  }
0x3ec: {  	v2 =	vadd.f32 $0.0e+00, v2;
	v3 =	vld.idx.msk [tilespmem:v3+s0+$0x0], $0xffff  }
0x3ed: {  	v9 =	vor.u32 $0x6, v4  }
0x3ee: {  	v2 =	vadd.f32 v5, v2;
	v5 =	vld.idx.msk [tilespmem:v7+s0+$0x0], $0xffff  }
0x3ef: {  	v7 =	vor.u32 $0x7, v4  }
0x3f0: {  	v2 =	vadd.f32 v6, v2;
	v6 =	vld.idx.msk [tilespmem:v8+s0+$0x0], $0xffff  }
0x3f1: {  	v8 =	vor.u32 $0x8, v4  }
0x3f2: {  	v2 =	vadd.f32 v3, v2;
	v3 =	vld.idx.msk [tilespmem:v9+s0+$0x0], $0xffff  }
0x3f3: {  	v9 =	vor.u32 $0x9, v4  }
0x3f4: {  	v2 =	vadd.f32 v5, v2;
	v5 =	vld.idx.msk [tilespmem:v7+s0+$0x0], $0xffff  }
0x3f5: {  	v7 =	vor.u32 $0xA, v4  }
0x3f6: {  	v2 =	vadd.f32 v6, v2;
	v6 =	vld.idx.msk [tilespmem:v8+s0+$0x0], $0xffff  }
0x3f7: {  	v8 =	vor.u32 $0xB, v4  }
0x3f8: {  	v2 =	vadd.f32 v3, v2;
	v3 =	vld.idx.msk [tilespmem:v9+s0+$0x0], $0xffff  }
0x3f9: {  	v9 =	vor.u32 $0xC, v4  }
0x3fa: {  	v2 =	vadd.f32 v5, v2;
	v5 =	vld.idx.msk [tilespmem:v7+s0+$0x0], $0xffff  }
0x3fb: {  	v7 =	vor.u32 $0xD, v4  }
0x3fc: {  	v2 =	vadd.f32 v6, v2;
	v6 =	vld.idx.msk [tilespmem:v8+s0+$0x0], $0xffff  }
0x3fd: {  	v8 =	vor.u32 $0xE, v4  }
0x3fe: {  	v2 =	vadd.f32 v3, v2;
	v3 =	vld.idx.msk [tilespmem:v9+s0+$0x0], $0xffff  }
0x3ff: {  	v4 =	vor.u32 $0xF, v4  }
0x400: {  	v2 =	vadd.f32 v5, v2;
	v5 =	vld.idx.msk [tilespmem:v7+s0+$0x0], $0xffff;
	_ =	sdelay $0x1  }
0x401: {  	v2 =	vadd.f32 v6, v2;
	v6 =	vld.idx.msk [tilespmem:v8+s0+$0x0], $0xffff;
	_ =	sdelay $0x1  }
0x402: {  	v2 =	vadd.f32 v3, v2;
	v3 =	vld.idx.msk [tilespmem:v4+s0+$0x0], $0xffff;
	_ =	sdelay $0x1  }
0x403: {  	v2 =	vadd.f32 v5, v2;
	_ =	sdelay $0x1  }
0x404: {  	v2 =	vadd.f32 v6, v2;
	_ =	sdelay $0x1  }
0x405: {  	v2 =	vadd.f32 v3, v2;
	_ =	sdelay $0x1  }
0x406: {  	v3 =	vshrl.u32 v2, $0x1  }
0x407: {  	v3 =	vadd.s32 $0x1FBD1DF5, v3  }
0x408: {  	(erf) = vrcp.f32 v3;
	_ =	sdelay $0x8  }
0x409: {  	v4 =	vpop (erf)  }
0x40a: {  	v4 =	vmul.f32 v4, v2;
	_ =	sdelay $0x1  }
0x40b: {  	v3 =	vadd.f32 v3, v4;
	_ =	sdelay $0x1  }
0x40c: {  	v3 =	vmul.f32 $5.000000000e-01, v3;
	_ =	sdelay $0x1  }
0x40d: {  	(erf) = vrcp.f32 v3;
	_ =	sdelay $0x8  }
0x40e: {  	v4 =	vpop (erf)  }
0x40f: {  	v4 =	vmul.f32 v4, v2;
	_ =	sdelay $0x1  }
0x410: {  	v3 =	vadd.f32 v4, v3;
	_ =	sdelay $0x1  }
0x411: {  	v3 =	vmul.f32 $5.000000000e-01, v3;
	_ =	sdelay $0x1  }
0x412: {  	(erf) = vrcp.f32 v3;
	_ =	sdelay $0x8  }
.Ltmp5:
0x413: {  	v4 =	vpop (erf);
	(pc) =	sbr.rel @p0 .LBB2_12-.Ltmp5, $3  }
0x414: {  	v2 =	vmul.f32 v4, v2;
	_ =	sdelay $0x1  }
0x415: {  	v3 =	vadd.f32 v2, v3  }
0x416: {  	v2 =	vor.u32 s31, v0;
	s31 =	sadd.s32 $0x10, s31  }
0x417: {  	v4 =	vshll.u32 v2, $0x7;
	v3 =	vmul.f32 $5.000000000e-01, v3;
	_ =	sdelay $0x1  }
0x418: {  	v5 =	vor.u32 $0x1, v4;
	v3 =	vsub.f32 $0.0e+00, v3;
	_ =	sdelay $0x1  }
0x419: {  	v6 =	vor.u32 $0x2, v4;
	[tilespmem:v1+s3+$0x0] =	vst.idx.msk $0xffff, v3  }
0x41a: {  	v1 =	vld.idx.msk [tilespmem:v4+s0+$0x0], $0xffff  }
0x41b: {  	v3 =	vor.u32 $0x3, v4  }
0x41c: {  	v5 =	vld.idx.msk [tilespmem:v5+s0+$0x0], $0xffff  }
0x41d: {  	v7 =	vor.u32 $0x4, v4  }
0x41e: {  	v6 =	vld.idx.msk [tilespmem:v6+s0+$0x0], $0xffff  }
0x41f: {  	v8 =	vor.u32 $0x5, v4;
	v1 =	vadd.f32 $0.0e+00, v1  }
0x420: {  	v3 =	vld.idx.msk [tilespmem:v3+s0+$0x0], $0xffff  }
0x421: {  	v9 =	vor.u32 $0x6, v4;
	v1 =	vadd.f32 v5, v1  }
0x422: {  	v5 =	vld.idx.msk [tilespmem:v7+s0+$0x0], $0xffff  }
0x423: {  	v37 =	vor.u32 $0x7, v4;
	v1 =	vadd.f32 v6, v1  }
0x424: {  	v38 =	vld.idx.msk [tilespmem:v8+s0+$0x0], $0xffff  }
0x425: {  	v39 =	vor.u32 $0x8, v4;
	v1 =	vadd.f32 v3, v1  }
0x426: {  	v3 =	vld.idx.msk [tilespmem:v9+s0+$0x0], $0xffff  }
0x427: {  	v40 =	vor.u32 $0x9, v4;
	v1 =	vadd.f32 v5, v1  }
0x428: {  	v5 =	vld.idx.msk [tilespmem:v37+s0+$0x0], $0xffff  }
0x429: {  	v41 =	vor.u32 $0xA, v4;
	v1 =	vadd.f32 v38, v1  }
0x42a: {  	v42 =	vld.idx.msk [tilespmem:v39+s0+$0x0], $0xffff  }
0x42b: {  	v43 =	vor.u32 $0xB, v4;
	v1 =	vadd.f32 v3, v1  }
0x42c: {  	v3 =	vld.idx.msk [tilespmem:v40+s0+$0x0], $0xffff  }
0x42d: {  	v44 =	vor.u32 $0xC, v4;
	v1 =	vadd.f32 v5, v1  }
0x42e: {  	v5 =	vld.idx.msk [tilespmem:v41+s0+$0x0], $0xffff  }
0x42f: {  	v45 =	vor.u32 $0xD, v4;
	v1 =	vadd.f32 v42, v1  }
0x430: {  	v46 =	vld.idx.msk [tilespmem:v43+s0+$0x0], $0xffff  }
0x431: {  	v47 =	vor.u32 $0xE, v4;
	v1 =	vadd.f32 v3, v1  }
0x432: {  	v3 =	vld.idx.msk [tilespmem:v44+s0+$0x0], $0xffff  }
0x433: {  	v4 =	vor.u32 $0xF, v4;
	v1 =	vadd.f32 v5, v1  }
0x434: {  	v5 =	vld.idx.msk [tilespmem:v45+s0+$0x0], $0xffff  }
0x435: {  	v1 =	vadd.f32 v46, v1  }
0x436: {  	v48 =	vld.idx.msk [tilespmem:v47+s0+$0x0], $0xffff  }
0x437: {  	v1 =	vadd.f32 v3, v1  }
0x438: {  	v3 =	vld.idx.msk [tilespmem:v4+s0+$0x0], $0xffff  }
0x439: {  	v1 =	vadd.f32 v5, v1;
	_ =	sdelay $0x1  }
0x43a: {  	v1 =	vadd.f32 v48, v1;
	_ =	sdelay $0x1  }
0x43b: {  	v1 =	vadd.f32 v3, v1;
	_ =	sdelay $0x1  }
0x43c: {  	v3 =	vshrl.u32 v1, $0x1  }
0x43d: {  	v3 =	vadd.s32 $0x1FBD1DF5, v3  }
0x43e: {  	(erf) = vrcp.f32 v3;
	_ =	sdelay $0x8  }
0x43f: {  	v4 =	vpop (erf)  }
0x440: {  	v4 =	vmul.f32 v4, v1;
	_ =	sdelay $0x1  }
0x441: {  	v3 =	vadd.f32 v3, v4;
	_ =	sdelay $0x1  }
0x442: {  	v3 =	vmul.f32 $5.000000000e-01, v3;
	_ =	sdelay $0x1  }
0x443: {  	(erf) = vrcp.f32 v3;
	_ =	sdelay $0x8  }
0x444: {  	v4 =	vpop (erf)  }
0x445: {  	v4 =	vmul.f32 v4, v1;
	_ =	sdelay $0x1  }
0x446: {  	v3 =	vadd.f32 v4, v3;
	_ =	sdelay $0x1  }
0x447: {  	v3 =	vmul.f32 $5.000000000e-01, v3;
	_ =	sdelay $0x1  }
0x448: {  	(erf) = vrcp.f32 v3;
	_ =	sdelay $0x8  }
0x449: {  	v4 =	vpop (erf)  }
0x44a: {  	v1 =	vmul.f32 v4, v1;
	_ =	sdelay $0x1  }
0x44b: {  	v1 =	vadd.f32 v1, v3;
	_ =	sdelay $0x1  }
0x44c: {  	v1 =	vmul.f32 $5.000000000e-01, v1;
	_ =	sdelay $0x1  }
0x44d: {  	v1 =	vsub.f32 $0.0e+00, v1;
	_ =	sdelay $0x1  }
0x44e: {  	s31 =	simm.s32 $0x0;
	[tilespmem:v2+s3+$0x0] =	vst.idx.msk $0xffff, v1  }
0x44f: {  	[hbm4b:s13+s31] =	stream.linear.scatter [tilespmem:s3], [sflag:$0x5], $0x40, $0x38;
	[tilespmem:$0x12680] =	vst v63  }
0x450: {  	_ =	swait.ge [sflag:s28], $0x40  }
0x451: {  	[sflag:s28] =	ssyncset.done $0x0  }
0x452: {  	[sflag:s28] =	ssyncadd.s32 $0xFFFFFFC0  }
0x453: {  	_ =	swait.ge [sflag:s30], $0x2000  }
0x454: {  	[sflag:s30] =	ssyncset.done $0x0  }
0x455: {  	[sflag:s30] =	ssyncadd.s32 $0xFFFFE000  }
0x456: {  	v1 =	vor.u32 s31, v0;
	_ =	swait.ge [sflag:s30], $0x2000  }
0x457: {  	v2 =	vshll.u32 v1, $0x7;
	[sflag:s30] =	ssyncset.done $0x0  }
0x458: {  	[sflag:s30] =	ssyncadd.s32 $0xFFFFE000  }
0x459: {  	v3 =	vor.u32 $0x1, v2;
	_ =	swait.ge [sflag:s30], $0x2000  }
0x45a: {  	[sflag:s30] =	ssyncset.done $0x0  }
0x45b: {  	v4 =	vor.u32 $0x2, v2;
	[sflag:s30] =	ssyncadd.s32 $0xFFFFE000  }
0x45c: {  	v5 =	vld.idx.msk [tilespmem:v2+s21+$0x0], $0xffff  }
0x45d: {  	v49 =	vor.u32 $0x3, v2  }
0x45e: {  	v3 =	vld.idx.msk [tilespmem:v3+s21+$0x0], $0xffff  }
0x45f: {  	v50 =	vor.u32 $0x4, v2  }
0x460: {  	v4 =	vld.idx.msk [tilespmem:v4+s21+$0x0], $0xffff  }
0x461: {  	v51 =	vor.u32 $0x5, v2;
	v5 =	vadd.f32 $0.0e+00, v5  }
0x462: {  	v6 =	vld.idx.msk [tilespmem:v49+s21+$0x0], $0xffff  }
0x463: {  	v52 =	vor.u32 $0x6, v2;
	v3 =	vadd.f32 v3, v5  }
0x464: {  	v5 =	vld.idx.msk [tilespmem:v50+s21+$0x0], $0xffff  }
0x465: {  	v53 =	vor.u32 $0x7, v2;
	v3 =	vadd.f32 v4, v3  }
0x466: {  	v4 =	vld.idx.msk [tilespmem:v51+s21+$0x0], $0xffff  }
0x467: {  	v54 =	vor.u32 $0x8, v2;
	v3 =	vadd.f32 v6, v3  }
0x468: {  	v55 =	vld.idx.msk [tilespmem:v52+s21+$0x0], $0xffff  }
0x469: {  	v56 =	vor.u32 $0x9, v2;
	v3 =	vadd.f32 v5, v3  }
0x46a: {  	v5 =	vld.idx.msk [tilespmem:v53+s21+$0x0], $0xffff  }
0x46b: {  	v57 =	vor.u32 $0xA, v2;
	v3 =	vadd.f32 v4, v3  }
0x46c: {  	v4 =	vld.idx.msk [tilespmem:v54+s21+$0x0], $0xffff  }
0x46d: {  	v58 =	vor.u32 $0xB, v2;
	v3 =	vadd.f32 v55, v3  }
0x46e: {  	v59 =	vld.idx.msk [tilespmem:v56+s21+$0x0], $0xffff  }
0x46f: {  	v60 =	vor.u32 $0xC, v2;
	v3 =	vadd.f32 v5, v3  }
0x470: {  	v5 =	vld.idx.msk [tilespmem:v57+s21+$0x0], $0xffff  }
0x471: {  	v61 =	vor.u32 $0xD, v2;
	v3 =	vadd.f32 v4, v3  }
0x472: {  	v4 =	vld.idx.msk [tilespmem:v58+s21+$0x0], $0xffff  }
0x473: {  	v62 =	vor.u32 $0xE, v2;
	v3 =	vadd.f32 v59, v3  }
0x474: {  	v63 =	vld.idx.msk [tilespmem:v60+s21+$0x0], $0xffff  }
0x475: {  	v2 =	vor.u32 $0xF, v2;
	v3 =	vadd.f32 v5, v3  }
0x476: {  	v5 =	vld.idx.msk [tilespmem:v61+s21+$0x0], $0xffff  }
0x477: {  	v3 =	vadd.f32 v4, v3  }
0x478: {  	v4 =	vld.idx.msk [tilespmem:v62+s21+$0x0], $0xffff  }
0x479: {  	v3 =	vadd.f32 v63, v3  }
0x47a: {  	v2 =	vld.idx.msk [tilespmem:v2+s21+$0x0], $0xffff  }
0x47b: {  	v3 =	vadd.f32 v5, v3;
	_ =	sdelay $0x1  }
0x47c: {  	v3 =	vadd.f32 v4, v3;
	_ =	sdelay $0x1  }
0x47d: {  	v2 =	vadd.f32 v2, v3;
	_ =	sdelay $0x1  }
0x47e: {  	v3 =	vshrl.u32 v2, $0x1  }
0x47f: {  	v3 =	vadd.s32 $0x1FBD1DF5, v3  }
0x480: {  	(erf) = vrcp.f32 v3;
	_ =	sdelay $0x8  }
0x481: {  	v4 =	vpop (erf)  }
0x482: {  	v4 =	vmul.f32 v4, v2;
	_ =	sdelay $0x1  }
0x483: {  	v3 =	vadd.f32 v3, v4;
	_ =	sdelay $0x1  }
0x484: {  	v3 =	vmul.f32 $5.000000000e-01, v3;
	_ =	sdelay $0x1  }
0x485: {  	(erf) = vrcp.f32 v3;
	_ =	sdelay $0x8  }
0x486: {  	v4 =	vpop (erf)  }
0x487: {  	v4 =	vmul.f32 v4, v2;
	_ =	sdelay $0x1  }
0x488: {  	v3 =	vadd.f32 v4, v3;
	_ =	sdelay $0x1  }
0x489: {  	v3 =	vmul.f32 $5.000000000e-01, v3;
	_ =	sdelay $0x1  }
0x48a: {  	(erf) = vrcp.f32 v3;
	_ =	sdelay $0x8  }
0x48b: {  	v4 =	vpop (erf)  }
0x48c: {  	v2 =	vmul.f32 v4, v2;
	_ =	sdelay $0x1  }
0x48d: {  	s31 =	simm.s32 $0x10;
	v3 =	vadd.f32 v2, v3  }
0x48e: {  	v2 =	vor.u32 s31, v0;
	s31 =	simm.s32 $0x20  }
.LBB2_14:
0x48f: {  	p0 =	sne.s32 s31, $0x30;
	v4 =	vshll.u32 v2, $0x7;
	v3 =	vmul.f32 $5.000000000e-01, v3;
	_ =	sdelay $0x1  }
0x490: {  	v5 =	vor.u32 $0x1, v4;
	v3 =	vsub.f32 $0.0e+00, v3;
	_ =	sdelay $0x1  }
0x491: {  	v6 =	vor.u32 $0x2, v4;
	[tilespmem:v1+s3+$0x0] =	vst.idx.msk $0xffff, v3;
	v1 =	vmov v2  }
0x492: {  	v2 =	vld.idx.msk [tilespmem:v4+s21+$0x0], $0xffff  }
0x493: {  	v3 =	vor.u32 $0x3, v4  }
0x494: {  	v5 =	vld.idx.msk [tilespmem:v5+s21+$0x0], $0xffff  }
0x495: {  	v7 =	vor.u32 $0x4, v4  }
0x496: {  	v6 =	vld.idx.msk [tilespmem:v6+s21+$0x0], $0xffff  }
0x497: {  	v8 =	vor.u32 $0x5, v4  }
0x498: {  	v2 =	vadd.f32 $0.0e+00, v2;
	v3 =	vld.idx.msk [tilespmem:v3+s21+$0x0], $0xffff  }
0x499: {  	v9 =	vor.u32 $0x6, v4  }
0x49a: {  	v2 =	vadd.f32 v5, v2;
	v5 =	vld.idx.msk [tilespmem:v7+s21+$0x0], $0xffff  }
0x49b: {  	v7 =	vor.u32 $0x7, v4  }
0x49c: {  	v2 =	vadd.f32 v6, v2;
	v6 =	vld.idx.msk [tilespmem:v8+s21+$0x0], $0xffff  }
0x49d: {  	v8 =	vor.u32 $0x8, v4  }
0x49e: {  	v2 =	vadd.f32 v3, v2;
	v3 =	vld.idx.msk [tilespmem:v9+s21+$0x0], $0xffff  }
0x49f: {  	v9 =	vor.u32 $0x9, v4  }
0x4a0: {  	v2 =	vadd.f32 v5, v2;
	v5 =	vld.idx.msk [tilespmem:v7+s21+$0x0], $0xffff  }
0x4a1: {  	v7 =	vor.u32 $0xA, v4  }
0x4a2: {  	v2 =	vadd.f32 v6, v2;
	v6 =	vld.idx.msk [tilespmem:v8+s21+$0x0], $0xffff  }
0x4a3: {  	v8 =	vor.u32 $0xB, v4  }
0x4a4: {  	v2 =	vadd.f32 v3, v2;
	v3 =	vld.idx.msk [tilespmem:v9+s21+$0x0], $0xffff  }
0x4a5: {  	v9 =	vor.u32 $0xC, v4  }
0x4a6: {  	v2 =	vadd.f32 v5, v2;
	v5 =	vld.idx.msk [tilespmem:v7+s21+$0x0], $0xffff  }
0x4a7: {  	v7 =	vor.u32 $0xD, v4  }
0x4a8: {  	v2 =	vadd.f32 v6, v2;
	v6 =	vld.idx.msk [tilespmem:v8+s21+$0x0], $0xffff  }
0x4a9: {  	v8 =	vor.u32 $0xE, v4  }
0x4aa: {  	v2 =	vadd.f32 v3, v2;
	v3 =	vld.idx.msk [tilespmem:v9+s21+$0x0], $0xffff  }
0x4ab: {  	v4 =	vor.u32 $0xF, v4  }
0x4ac: {  	v2 =	vadd.f32 v5, v2;
	v5 =	vld.idx.msk [tilespmem:v7+s21+$0x0], $0xffff;
	_ =	sdelay $0x1  }
0x4ad: {  	v2 =	vadd.f32 v6, v2;
	v6 =	vld.idx.msk [tilespmem:v8+s21+$0x0], $0xffff;
	_ =	sdelay $0x1  }
0x4ae: {  	v2 =	vadd.f32 v3, v2;
	v3 =	vld.idx.msk [tilespmem:v4+s21+$0x0], $0xffff;
	_ =	sdelay $0x1  }
0x4af: {  	v2 =	vadd.f32 v5, v2;
	_ =	sdelay $0x1  }
0x4b0: {  	v2 =	vadd.f32 v6, v2;
	_ =	sdelay $0x1  }
0x4b1: {  	v2 =	vadd.f32 v3, v2;
	_ =	sdelay $0x1  }
0x4b2: {  	v3 =	vshrl.u32 v2, $0x1  }
0x4b3: {  	v3 =	vadd.s32 $0x1FBD1DF5, v3  }
0x4b4: {  	(erf) = vrcp.f32 v3;
	_ =	sdelay $0x8  }
0x4b5: {  	v4 =	vpop (erf)  }
0x4b6: {  	v4 =	vmul.f32 v4, v2;
	_ =	sdelay $0x1  }
0x4b7: {  	v3 =	vadd.f32 v3, v4;
	_ =	sdelay $0x1  }
0x4b8: {  	v3 =	vmul.f32 $5.000000000e-01, v3;
	_ =	sdelay $0x1  }
0x4b9: {  	(erf) = vrcp.f32 v3;
	_ =	sdelay $0x8  }
0x4ba: {  	v4 =	vpop (erf)  }
0x4bb: {  	v4 =	vmul.f32 v4, v2;
	_ =	sdelay $0x1  }
0x4bc: {  	v3 =	vadd.f32 v4, v3;
	_ =	sdelay $0x1  }
0x4bd: {  	v3 =	vmul.f32 $5.000000000e-01, v3;
	_ =	sdelay $0x1  }
0x4be: {  	(erf) = vrcp.f32 v3;
	_ =	sdelay $0x8  }
.Ltmp6:
0x4bf: {  	v4 =	vpop (erf);
	(pc) =	sbr.rel @p0 .LBB2_14-.Ltmp6, $3  }
0x4c0: {  	v2 =	vmul.f32 v4, v2;
	_ =	sdelay $0x1  }
0x4c1: {  	v3 =	vadd.f32 v2, v3  }
0x4c2: {  	v2 =	vor.u32 s31, v0;
	s31 =	sadd.s32 $0x10, s31  }
0x4c3: {  	v4 =	vshll.u32 v2, $0x7;
	v3 =	vmul.f32 $5.000000000e-01, v3;
	_ =	sdelay $0x1  }
0x4c4: {  	v5 =	vor.u32 $0x1, v4;
	v3 =	vsub.f32 $0.0e+00, v3;
	_ =	sdelay $0x1  }
0x4c5: {  	v6 =	vor.u32 $0x2, v4;
	[tilespmem:v1+s3+$0x0] =	vst.idx.msk $0xffff, v3  }
0x4c6: {  	v1 =	vld.idx.msk [tilespmem:v4+s21+$0x0], $0xffff  }
0x4c7: {  	v3 =	vor.u32 $0x3, v4  }
0x4c8: {  	v5 =	vld.idx.msk [tilespmem:v5+s21+$0x0], $0xffff  }
0x4c9: {  	v7 =	vor.u32 $0x4, v4  }
0x4ca: {  	v6 =	vld.idx.msk [tilespmem:v6+s21+$0x0], $0xffff  }
0x4cb: {  	v8 =	vor.u32 $0x5, v4;
	v1 =	vadd.f32 $0.0e+00, v1  }
0x4cc: {  	v3 =	vld.idx.msk [tilespmem:v3+s21+$0x0], $0xffff  }
0x4cd: {  	v9 =	vor.u32 $0x6, v4;
	v1 =	vadd.f32 v5, v1  }
0x4ce: {  	v5 =	vld.idx.msk [tilespmem:v7+s21+$0x0], $0xffff  }
0x4cf: {  	v37 =	vor.u32 $0x7, v4;
	v1 =	vadd.f32 v6, v1  }
0x4d0: {  	v38 =	vld.idx.msk [tilespmem:v8+s21+$0x0], $0xffff  }
0x4d1: {  	v39 =	vor.u32 $0x8, v4;
	v1 =	vadd.f32 v3, v1  }
0x4d2: {  	v3 =	vld.idx.msk [tilespmem:v9+s21+$0x0], $0xffff  }
0x4d3: {  	v40 =	vor.u32 $0x9, v4;
	v1 =	vadd.f32 v5, v1  }
0x4d4: {  	v5 =	vld.idx.msk [tilespmem:v37+s21+$0x0], $0xffff  }
0x4d5: {  	v41 =	vor.u32 $0xA, v4;
	v1 =	vadd.f32 v38, v1  }
0x4d6: {  	v42 =	vld.idx.msk [tilespmem:v39+s21+$0x0], $0xffff  }
0x4d7: {  	v43 =	vor.u32 $0xB, v4;
	v1 =	vadd.f32 v3, v1  }
0x4d8: {  	v3 =	vld.idx.msk [tilespmem:v40+s21+$0x0], $0xffff  }
0x4d9: {  	v44 =	vor.u32 $0xC, v4;
	v1 =	vadd.f32 v5, v1  }
0x4da: {  	v5 =	vld.idx.msk [tilespmem:v41+s21+$0x0], $0xffff  }
0x4db: {  	v45 =	vor.u32 $0xD, v4;
	v1 =	vadd.f32 v42, v1  }
0x4dc: {  	v46 =	vld.idx.msk [tilespmem:v43+s21+$0x0], $0xffff  }
0x4dd: {  	v47 =	vor.u32 $0xE, v4;
	v1 =	vadd.f32 v3, v1  }
0x4de: {  	v3 =	vld.idx.msk [tilespmem:v44+s21+$0x0], $0xffff  }
0x4df: {  	v4 =	vor.u32 $0xF, v4;
	v1 =	vadd.f32 v5, v1  }
0x4e0: {  	v5 =	vld.idx.msk [tilespmem:v45+s21+$0x0], $0xffff  }
0x4e1: {  	v1 =	vadd.f32 v46, v1  }
0x4e2: {  	v48 =	vld.idx.msk [tilespmem:v47+s21+$0x0], $0xffff  }
0x4e3: {  	v1 =	vadd.f32 v3, v1  }
0x4e4: {  	v3 =	vld.idx.msk [tilespmem:v4+s21+$0x0], $0xffff  }
0x4e5: {  	v1 =	vadd.f32 v5, v1;
	_ =	sdelay $0x1  }
0x4e6: {  	v1 =	vadd.f32 v48, v1;
	_ =	sdelay $0x1  }
0x4e7: {  	v1 =	vadd.f32 v3, v1;
	_ =	sdelay $0x1  }
0x4e8: {  	v3 =	vshrl.u32 v1, $0x1  }
0x4e9: {  	v3 =	vadd.s32 $0x1FBD1DF5, v3  }
0x4ea: {  	(erf) = vrcp.f32 v3;
	_ =	sdelay $0x8  }
0x4eb: {  	v4 =	vpop (erf)  }
0x4ec: {  	v4 =	vmul.f32 v4, v1;
	_ =	sdelay $0x1  }
0x4ed: {  	v3 =	vadd.f32 v3, v4;
	_ =	sdelay $0x1  }
0x4ee: {  	v3 =	vmul.f32 $5.000000000e-01, v3;
	_ =	sdelay $0x1  }
0x4ef: {  	(erf) = vrcp.f32 v3;
	_ =	sdelay $0x8  }
0x4f0: {  	v4 =	vpop (erf)  }
0x4f1: {  	v4 =	vmul.f32 v4, v1;
	_ =	sdelay $0x1  }
0x4f2: {  	v3 =	vadd.f32 v4, v3;
	_ =	sdelay $0x1  }
0x4f3: {  	v3 =	vmul.f32 $5.000000000e-01, v3;
	_ =	sdelay $0x1  }
0x4f4: {  	(erf) = vrcp.f32 v3;
	_ =	sdelay $0x8  }
0x4f5: {  	v4 =	vpop (erf)  }
0x4f6: {  	v1 =	vmul.f32 v4, v1;
	_ =	sdelay $0x1  }
0x4f7: {  	v1 =	vadd.f32 v1, v3;
	_ =	sdelay $0x1  }
0x4f8: {  	v1 =	vmul.f32 $5.000000000e-01, v1;
	_ =	sdelay $0x1  }
0x4f9: {  	v1 =	vsub.f32 $0.0e+00, v1;
	_ =	sdelay $0x1  }
0x4fa: {  	s31 =	simm.s32 $0x0;
	[tilespmem:v2+s3+$0x0] =	vst.idx.msk $0xffff, v1  }
0x4fb: {  	[hbm4b:s14+s31] =	stream.linear.scatter [tilespmem:s3], [sflag:$0x5], $0x40, $0x38;
	[tilespmem:$0x12680] =	vst v63  }
0x4fc: {  	_ =	swait.ge [sflag:s28], $0x40  }
0x4fd: {  	[sflag:s28] =	ssyncset.done $0x0  }
0x4fe: {  	[sflag:s28] =	ssyncadd.s32 $0xFFFFFFC0  }
0x4ff: {  	_ =	swait.ge [sflag:s17], $0x2000  }
0x500: {  	[sflag:s17] =	ssyncset.done $0x0  }
0x501: {  	[sflag:s17] =	ssyncadd.s32 $0xFFFFE000  }
0x502: {  	v1 =	vor.u32 s31, v0;
	_ =	swait.ge [sflag:s17], $0x2000  }
0x503: {  	v2 =	vshll.u32 v1, $0x7;
	[sflag:s17] =	ssyncset.done $0x0  }
0x504: {  	[sflag:s17] =	ssyncadd.s32 $0xFFFFE000  }
0x505: {  	v3 =	vor.u32 $0x1, v2;
	_ =	swait.ge [sflag:s17], $0x2000  }
0x506: {  	[sflag:s17] =	ssyncset.done $0x0  }
0x507: {  	v4 =	vor.u32 $0x2, v2;
	[sflag:s17] =	ssyncadd.s32 $0xFFFFE000  }
0x508: {  	v5 =	vld.idx.msk [tilespmem:v2+s24+$0x0], $0xffff  }
0x509: {  	v49 =	vor.u32 $0x3, v2  }
0x50a: {  	v3 =	vld.idx.msk [tilespmem:v3+s24+$0x0], $0xffff  }
0x50b: {  	v50 =	vor.u32 $0x4, v2  }
0x50c: {  	v4 =	vld.idx.msk [tilespmem:v4+s24+$0x0], $0xffff  }
0x50d: {  	v51 =	vor.u32 $0x5, v2;
	v5 =	vadd.f32 $0.0e+00, v5  }
0x50e: {  	v6 =	vld.idx.msk [tilespmem:v49+s24+$0x0], $0xffff  }
0x50f: {  	v52 =	vor.u32 $0x6, v2;
	v3 =	vadd.f32 v3, v5  }
0x510: {  	v5 =	vld.idx.msk [tilespmem:v50+s24+$0x0], $0xffff  }
0x511: {  	v53 =	vor.u32 $0x7, v2;
	v3 =	vadd.f32 v4, v3  }
0x512: {  	v4 =	vld.idx.msk [tilespmem:v51+s24+$0x0], $0xffff  }
0x513: {  	v54 =	vor.u32 $0x8, v2;
	v3 =	vadd.f32 v6, v3  }
0x514: {  	v55 =	vld.idx.msk [tilespmem:v52+s24+$0x0], $0xffff  }
0x515: {  	v56 =	vor.u32 $0x9, v2;
	v3 =	vadd.f32 v5, v3  }
0x516: {  	v5 =	vld.idx.msk [tilespmem:v53+s24+$0x0], $0xffff  }
0x517: {  	v57 =	vor.u32 $0xA, v2;
	v3 =	vadd.f32 v4, v3  }
0x518: {  	v4 =	vld.idx.msk [tilespmem:v54+s24+$0x0], $0xffff  }
0x519: {  	v58 =	vor.u32 $0xB, v2;
	v3 =	vadd.f32 v55, v3  }
0x51a: {  	v59 =	vld.idx.msk [tilespmem:v56+s24+$0x0], $0xffff  }
0x51b: {  	v60 =	vor.u32 $0xC, v2;
	v3 =	vadd.f32 v5, v3  }
0x51c: {  	v5 =	vld.idx.msk [tilespmem:v57+s24+$0x0], $0xffff  }
0x51d: {  	v61 =	vor.u32 $0xD, v2;
	v3 =	vadd.f32 v4, v3  }
0x51e: {  	v4 =	vld.idx.msk [tilespmem:v58+s24+$0x0], $0xffff  }
0x51f: {  	v62 =	vor.u32 $0xE, v2;
	v3 =	vadd.f32 v59, v3  }
0x520: {  	v63 =	vld.idx.msk [tilespmem:v60+s24+$0x0], $0xffff  }
0x521: {  	v2 =	vor.u32 $0xF, v2;
	v3 =	vadd.f32 v5, v3  }
0x522: {  	v5 =	vld.idx.msk [tilespmem:v61+s24+$0x0], $0xffff  }
0x523: {  	v3 =	vadd.f32 v4, v3  }
0x524: {  	v4 =	vld.idx.msk [tilespmem:v62+s24+$0x0], $0xffff  }
0x525: {  	v3 =	vadd.f32 v63, v3  }
0x526: {  	v2 =	vld.idx.msk [tilespmem:v2+s24+$0x0], $0xffff  }
0x527: {  	v3 =	vadd.f32 v5, v3;
	_ =	sdelay $0x1  }
0x528: {  	v3 =	vadd.f32 v4, v3;
	_ =	sdelay $0x1  }
0x529: {  	v2 =	vadd.f32 v2, v3;
	_ =	sdelay $0x1  }
0x52a: {  	v3 =	vshrl.u32 v2, $0x1  }
0x52b: {  	v3 =	vadd.s32 $0x1FBD1DF5, v3  }
0x52c: {  	(erf) = vrcp.f32 v3;
	_ =	sdelay $0x8  }
0x52d: {  	v4 =	vpop (erf)  }
0x52e: {  	v4 =	vmul.f32 v4, v2;
	_ =	sdelay $0x1  }
0x52f: {  	v3 =	vadd.f32 v3, v4;
	_ =	sdelay $0x1  }
0x530: {  	v3 =	vmul.f32 $5.000000000e-01, v3;
	_ =	sdelay $0x1  }
0x531: {  	(erf) = vrcp.f32 v3;
	_ =	sdelay $0x8  }
0x532: {  	v4 =	vpop (erf)  }
0x533: {  	v4 =	vmul.f32 v4, v2;
	_ =	sdelay $0x1  }
0x534: {  	v3 =	vadd.f32 v4, v3;
	_ =	sdelay $0x1  }
0x535: {  	v3 =	vmul.f32 $5.000000000e-01, v3;
	_ =	sdelay $0x1  }
0x536: {  	(erf) = vrcp.f32 v3;
	_ =	sdelay $0x8  }
0x537: {  	v4 =	vpop (erf)  }
0x538: {  	v2 =	vmul.f32 v4, v2;
	_ =	sdelay $0x1  }
0x539: {  	s31 =	simm.s32 $0x10;
	v3 =	vadd.f32 v2, v3  }
0x53a: {  	v2 =	vor.u32 s31, v0;
	s31 =	simm.s32 $0x20  }
.LBB2_16:
0x53b: {  	p0 =	sne.s32 s31, $0x30;
	v4 =	vshll.u32 v2, $0x7;
	v3 =	vmul.f32 $5.000000000e-01, v3;
	_ =	sdelay $0x1  }
0x53c: {  	v5 =	vor.u32 $0x1, v4;
	v3 =	vsub.f32 $0.0e+00, v3;
	_ =	sdelay $0x1  }
0x53d: {  	v6 =	vor.u32 $0x2, v4;
	[tilespmem:v1+s3+$0x0] =	vst.idx.msk $0xffff, v3;
	v1 =	vmov v2  }
0x53e: {  	v2 =	vld.idx.msk [tilespmem:v4+s24+$0x0], $0xffff  }
0x53f: {  	v3 =	vor.u32 $0x3, v4  }
0x540: {  	v5 =	vld.idx.msk [tilespmem:v5+s24+$0x0], $0xffff  }
0x541: {  	v7 =	vor.u32 $0x4, v4  }
0x542: {  	v6 =	vld.idx.msk [tilespmem:v6+s24+$0x0], $0xffff  }
0x543: {  	v8 =	vor.u32 $0x5, v4  }
0x544: {  	v2 =	vadd.f32 $0.0e+00, v2;
	v3 =	vld.idx.msk [tilespmem:v3+s24+$0x0], $0xffff  }
0x545: {  	v9 =	vor.u32 $0x6, v4  }
0x546: {  	v2 =	vadd.f32 v5, v2;
	v5 =	vld.idx.msk [tilespmem:v7+s24+$0x0], $0xffff  }
0x547: {  	v7 =	vor.u32 $0x7, v4  }
0x548: {  	v2 =	vadd.f32 v6, v2;
	v6 =	vld.idx.msk [tilespmem:v8+s24+$0x0], $0xffff  }
0x549: {  	v8 =	vor.u32 $0x8, v4  }
0x54a: {  	v2 =	vadd.f32 v3, v2;
	v3 =	vld.idx.msk [tilespmem:v9+s24+$0x0], $0xffff  }
0x54b: {  	v9 =	vor.u32 $0x9, v4  }
0x54c: {  	v2 =	vadd.f32 v5, v2;
	v5 =	vld.idx.msk [tilespmem:v7+s24+$0x0], $0xffff  }
0x54d: {  	v7 =	vor.u32 $0xA, v4  }
0x54e: {  	v2 =	vadd.f32 v6, v2;
	v6 =	vld.idx.msk [tilespmem:v8+s24+$0x0], $0xffff  }
0x54f: {  	v8 =	vor.u32 $0xB, v4  }
0x550: {  	v2 =	vadd.f32 v3, v2;
	v3 =	vld.idx.msk [tilespmem:v9+s24+$0x0], $0xffff  }
0x551: {  	v9 =	vor.u32 $0xC, v4  }
0x552: {  	v2 =	vadd.f32 v5, v2;
	v5 =	vld.idx.msk [tilespmem:v7+s24+$0x0], $0xffff  }
0x553: {  	v7 =	vor.u32 $0xD, v4  }
0x554: {  	v2 =	vadd.f32 v6, v2;
	v6 =	vld.idx.msk [tilespmem:v8+s24+$0x0], $0xffff  }
0x555: {  	v8 =	vor.u32 $0xE, v4  }
0x556: {  	v2 =	vadd.f32 v3, v2;
	v3 =	vld.idx.msk [tilespmem:v9+s24+$0x0], $0xffff  }
0x557: {  	v4 =	vor.u32 $0xF, v4  }
0x558: {  	v2 =	vadd.f32 v5, v2;
	v5 =	vld.idx.msk [tilespmem:v7+s24+$0x0], $0xffff;
	_ =	sdelay $0x1  }
0x559: {  	v2 =	vadd.f32 v6, v2;
	v6 =	vld.idx.msk [tilespmem:v8+s24+$0x0], $0xffff;
	_ =	sdelay $0x1  }
0x55a: {  	v2 =	vadd.f32 v3, v2;
	v3 =	vld.idx.msk [tilespmem:v4+s24+$0x0], $0xffff;
	_ =	sdelay $0x1  }
0x55b: {  	v2 =	vadd.f32 v5, v2;
	_ =	sdelay $0x1  }
0x55c: {  	v2 =	vadd.f32 v6, v2;
	_ =	sdelay $0x1  }
0x55d: {  	v2 =	vadd.f32 v3, v2;
	_ =	sdelay $0x1  }
0x55e: {  	v3 =	vshrl.u32 v2, $0x1  }
0x55f: {  	v3 =	vadd.s32 $0x1FBD1DF5, v3  }
0x560: {  	(erf) = vrcp.f32 v3;
	_ =	sdelay $0x8  }
0x561: {  	v4 =	vpop (erf)  }
0x562: {  	v4 =	vmul.f32 v4, v2;
	_ =	sdelay $0x1  }
0x563: {  	v3 =	vadd.f32 v3, v4;
	_ =	sdelay $0x1  }
0x564: {  	v3 =	vmul.f32 $5.000000000e-01, v3;
	_ =	sdelay $0x1  }
0x565: {  	(erf) = vrcp.f32 v3;
	_ =	sdelay $0x8  }
0x566: {  	v4 =	vpop (erf)  }
0x567: {  	v4 =	vmul.f32 v4, v2;
	_ =	sdelay $0x1  }
0x568: {  	v3 =	vadd.f32 v4, v3;
	_ =	sdelay $0x1  }
0x569: {  	v3 =	vmul.f32 $5.000000000e-01, v3;
	_ =	sdelay $0x1  }
0x56a: {  	(erf) = vrcp.f32 v3;
	_ =	sdelay $0x8  }
.Ltmp7:
0x56b: {  	v4 =	vpop (erf);
	(pc) =	sbr.rel @p0 .LBB2_16-.Ltmp7, $3  }
0x56c: {  	v2 =	vmul.f32 v4, v2;
	_ =	sdelay $0x1  }
0x56d: {  	v3 =	vadd.f32 v2, v3  }
0x56e: {  	v2 =	vor.u32 s31, v0;
	s31 =	sadd.s32 $0x10, s31  }
0x56f: {  	v4 =	vshll.u32 v2, $0x7;
	v3 =	vmul.f32 $5.000000000e-01, v3;
	_ =	sdelay $0x1  }
0x570: {  	v5 =	vor.u32 $0x1, v4;
	v3 =	vsub.f32 $0.0e+00, v3;
	_ =	sdelay $0x1  }
0x571: {  	v6 =	vor.u32 $0x2, v4;
	[tilespmem:v1+s3+$0x0] =	vst.idx.msk $0xffff, v3  }
0x572: {  	v1 =	vld.idx.msk [tilespmem:v4+s24+$0x0], $0xffff  }
0x573: {  	v3 =	vor.u32 $0x3, v4  }
0x574: {  	v5 =	vld.idx.msk [tilespmem:v5+s24+$0x0], $0xffff  }
0x575: {  	v7 =	vor.u32 $0x4, v4  }
0x576: {  	v6 =	vld.idx.msk [tilespmem:v6+s24+$0x0], $0xffff  }
0x577: {  	v8 =	vor.u32 $0x5, v4;
	v1 =	vadd.f32 $0.0e+00, v1  }
0x578: {  	v3 =	vld.idx.msk [tilespmem:v3+s24+$0x0], $0xffff  }
0x579: {  	v9 =	vor.u32 $0x6, v4;
	v1 =	vadd.f32 v5, v1  }
0x57a: {  	v45 =	vld.idx.msk [tilespmem:v7+s24+$0x0], $0xffff  }
0x57b: {  	v46 =	vor.u32 $0x7, v4;
	v1 =	vadd.f32 v6, v1  }
0x57c: {  	v47 =	vld.idx.msk [tilespmem:v8+s24+$0x0], $0xffff  }
0x57d: {  	v48 =	vor.u32 $0x8, v4;
	v1 =	vadd.f32 v3, v1  }
0x57e: {  	v3 =	vld.idx.msk [tilespmem:v9+s24+$0x0], $0xffff  }
0x57f: {  	v49 =	vor.u32 $0x9, v4;
	v1 =	vadd.f32 v45, v1  }
0x580: {  	v50 =	vld.idx.msk [tilespmem:v46+s24+$0x0], $0xffff  }
0x581: {  	v51 =	vor.u32 $0xA, v4;
	v1 =	vadd.f32 v47, v1  }
0x582: {  	v52 =	vld.idx.msk [tilespmem:v48+s24+$0x0], $0xffff  }
0x583: {  	v53 =	vor.u32 $0xB, v4;
	v1 =	vadd.f32 v3, v1  }
0x584: {  	v3 =	vld.idx.msk [tilespmem:v49+s24+$0x0], $0xffff  }
0x585: {  	v54 =	vor.u32 $0xC, v4;
	v1 =	vadd.f32 v50, v1  }
0x586: {  	v55 =	vld.idx.msk [tilespmem:v51+s24+$0x0], $0xffff  }
0x587: {  	v56 =	vor.u32 $0xD, v4;
	v1 =	vadd.f32 v52, v1  }
0x588: {  	v57 =	vld.idx.msk [tilespmem:v53+s24+$0x0], $0xffff  }
0x589: {  	v58 =	vor.u32 $0xE, v4;
	v1 =	vadd.f32 v3, v1  }
0x58a: {  	v3 =	vld.idx.msk [tilespmem:v54+s24+$0x0], $0xffff  }
0x58b: {  	v4 =	vor.u32 $0xF, v4;
	v1 =	vadd.f32 v55, v1  }
0x58c: {  	v59 =	vld.idx.msk [tilespmem:v56+s24+$0x0], $0xffff  }
0x58d: {  	v1 =	vadd.f32 v57, v1  }
0x58e: {  	v60 =	vld.idx.msk [tilespmem:v58+s24+$0x0], $0xffff  }
0x58f: {  	v1 =	vadd.f32 v3, v1  }
0x590: {  	v3 =	vld.idx.msk [tilespmem:v4+s24+$0x0], $0xffff  }
0x591: {  	v1 =	vadd.f32 v59, v1;
	_ =	sdelay $0x1  }
0x592: {  	v1 =	vadd.f32 v60, v1;
	_ =	sdelay $0x1  }
0x593: {  	v1 =	vadd.f32 v3, v1;
	_ =	sdelay $0x1  }
0x594: {  	v3 =	vshrl.u32 v1, $0x1  }
0x595: {  	v3 =	vadd.s32 $0x1FBD1DF5, v3  }
0x596: {  	(erf) = vrcp.f32 v3;
	_ =	sdelay $0x8  }
0x597: {  	v61 =	vpop (erf)  }
0x598: {  	v4 =	vmul.f32 v61, v1;
	_ =	sdelay $0x1  }
0x599: {  	v3 =	vadd.f32 v3, v4;
	_ =	sdelay $0x1  }
0x59a: {  	v3 =	vmul.f32 $5.000000000e-01, v3;
	_ =	sdelay $0x1  }
0x59b: {  	(erf) = vrcp.f32 v3;
	_ =	sdelay $0x8  }
0x59c: {  	v62 =	vpop (erf)  }
0x59d: {  	v4 =	vmul.f32 v62, v1;
	_ =	sdelay $0x1  }
0x59e: {  	v3 =	vadd.f32 v4, v3;
	_ =	sdelay $0x1  }
0x59f: {  	v3 =	vmul.f32 $5.000000000e-01, v3;
	_ =	sdelay $0x1  }
0x5a0: {  	(erf) = vrcp.f32 v3;
	_ =	sdelay $0x8  }
0x5a1: {  	v63 =	vpop (erf)  }
0x5a2: {  	v1 =	vmul.f32 v63, v1;
	_ =	sdelay $0x1  }
0x5a3: {  	v1 =	vadd.f32 v1, v3;
	_ =	sdelay $0x1  }
0x5a4: {  	v1 =	vmul.f32 $5.000000000e-01, v1;
	_ =	sdelay $0x1  }
0x5a5: {  	s25 =	sadd.s32 $0x1, s25;
	v1 =	vsub.f32 $0.0e+00, v1  }
0x5a6: {  	p0 =	sne.s32 s25, s16  }
.Ltmp8:
0x5a7: {  	[tilespmem:v2+s3+$0x0] =	vst.idx.msk $0xffff, v1;
	(pc) =	sbr.rel @p0 .LBB2_1-.Ltmp8, $4  }
0x5a8: {  	[hbm4b:s15+s4] =	stream.linear.scatter [tilespmem:s3], [sflag:$0x5], $0x40, $0x38;
	[tilespmem:$0x12680] =	vst v63  }
0x5a9: {  	_ =	swait.ge [sflag:s28], $0x40  }
0x5aa: {  	[sflag:s28] =	ssyncset.done $0x0  }
0x5ab: {  	[sflag:s28] =	ssyncadd.s32 $0xFFFFFFC0  }
0x5ac: {  	_ =	sfence.sel $0x180000  }
0x5ad: {  	[bflag:$0x0] =	sbarrier.arrive $0xFFFF  }
0x5ae: {  	_ =	strace $0x90000047  }
0x5af: {  	s0 =	stileid.u32;
	[bflag:$0x2] =	sbarrier.arrive $0xFFFF  }
0x5b0: {  	p0 =	sne.s32 s0, $0x0;
	s0 =	rddreg [dreg:$0x4]  }
0x5b1: {  	s0 =	sadd.s32 @!p0 $0x100000, s0  }
0x5b2: {  	[sflag:s0] =	ssyncadd.tile.s32 @!p0 $0x1;
	_ =	shalt  }
.Lfunc_end2:
_tile_overlayer_lowered:
.L_overlay_start_2:
0x5b3: {  	(tag) =	ssettag $0x2  }
0x5b4: {  	s0 =	rddreg [dreg:$0x0];
	s2 =	stileid.u32  }
0x5b5: {  	s1 =	rddreg [dreg:$0x1];
	p0 =	sne.s32 s2, $0x0  }
0x5b6: {  	s3 =	rddreg [dreg:$0x2];
	[bflag:$0x3] =	sbarrier.arrive $0xFFFF;
	s2 =	simm.s32 @!p0 $0x1C05  }
0x5b7: {  	[timem:s3], [sflag:s2] =	dma.local @!p0 [hbm:s0], s1  }
0x5b8: {  	s0 =	simm.s32 @!p0 $0x5  }
0x5b9: {  	_ =	swait.ge @!p0 [sflag:s0], s1  }
0x5ba: {  	s1 =	ssub.s32 @!p0 $0x0, s1;
	[sflag:s0] =	ssyncset.done @!p0 $0x0  }
0x5bb: {  	[sflag:s0] =	ssyncadd.s32 @!p0 s1  }
0x5bc: {  	[bflag:$0x3] =	sbarrier.arrive $0xFFFF  }
0x5bd: {  	_ =	shalt  }

</sc_bundles>
